<compile_context>
chip_gen: v7x
topology: tpu7x:2x2x1
jax: 0.10.2.dev20260603
libtpu: 0.0.44.dev20260713+nightly
codegen_flags: <defaults>
</compile_context>

<pallas_src>
import functools

import jax
import jax.numpy as jnp
from jax import lax
from jax.experimental import pallas as pl
from jax.experimental.pallas import tpu as pltpu
from jax.experimental.pallas import tpu_sc as plsc

_NC = 2
_NS = 16
_NW = _NC * _NS
_C = 80
_NBUF = 5


def _make_deg_kernel(NP, KC):
    TR = NP // _NS
    mesh = plsc.VectorSubcoreMesh(core_axis_name="c", subcore_axis_name="s")

    @functools.partial(
        pl.kernel,
        out_type=jax.ShapeDtypeStruct((_NC * NP,), jnp.float32),
        mesh=mesh,
        scratch_types=[
            pltpu.VMEM((KC, _C), jnp.int32),
            pltpu.VMEM((_C,), jnp.float32),
            pltpu.VMEM((TR,), jnp.float32),
            pltpu.VMEM_SHARED((NP,), jnp.float32),
            pltpu.SemaphoreType.DMA,
        ],
        compiler_params=pltpu.CompilerParams(use_tc_tiling_on_sc=False),
    )
    def deg_kernel(dst_hbm, ones_hbm, zrow_hbm, out_hbm, dst_v, ones_v, buf_v,
                   acc_sh, ssem):
        c = lax.axis_index("c")
        s = lax.axis_index("s")
        wid = s * _NC + c
        pltpu.sync_copy(zrow_hbm, buf_v)
        pltpu.sync_copy(buf_v, acc_sh.at[pl.ds(s * TR, TR)])
        pltpu.sync_copy(ones_hbm, ones_v)
        pltpu.sync_copy(dst_hbm.at[wid], dst_v)
        plsc.subcore_barrier()

        def fire(j, carry):
            pltpu.async_copy(ones_v, acc_sh.at[dst_v.at[j]], ssem, add=True)
            pltpu.make_async_copy(ones_v, acc_sh.at[dst_v.at[j]], ssem).wait()
            return carry

        lax.fori_loop(0, KC, fire, 0)
        plsc.subcore_barrier()
        pltpu.sync_copy(acc_sh.at[pl.ds(s * TR, TR)], buf_v)
        pltpu.sync_copy(buf_v, out_hbm.at[pl.ds(c * NP + s * TR, TR)])

    return deg_kernel


def _make_prop_kernel(NP, KC, H):
    TR = NP // _NS
    G = KC // _NBUF
    RING = _NBUF
    mesh = plsc.VectorSubcoreMesh(core_axis_name="c", subcore_axis_name="s")

    @functools.partial(
        pl.kernel,
        out_type=jax.ShapeDtypeStruct((_NC, NP, H), jnp.float32),
        mesh=mesh,
        scratch_types=[
            pltpu.VMEM((KC, _C), jnp.int32),
            pltpu.VMEM((KC, _C), jnp.int32),
            pltpu.VMEM((RING, _C, H), jnp.float32),
            pltpu.VMEM((TR, H), jnp.float32),
            pltpu.VMEM_SHARED((NP, H), jnp.float32),
            pltpu.SemaphoreType.DMA((RING,)),
            pltpu.SemaphoreType.DMA((RING,)),
        ],
        compiler_params=pltpu.CompilerParams(use_tc_tiling_on_sc=False),
    )
    def prop_kernel(tbl_hbm, src_hbm, dst_hbm, ztile_hbm, out_hbm,
                    src_v, dst_v, rows_v, buf_v, acc_sh, gsem, ssem):
        c = lax.axis_index("c")
        s = lax.axis_index("s")
        wid = s * _NC + c
        pltpu.sync_copy(ztile_hbm, buf_v)
        pltpu.sync_copy(buf_v, acc_sh.at[pl.ds(s * TR, TR)])
        pltpu.sync_copy(src_hbm.at[wid], src_v)
        pltpu.sync_copy(dst_hbm.at[wid], dst_v)
        plsc.subcore_barrier()

        for b in range(_NBUF):
            pltpu.async_copy(tbl_hbm.at[src_v.at[b]], rows_v.at[b], gsem.at[b])

        def body(g, carry):
            for b in range(_NBUF):
                j = g * _NBUF + b
                pltpu.make_async_copy(
                    tbl_hbm.at[src_v.at[j]], rows_v.at[b], gsem.at[b]).wait()
                pltpu.async_copy(
                    rows_v.at[b], acc_sh.at[dst_v.at[j]], ssem.at[b], add=True)

                @pl.when(g < G - 1)
                def _():
                    pltpu.make_async_copy(
                        rows_v.at[b], acc_sh.at[dst_v.at[j]], ssem.at[b]).wait()
                    pltpu.async_copy(
                        tbl_hbm.at[src_v.at[j + _NBUF]], rows_v.at[b], gsem.at[b])
            return carry

        lax.fori_loop(0, G, body, 0)
        for b in range(_NBUF):
            j = KC - _NBUF + b
            pltpu.make_async_copy(
                rows_v.at[b], acc_sh.at[dst_v.at[j]], ssem.at[b]).wait()
        plsc.subcore_barrier()
        pltpu.sync_copy(acc_sh.at[pl.ds(s * TR, TR)], buf_v)
        pltpu.sync_copy(buf_v, out_hbm.at[c, pl.ds(s * TR, TR)])

    return prop_kernel


def _mm1_body(NP, feat_ref, mask_ref, w1_ref, deg_ref, dinv_ref, p1_ref):
    n = feat_ref.shape[0]
    deg = deg_ref[:n] + deg_ref[NP:NP + n]
    dinv = lax.rsqrt(deg + 1.0)
    dinv_ref[...] = dinv
    m = jnp.reshape(mask_ref[...] * dinv, (n, 1))
    p1_ref[...] = jnp.dot(feat_ref[...], w1_ref[...],
                          preferred_element_type=jnp.float32,
                          precision=lax.Precision.HIGHEST) * m


def _layer_body(parts_ref, p1_ref, dinv_ref, b1_ref, w2_ref, q_ref):
    n = p1_ref.shape[0]
    dcol = jnp.reshape(dinv_ref[...], (n, 1))
    agg = (parts_ref[0, :n] + parts_ref[1, :n] + p1_ref[...]) * dcol
    h1 = jnp.maximum(agg + b1_ref[...], 0.0)
    q_ref[...] = jnp.dot(h1, w2_ref[...], preferred_element_type=jnp.float32,
                         precision=lax.Precision.HIGHEST) * dcol


def _final_body(parts_ref, q_ref, dinv_ref, b2_ref, wd_ref, bd_ref, out_ref):
    n = q_ref.shape[0]
    dcol = jnp.reshape(dinv_ref[...], (n, 1))
    agg = (parts_ref[0, :n] + parts_ref[1, :n] + q_ref[...]) * dcol
    h2 = jnp.maximum(agg + b2_ref[...], 0.0)
    pooled = jnp.sum(h2, axis=0, keepdims=True)
    out_ref[...] = jnp.dot(pooled, wd_ref[...], preferred_element_type=jnp.float32,
                           precision=lax.Precision.HIGHEST) + bd_ref[...]


def kernel(x, edge_index, W1, b1, W2, b2, Wd, bd):
    n = x.shape[0]
    d = W1.shape[0]
    H = W1.shape[1]
    e = edge_index.shape[1]

    NP = -(-n // 128) * 128
    EPT = -(-e // _NW)
    KC = -(-(-(-EPT // _C)) // _NBUF) * _NBUF
    EPTP = KC * _C

    ei = edge_index.astype(jnp.int32)
    if _NW * EPT != e:
        pad = jnp.concatenate([jnp.zeros((1, _NW * EPT - e), jnp.int32),
                               jnp.full((1, _NW * EPT - e), n, jnp.int32)])
        ei = jnp.concatenate([ei, pad], axis=1)
    ei3 = ei.reshape(2, _NW, EPT)
    if EPTP != EPT:
        ntrash = NP - n
        j = jnp.arange(EPTP - EPT, dtype=jnp.int32)[None, :]
        w = jnp.arange(_NW, dtype=jnp.int32)[:, None]
        dpad = n + (j + w * 7) % ntrash
        padt = jnp.stack([jnp.zeros((_NW, EPTP - EPT), jnp.int32), dpad])
        ei3 = jnp.concatenate([ei3, padt], axis=2)
    src3 = ei3[0].reshape(_NW, KC, _C)
    dst3 = ei3[1].reshape(_NW, KC, _C)

    ones_c = jnp.ones((_C,), jnp.float32)
    zrow = jnp.zeros((NP // _NS,), jnp.float32)
    ztile = jnp.zeros((NP // _NS, H), jnp.float32)

    deg_kernel = _make_deg_kernel(NP, KC)
    prop_kernel = _make_prop_kernel(NP, KC, H)

    deg1d = deg_kernel(dst3, ones_c, zrow)
    feat = x[:, :d]
    mask = x[:, d]

    dinv, p1 = pl.pallas_call(
        functools.partial(_mm1_body, NP),
        out_shape=(jax.ShapeDtypeStruct((n,), jnp.float32),
                   jax.ShapeDtypeStruct((n, H), jnp.float32)),
    )(feat, mask, W1, deg1d)

    parts1 = prop_kernel(p1, src3, dst3, ztile)

    q = pl.pallas_call(
        _layer_body,
        out_shape=jax.ShapeDtypeStruct((n, H), jnp.float32),
    )(parts1, p1, dinv, b1, W2)

    parts2 = prop_kernel(q, src3, dst3, ztile)

    out = pl.pallas_call(
        _final_body,
        out_shape=jax.ShapeDtypeStruct((1, 1), jnp.float32),
    )(parts2, q, dinv, b2, Wd, bd.reshape(1, 1))

    return out

# --- scband reference (transcript-rebuilt; emitter-appended) ---
"""Pipeline reference for scband-net-44272522887674 (READ-ONLY COPY).

The authoritative reference and input builder live on the scoring server;
editing this copy changes nothing except your own understanding.
"""

import jax, jax.numpy as jnp
import numpy as np

N_NODES = 10000
D_FEAT = 128
N_EDGES = 320000
HIDDEN = 32

def setup_inputs(seed: int = 0) -> dict:
    key = jax.random.key(seed)
    k1, k2, k3, k4, k5, k6, k7, k8 = jax.random.split(key, 8)
    x = jax.random.uniform(k1, (N_NODES, D_FEAT + 1), dtype=jnp.float32)
    edge_index = jax.random.randint(k2, (2, N_EDGES), 0, N_NODES, dtype=jnp.int64)
    s1 = float(np.sqrt(2.0 / (D_FEAT + HIDDEN)))
    s2 = float(np.sqrt(2.0 / (HIDDEN + HIDDEN)))
    s3 = float(np.sqrt(2.0 / (HIDDEN + 1)))
    W1 = jax.random.normal(k3, (D_FEAT, HIDDEN), dtype=jnp.float32) * s1
    b1 = jnp.zeros((HIDDEN,), dtype=jnp.float32)
    W2 = jax.random.normal(k4, (HIDDEN, HIDDEN), dtype=jnp.float32) * s2
    b2 = jnp.zeros((HIDDEN,), dtype=jnp.float32)
    Wd = jax.random.normal(k5, (HIDDEN, 1), dtype=jnp.float32) * s3
    bd = jnp.zeros((1,), dtype=jnp.float32)
    return {"x": x, "edge_index": edge_index, "W1": W1, "b1": b1, "W2": W2, "b2": b2, "Wd": Wd, "bd": bd}

def _gcn_propagate(h, src, dst, norm, n_nodes):
    msgs = h[src] * norm[:, None]
    return jax.ops.segment_sum(msgs, dst, num_segments=n_nodes)

def reference(x, edge_index, W1, b1, W2, b2, Wd, bd):
    n = x.shape[0]
    # GraphMasking: last feature column is a binary node mask; strip and apply
    mask = x[:, -1:]
    h = x[:, :-1] * mask
    # GCN filter: add self loops, symmetric degree normalization (gcn_filter preprocessing)
    loop = jnp.arange(n, dtype=edge_index.dtype)
    src = jnp.concatenate([edge_index[0], loop])
    dst = jnp.concatenate([edge_index[1], loop])
    ones = jnp.ones(src.shape[0], dtype=jnp.float32)
    deg = jax.ops.segment_sum(ones, dst, num_segments=n)
    d_inv_sqrt = jax.lax.rsqrt(jnp.maximum(deg, 1e-12))
    norm = d_inv_sqrt[src] * d_inv_sqrt[dst]
    # GCNConv 1: A_hat @ h @ W1 + b1, relu
    agg1 = _gcn_propagate(h, src, dst, norm, n)
    h1 = jax.nn.relu(agg1 @ W1 + b1)
    # GCNConv 2
    agg2 = _gcn_propagate(h1, src, dst, norm, n)
    h2 = jax.nn.relu(agg2 @ W2 + b2)
    # GlobalSumPool over nodes -> [1, HIDDEN]
    pooled = jnp.sum(h2, axis=0, keepdims=True)
    # Dense(1)
    out = pooled @ Wd + bd
    return out

if __name__ == "__main__":
    import jax
    _d = setup_inputs()
    print(jax.jit(kernel)(*tuple(_d.values())))

</pallas_src>

<mosaic_0001>
#map = affine_map<(d0, d1) -> (0, 0, 0)>
#map1 = affine_map<(d0, d1) -> (0)>
module attributes {stable_mosaic.version = 14 : i64} {
  func.func @deg_kernel(%arg0: i32, %arg1: i32, %arg2: memref<32x125x80xi32, #tpu.memory_space<hbm>>, %arg3: memref<80xf32, #tpu.memory_space<hbm>>, %arg4: memref<632xf32, #tpu.memory_space<hbm>>, %arg5: memref<20224xf32, #tpu.memory_space<hbm>>, %arg6: memref<125x80xi32, #tpu.memory_space<vmem>>, %arg7: memref<80xf32, #tpu.memory_space<vmem>>, %arg8: memref<632xf32, #tpu.memory_space<vmem>>, %arg9: memref<10112xf32, #tpu.memory_space<vmem_shared>>, %arg10: memref<!tpu.dma_semaphore, #tpu.memory_space<semaphore_mem>>) attributes {dimension_semantics = [#tpu.dimension_semantics<core_parallel>, #tpu.dimension_semantics<subcore_parallel>], iteration_bounds = array<i64: 2, 16>, scalar_prefetch = 0 : i64, scratch_operands = 5 : i64, tpu.core_type = #tpu.core_type<sc_vector_subcore>, window_params = [{transform_indices = #map}, {transform_indices = #map1}, {transform_indices = #map1}, {transform_indices = #map1}]} {
    %mul3A = arith.constant 2 : i32
    %mul3A_0 = arith.muli %arg1, %mul3A : i32
    %add3A = arith.addi %mul3A_0, %arg0 : i32
    "tpu.region"() ({
      %run_scoped3A = tpu.sem_alloc : memref<!tpu.dma_semaphore, #tpu.memory_space<semaphore_mem>>
      tpu.enqueue_dma source(%arg4 : memref<632xf32, #tpu.memory_space<hbm>>) target(%arg8 : memref<632xf32, #tpu.memory_space<vmem>>) target_semaphore(%run_scoped3A : memref<!tpu.dma_semaphore, #tpu.memory_space<semaphore_mem>>)
      tpu.wait_dma2 semaphore(%run_scoped3A : memref<!tpu.dma_semaphore, #tpu.memory_space<semaphore_mem>>) src(%arg4 : memref<632xf32, #tpu.memory_space<hbm>>) dst(%arg8 : memref<632xf32, #tpu.memory_space<vmem>>)
      tpu.yield
    }) : () -> ()
    %mul3A_1 = arith.constant 632 : i32
    %mul3A_2 = arith.muli %arg1, %mul3A_1 : i32
    "tpu.region"() ({
      %run_scoped3A = tpu.sem_alloc : memref<!tpu.dma_semaphore, #tpu.memory_space<semaphore_mem>>
      %dma_start3A = tpu.memref_slice %arg9[%mul3A_2] : memref<10112xf32, #tpu.memory_space<vmem_shared>> -> memref<632xf32, #tpu.memory_space<vmem_shared>>
      %dma_start3A_16 = tpu.memref_slice %arg9[%mul3A_2] : memref<10112xf32, #tpu.memory_space<vmem_shared>> -> memref<632xf32, #tpu.memory_space<vmem_shared>>
      tpu.enqueue_dma source(%arg8 : memref<632xf32, #tpu.memory_space<vmem>>) target(%dma_start3A_16 : memref<632xf32, #tpu.memory_space<vmem_shared>>) target_semaphore(%run_scoped3A : memref<!tpu.dma_semaphore, #tpu.memory_space<semaphore_mem>>)
      %dma_wait3A = tpu.memref_slice %arg9[%mul3A_2] : memref<10112xf32, #tpu.memory_space<vmem_shared>> -> memref<632xf32, #tpu.memory_space<vmem_shared>>
      %dma_wait3A_17 = tpu.memref_slice %arg9[%mul3A_2] : memref<10112xf32, #tpu.memory_space<vmem_shared>> -> memref<632xf32, #tpu.memory_space<vmem_shared>>
      tpu.wait_dma2 semaphore(%run_scoped3A : memref<!tpu.dma_semaphore, #tpu.memory_space<semaphore_mem>>) src(%arg8 : memref<632xf32, #tpu.memory_space<vmem>>) dst(%dma_wait3A_17 : memref<632xf32, #tpu.memory_space<vmem_shared>>)
      tpu.yield
    }) : () -> ()
    "tpu.region"() ({
      %run_scoped3A = tpu.sem_alloc : memref<!tpu.dma_semaphore, #tpu.memory_space<semaphore_mem>>
      tpu.enqueue_dma source(%arg3 : memref<80xf32, #tpu.memory_space<hbm>>) target(%arg7 : memref<80xf32, #tpu.memory_space<vmem>>) target_semaphore(%run_scoped3A : memref<!tpu.dma_semaphore, #tpu.memory_space<semaphore_mem>>)
      tpu.wait_dma2 semaphore(%run_scoped3A : memref<!tpu.dma_semaphore, #tpu.memory_space<semaphore_mem>>) src(%arg3 : memref<80xf32, #tpu.memory_space<hbm>>) dst(%arg7 : memref<80xf32, #tpu.memory_space<vmem>>)
      tpu.yield
    }) : () -> ()
    "tpu.region"() ({
      %run_scoped3A = tpu.sem_alloc : memref<!tpu.dma_semaphore, #tpu.memory_space<semaphore_mem>>
      %dma_start3A = arith.constant 0 : i32
      %dma_start3A_16 = arith.constant 0 : i32
      %dma_start3A_17 = tpu.memref_slice %arg2[%add3A, %dma_start3A, %dma_start3A_16] : memref<32x125x80xi32, #tpu.memory_space<hbm>> -> memref<1x125x80xi32, #tpu.memory_space<hbm>>
      %dma_start3A_18 = tpu.memref_squeeze %dma_start3A_17 : memref<1x125x80xi32, #tpu.memory_space<hbm>> -> memref<125x80xi32, #tpu.memory_space<hbm>>
      %dma_start3A_19 = arith.constant 0 : i32
      %dma_start3A_20 = arith.constant 0 : i32
      %dma_start3A_21 = tpu.memref_slice %arg2[%add3A, %dma_start3A_19, %dma_start3A_20] : memref<32x125x80xi32, #tpu.memory_space<hbm>> -> memref<1x125x80xi32, #tpu.memory_space<hbm>>
      %dma_start3A_22 = tpu.memref_squeeze %dma_start3A_21 : memref<1x125x80xi32, #tpu.memory_space<hbm>> -> memref<125x80xi32, #tpu.memory_space<hbm>>
      tpu.enqueue_dma source(%dma_start3A_22 : memref<125x80xi32, #tpu.memory_space<hbm>>) target(%arg6 : memref<125x80xi32, #tpu.memory_space<vmem>>) target_semaphore(%run_scoped3A : memref<!tpu.dma_semaphore, #tpu.memory_space<semaphore_mem>>)
      %dma_wait3A = arith.constant 0 : i32
      %dma_wait3A_23 = arith.constant 0 : i32
      %dma_wait3A_24 = tpu.memref_slice %arg2[%add3A, %dma_wait3A, %dma_wait3A_23] : memref<32x125x80xi32, #tpu.memory_space<hbm>> -> memref<1x125x80xi32, #tpu.memory_space<hbm>>
      %dma_wait3A_25 = tpu.memref_squeeze %dma_wait3A_24 : memref<1x125x80xi32, #tpu.memory_space<hbm>> -> memref<125x80xi32, #tpu.memory_space<hbm>>
      %dma_wait3A_26 = arith.constant 0 : i32
      %dma_wait3A_27 = arith.constant 0 : i32
      %dma_wait3A_28 = tpu.memref_slice %arg2[%add3A, %dma_wait3A_26, %dma_wait3A_27] : memref<32x125x80xi32, #tpu.memory_space<hbm>> -> memref<1x125x80xi32, #tpu.memory_space<hbm>>
      %dma_wait3A_29 = tpu.memref_squeeze %dma_wait3A_28 : memref<1x125x80xi32, #tpu.memory_space<hbm>> -> memref<125x80xi32, #tpu.memory_space<hbm>>
      tpu.wait_dma2 semaphore(%run_scoped3A : memref<!tpu.dma_semaphore, #tpu.memory_space<semaphore_mem>>) src(%dma_wait3A_29 : memref<125x80xi32, #tpu.memory_space<hbm>>) dst(%arg6 : memref<125x80xi32, #tpu.memory_space<vmem>>)
      tpu.yield
    }) : () -> ()
    %barrier3A = arith.constant 0 : index
    tpu.barrier barrier_id(%barrier3A)
    %scan3A = arith.constant 0 : i32
    %scan3A_3 = arith.constant 0 : i32
    %scan3A_4 = arith.constant 125 : i32
    %scan3A_5 = arith.addi %scan3A_3, %scan3A_4 : i32
    %scan3A_6 = arith.constant 1 : i32
    scf.for %scan3A_16 = %scan3A_3 to %scan3A_5 step %scan3A_6  : i32 {
      %dma_start3A = arith.constant 0 : i32
      %dma_start3A_17 = tpu.memref_slice %arg6[%scan3A_16, %dma_start3A] : memref<125x80xi32, #tpu.memory_space<vmem>> -> memref<1x80xi32, #tpu.memory_space<vmem>>
      %dma_start3A_18 = tpu.memref_squeeze %dma_start3A_17 : memref<1x80xi32, #tpu.memory_space<vmem>> -> memref<80xi32, #tpu.memory_space<vmem>>
      %dma_start3A_19 = arith.constant 0 : i32
      %dma_start3A_20 = tpu.memref_slice %arg9[%dma_start3A_19] : memref<10112xf32, #tpu.memory_space<vmem_shared>> -> memref<10112xf32, #tpu.memory_space<vmem_shared>>
      tpu.enqueue_indirect_dma source(%arg7 : memref<80xf32, #tpu.memory_space<vmem>>) target(%dma_start3A_20 : memref<10112xf32, #tpu.memory_space<vmem_shared>>) offsets(%dma_start3A_18 : memref<80xi32, #tpu.memory_space<vmem>>) semaphore(%arg10 : memref<!tpu.dma_semaphore, #tpu.memory_space<semaphore_mem>>) {add = true}
      %dma_wait3A = arith.constant 0 : i32
      %dma_wait3A_21 = tpu.memref_slice %arg6[%scan3A_16, %dma_wait3A] : memref<125x80xi32, #tpu.memory_space<vmem>> -> memref<1x80xi32, #tpu.memory_space<vmem>>
      %dma_wait3A_22 = tpu.memref_squeeze %dma_wait3A_21 : memref<1x80xi32, #tpu.memory_space<vmem>> -> memref<80xi32, #tpu.memory_space<vmem>>
      %dma_wait3A_23 = arith.constant 0 : i32
      %dma_wait3A_24 = tpu.memref_slice %arg9[%dma_wait3A_23] : memref<10112xf32, #tpu.memory_space<vmem_shared>> -> memref<10112xf32, #tpu.memory_space<vmem_shared>>
      tpu.wait_indirect_dma semaphore(%arg10 : memref<!tpu.dma_semaphore, #tpu.memory_space<semaphore_mem>>) src(%arg7 : memref<80xf32, #tpu.memory_space<vmem>>) dst(%dma_wait3A_24 : memref<10112xf32, #tpu.memory_space<vmem_shared>>)
    }
    %scan3A_7 = arith.constant 125 : i32
    %barrier3A_8 = arith.constant 0 : index
    tpu.barrier barrier_id(%barrier3A_8)
    %mul3A_9 = arith.constant 632 : i32
    %mul3A_10 = arith.muli %arg1, %mul3A_9 : i32
    "tpu.region"() ({
      %run_scoped3A = tpu.sem_alloc : memref<!tpu.dma_semaphore, #tpu.memory_space<semaphore_mem>>
      %dma_start3A = tpu.memref_slice %arg9[%mul3A_10] : memref<10112xf32, #tpu.memory_space<vmem_shared>> -> memref<632xf32, #tpu.memory_space<vmem_shared>>
      %dma_start3A_16 = tpu.memref_slice %arg9[%mul3A_10] : memref<10112xf32, #tpu.memory_space<vmem_shared>> -> memref<632xf32, #tpu.memory_space<vmem_shared>>
      tpu.enqueue_dma source(%dma_start3A_16 : memref<632xf32, #tpu.memory_space<vmem_shared>>) target(%arg8 : memref<632xf32, #tpu.memory_space<vmem>>) target_semaphore(%run_scoped3A : memref<!tpu.dma_semaphore, #tpu.memory_space<semaphore_mem>>)
      %dma_wait3A = tpu.memref_slice %arg9[%mul3A_10] : memref<10112xf32, #tpu.memory_space<vmem_shared>> -> memref<632xf32, #tpu.memory_space<vmem_shared>>
      %dma_wait3A_17 = tpu.memref_slice %arg9[%mul3A_10] : memref<10112xf32, #tpu.memory_space<vmem_shared>> -> memref<632xf32, #tpu.memory_space<vmem_shared>>
      tpu.wait_dma2 semaphore(%run_scoped3A : memref<!tpu.dma_semaphore, #tpu.memory_space<semaphore_mem>>) src(%dma_wait3A_17 : memref<632xf32, #tpu.memory_space<vmem_shared>>) dst(%arg8 : memref<632xf32, #tpu.memory_space<vmem>>)
      tpu.yield
    }) : () -> ()
    %mul3A_11 = arith.constant 10112 : i32
    %mul3A_12 = arith.muli %arg0, %mul3A_11 : i32
    %mul3A_13 = arith.constant 632 : i32
    %mul3A_14 = arith.muli %arg1, %mul3A_13 : i32
    %add3A_15 = arith.addi %mul3A_12, %mul3A_14 : i32
    "tpu.region"() ({
      %run_scoped3A = tpu.sem_alloc : memref<!tpu.dma_semaphore, #tpu.memory_space<semaphore_mem>>
      %dma_start3A = tpu.memref_slice %arg5[%add3A_15] : memref<20224xf32, #tpu.memory_space<hbm>> -> memref<632xf32, #tpu.memory_space<hbm>>
      %dma_start3A_16 = tpu.memref_slice %arg5[%add3A_15] : memref<20224xf32, #tpu.memory_space<hbm>> -> memref<632xf32, #tpu.memory_space<hbm>>
      tpu.enqueue_dma source(%arg8 : memref<632xf32, #tpu.memory_space<vmem>>) target(%dma_start3A_16 : memref<632xf32, #tpu.memory_space<hbm>>) target_semaphore(%run_scoped3A : memref<!tpu.dma_semaphore, #tpu.memory_space<semaphore_mem>>)
      %dma_wait3A = tpu.memref_slice %arg5[%add3A_15] : memref<20224xf32, #tpu.memory_space<hbm>> -> memref<632xf32, #tpu.memory_space<hbm>>
      %dma_wait3A_17 = tpu.memref_slice %arg5[%add3A_15] : memref<20224xf32, #tpu.memory_space<hbm>> -> memref<632xf32, #tpu.memory_space<hbm>>
      tpu.wait_dma2 semaphore(%run_scoped3A : memref<!tpu.dma_semaphore, #tpu.memory_space<semaphore_mem>>) src(%arg8 : memref<632xf32, #tpu.memory_space<vmem>>) dst(%dma_wait3A_17 : memref<632xf32, #tpu.memory_space<hbm>>)
      tpu.yield
    }) : () -> ()
    return
  }
}

#map = affine_map<(d0, d1) -> (0, 0)>
#map1 = affine_map<(d0, d1) -> (0, 0, 0)>
module attributes {stable_mosaic.version = 14 : i64} {
  func.func @prop_kernel(%arg0: i32, %arg1: i32, %arg2: memref<10000x32xf32, #tpu.memory_space<hbm>>, %arg3: memref<32x125x80xi32, #tpu.memory_space<hbm>>, %arg4: memref<32x125x80xi32, #tpu.memory_space<hbm>>, %arg5: memref<632x32xf32, #tpu.memory_space<hbm>>, %arg6: memref<2x10112x32xf32, #tpu.memory_space<hbm>>, %arg7: memref<125x80xi32, #tpu.memory_space<vmem>>, %arg8: memref<125x80xi32, #tpu.memory_space<vmem>>, %arg9: memref<5x80x32xf32, #tpu.memory_space<vmem>>, %arg10: memref<632x32xf32, #tpu.memory_space<vmem>>, %arg11: memref<10112x32xf32, #tpu.memory_space<vmem_shared>>, %arg12: memref<5x!tpu.dma_semaphore, #tpu.memory_space<semaphore_mem>>, %arg13: memref<5x!tpu.dma_semaphore, #tpu.memory_space<semaphore_mem>>) attributes {dimension_semantics = [#tpu.dimension_semantics<core_parallel>, #tpu.dimension_semantics<subcore_parallel>], iteration_bounds = array<i64: 2, 16>, scalar_prefetch = 0 : i64, scratch_operands = 7 : i64, tpu.core_type = #tpu.core_type<sc_vector_subcore>, window_params = [{transform_indices = #map}, {transform_indices = #map1}, {transform_indices = #map1}, {transform_indices = #map}, {transform_indices = #map1}]} {
    %mul3A = arith.constant 2 : i32
    %mul3A_0 = arith.muli %arg1, %mul3A : i32
    %add3A = arith.addi %mul3A_0, %arg0 : i32
    "tpu.region"() ({
      %run_scoped3A = tpu.sem_alloc : memref<!tpu.dma_semaphore, #tpu.memory_space<semaphore_mem>>
      tpu.enqueue_dma source(%arg5 : memref<632x32xf32, #tpu.memory_space<hbm>>) target(%arg10 : memref<632x32xf32, #tpu.memory_space<vmem>>) target_semaphore(%run_scoped3A : memref<!tpu.dma_semaphore, #tpu.memory_space<semaphore_mem>>)
      tpu.wait_dma2 semaphore(%run_scoped3A : memref<!tpu.dma_semaphore, #tpu.memory_space<semaphore_mem>>) src(%arg5 : memref<632x32xf32, #tpu.memory_space<hbm>>) dst(%arg10 : memref<632x32xf32, #tpu.memory_space<vmem>>)
      tpu.yield
    }) : () -> ()
    %mul3A_1 = arith.constant 632 : i32
    %mul3A_2 = arith.muli %arg1, %mul3A_1 : i32
    "tpu.region"() ({
      %run_scoped3A = tpu.sem_alloc : memref<!tpu.dma_semaphore, #tpu.memory_space<semaphore_mem>>
      %dma_start3A_161 = arith.constant 0 : i32
      %dma_start3A_162 = tpu.memref_slice %arg11[%mul3A_2, %dma_start3A_161] : memref<10112x32xf32, #tpu.memory_space<vmem_shared>> -> memref<632x32xf32, #tpu.memory_space<vmem_shared>>
      %dma_start3A_163 = arith.constant 0 : i32
      %dma_start3A_164 = tpu.memref_slice %arg11[%mul3A_2, %dma_start3A_163] : memref<10112x32xf32, #tpu.memory_space<vmem_shared>> -> memref<632x32xf32, #tpu.memory_space<vmem_shared>>
      tpu.enqueue_dma source(%arg10 : memref<632x32xf32, #tpu.memory_space<vmem>>) target(%dma_start3A_164 : memref<632x32xf32, #tpu.memory_space<vmem_shared>>) target_semaphore(%run_scoped3A : memref<!tpu.dma_semaphore, #tpu.memory_space<semaphore_mem>>)
      %dma_wait3A_165 = arith.constant 0 : i32
      %dma_wait3A_166 = tpu.memref_slice %arg11[%mul3A_2, %dma_wait3A_165] : memref<10112x32xf32, #tpu.memory_space<vmem_shared>> -> memref<632x32xf32, #tpu.memory_space<vmem_shared>>
      %dma_wait3A_167 = arith.constant 0 : i32
      %dma_wait3A_168 = tpu.memref_slice %arg11[%mul3A_2, %dma_wait3A_167] : memref<10112x32xf32, #tpu.memory_space<vmem_shared>> -> memref<632x32xf32, #tpu.memory_space<vmem_shared>>
      tpu.wait_dma2 semaphore(%run_scoped3A : memref<!tpu.dma_semaphore, #tpu.memory_space<semaphore_mem>>) src(%arg10 : memref<632x32xf32, #tpu.memory_space<vmem>>) dst(%dma_wait3A_168 : memref<632x32xf32, #tpu.memory_space<vmem_shared>>)
      tpu.yield
    }) : () -> ()
    "tpu.region"() ({
      %run_scoped3A = tpu.sem_alloc : memref<!tpu.dma_semaphore, #tpu.memory_space<semaphore_mem>>
      %dma_start3A_161 = arith.constant 0 : i32
      %dma_start3A_162 = arith.constant 0 : i32
      %dma_start3A_163 = tpu.memref_slice %arg3[%add3A, %dma_start3A_161, %dma_start3A_162] : memref<32x125x80xi32, #tpu.memory_space<hbm>> -> memref<1x125x80xi32, #tpu.memory_space<hbm>>
      %dma_start3A_164 = tpu.memref_squeeze %dma_start3A_163 : memref<1x125x80xi32, #tpu.memory_space<hbm>> -> memref<125x80xi32, #tpu.memory_space<hbm>>
      %dma_start3A_165 = arith.constant 0 : i32
      %dma_start3A_166 = arith.constant 0 : i32
      %dma_start3A_167 = tpu.memref_slice %arg3[%add3A, %dma_start3A_165, %dma_start3A_166] : memref<32x125x80xi32, #tpu.memory_space<hbm>> -> memref<1x125x80xi32, #tpu.memory_space<hbm>>
      %dma_start3A_168 = tpu.memref_squeeze %dma_start3A_167 : memref<1x125x80xi32, #tpu.memory_space<hbm>> -> memref<125x80xi32, #tpu.memory_space<hbm>>
      tpu.enqueue_dma source(%dma_start3A_168 : memref<125x80xi32, #tpu.memory_space<hbm>>) target(%arg7 : memref<125x80xi32, #tpu.memory_space<vmem>>) target_semaphore(%run_scoped3A : memref<!tpu.dma_semaphore, #tpu.memory_space<semaphore_mem>>)
      %dma_wait3A_169 = arith.constant 0 : i32
      %dma_wait3A_170 = arith.constant 0 : i32
      %dma_wait3A_171 = tpu.memref_slice %arg3[%add3A, %dma_wait3A_169, %dma_wait3A_170] : memref<32x125x80xi32, #tpu.memory_space<hbm>> -> memref<1x125x80xi32, #tpu.memory_space<hbm>>
      %dma_wait3A_172 = tpu.memref_squeeze %dma_wait3A_171 : memref<1x125x80xi32, #tpu.memory_space<hbm>> -> memref<125x80xi32, #tpu.memory_space<hbm>>
      %dma_wait3A_173 = arith.constant 0 : i32
      %dma_wait3A_174 = arith.constant 0 : i32
      %dma_wait3A_175 = tpu.memref_slice %arg3[%add3A, %dma_wait3A_173, %dma_wait3A_174] : memref<32x125x80xi32, #tpu.memory_space<hbm>> -> memref<1x125x80xi32, #tpu.memory_space<hbm>>
      %dma_wait3A_176 = tpu.memref_squeeze %dma_wait3A_175 : memref<1x125x80xi32, #tpu.memory_space<hbm>> -> memref<125x80xi32, #tpu.memory_space<hbm>>
      tpu.wait_dma2 semaphore(%run_scoped3A : memref<!tpu.dma_semaphore, #tpu.memory_space<semaphore_mem>>) src(%dma_wait3A_176 : memref<125x80xi32, #tpu.memory_space<hbm>>) dst(%arg7 : memref<125x80xi32, #tpu.memory_space<vmem>>)
      tpu.yield
    }) : () -> ()
    "tpu.region"() ({
      %run_scoped3A = tpu.sem_alloc : memref<!tpu.dma_semaphore, #tpu.memory_space<semaphore_mem>>
      %dma_start3A_161 = arith.constant 0 : i32
      %dma_start3A_162 = arith.constant 0 : i32
      %dma_start3A_163 = tpu.memref_slice %arg4[%add3A, %dma_start3A_161, %dma_start3A_162] : memref<32x125x80xi32, #tpu.memory_space<hbm>> -> memref<1x125x80xi32, #tpu.memory_space<hbm>>
      %dma_start3A_164 = tpu.memref_squeeze %dma_start3A_163 : memref<1x125x80xi32, #tpu.memory_space<hbm>> -> memref<125x80xi32, #tpu.memory_space<hbm>>
      %dma_start3A_165 = arith.constant 0 : i32
      %dma_start3A_166 = arith.constant 0 : i32
      %dma_start3A_167 = tpu.memref_slice %arg4[%add3A, %dma_start3A_165, %dma_start3A_166] : memref<32x125x80xi32, #tpu.memory_space<hbm>> -> memref<1x125x80xi32, #tpu.memory_space<hbm>>
      %dma_start3A_168 = tpu.memref_squeeze %dma_start3A_167 : memref<1x125x80xi32, #tpu.memory_space<hbm>> -> memref<125x80xi32, #tpu.memory_space<hbm>>
      tpu.enqueue_dma source(%dma_start3A_168 : memref<125x80xi32, #tpu.memory_space<hbm>>) target(%arg8 : memref<125x80xi32, #tpu.memory_space<vmem>>) target_semaphore(%run_scoped3A : memref<!tpu.dma_semaphore, #tpu.memory_space<semaphore_mem>>)
      %dma_wait3A_169 = arith.constant 0 : i32
      %dma_wait3A_170 = arith.constant 0 : i32
      %dma_wait3A_171 = tpu.memref_slice %arg4[%add3A, %dma_wait3A_169, %dma_wait3A_170] : memref<32x125x80xi32, #tpu.memory_space<hbm>> -> memref<1x125x80xi32, #tpu.memory_space<hbm>>
      %dma_wait3A_172 = tpu.memref_squeeze %dma_wait3A_171 : memref<1x125x80xi32, #tpu.memory_space<hbm>> -> memref<125x80xi32, #tpu.memory_space<hbm>>
      %dma_wait3A_173 = arith.constant 0 : i32
      %dma_wait3A_174 = arith.constant 0 : i32
      %dma_wait3A_175 = tpu.memref_slice %arg4[%add3A, %dma_wait3A_173, %dma_wait3A_174] : memref<32x125x80xi32, #tpu.memory_space<hbm>> -> memref<1x125x80xi32, #tpu.memory_space<hbm>>
      %dma_wait3A_176 = tpu.memref_squeeze %dma_wait3A_175 : memref<1x125x80xi32, #tpu.memory_space<hbm>> -> memref<125x80xi32, #tpu.memory_space<hbm>>
      tpu.wait_dma2 semaphore(%run_scoped3A : memref<!tpu.dma_semaphore, #tpu.memory_space<semaphore_mem>>) src(%dma_wait3A_176 : memref<125x80xi32, #tpu.memory_space<hbm>>) dst(%arg8 : memref<125x80xi32, #tpu.memory_space<vmem>>)
      tpu.yield
    }) : () -> ()
    %barrier3A = arith.constant 0 : index
    tpu.barrier barrier_id(%barrier3A)
    %dma_start3A = arith.constant 0 : i32
    %dma_start3A_3 = arith.constant 0 : i32
    %dma_start3A_4 = arith.constant 0 : i32
    %dma_start3A_5 = arith.constant 0 : i32
    %dma_start3A_6 = arith.constant 0 : i32
    %dma_start3A_7 = tpu.memref_slice %arg9[%dma_start3A_3, %dma_start3A_5, %dma_start3A_6] : memref<5x80x32xf32, #tpu.memory_space<vmem>> -> memref<1x80x32xf32, #tpu.memory_space<vmem>>
    %dma_start3A_8 = tpu.memref_squeeze %dma_start3A_7 : memref<1x80x32xf32, #tpu.memory_space<vmem>> -> memref<80x32xf32, #tpu.memory_space<vmem>>
    %dma_start3A_9 = arith.constant 0 : i32
    %dma_start3A_10 = tpu.memref_slice %arg7[%dma_start3A, %dma_start3A_9] : memref<125x80xi32, #tpu.memory_space<vmem>> -> memref<1x80xi32, #tpu.memory_space<vmem>>
    %dma_start3A_11 = tpu.memref_squeeze %dma_start3A_10 : memref<1x80xi32, #tpu.memory_space<vmem>> -> memref<80xi32, #tpu.memory_space<vmem>>
    %dma_start3A_12 = arith.constant 0 : i32
    %dma_start3A_13 = arith.constant 0 : i32
    %dma_start3A_14 = tpu.memref_slice %arg2[%dma_start3A_12, %dma_start3A_13] : memref<10000x32xf32, #tpu.memory_space<hbm>> -> memref<10000x32xf32, #tpu.memory_space<hbm>>
    %dma_start3A_15 = tpu.memref_slice %arg12[%dma_start3A_4] : memref<5x!tpu.dma_semaphore, #tpu.memory_space<semaphore_mem>> -> memref<1x!tpu.dma_semaphore, #tpu.memory_space<semaphore_mem>>
    %dma_start3A_16 = tpu.memref_squeeze %dma_start3A_15 : memref<1x!tpu.dma_semaphore, #tpu.memory_space<semaphore_mem>> -> memref<!tpu.dma_semaphore, #tpu.memory_space<semaphore_mem>>
    tpu.enqueue_indirect_dma source(%dma_start3A_14 : memref<10000x32xf32, #tpu.memory_space<hbm>>) target(%dma_start3A_8 : memref<80x32xf32, #tpu.memory_space<vmem>>) offsets(%dma_start3A_11 : memref<80xi32, #tpu.memory_space<vmem>>) semaphore(%dma_start3A_16 : memref<!tpu.dma_semaphore, #tpu.memory_space<semaphore_mem>>)
    %dma_start3A_17 = arith.constant 1 : i32
    %dma_start3A_18 = arith.constant 1 : i32
    %dma_start3A_19 = arith.constant 1 : i32
    %dma_start3A_20 = arith.constant 0 : i32
    %dma_start3A_21 = arith.constant 0 : i32
    %dma_start3A_22 = tpu.memref_slice %arg9[%dma_start3A_18, %dma_start3A_20, %dma_start3A_21] : memref<5x80x32xf32, #tpu.memory_space<vmem>> -> memref<1x80x32xf32, #tpu.memory_space<vmem>>
    %dma_start3A_23 = tpu.memref_squeeze %dma_start3A_22 : memref<1x80x32xf32, #tpu.memory_space<vmem>> -> memref<80x32xf32, #tpu.memory_space<vmem>>
    %dma_start3A_24 = arith.constant 0 : i32
    %dma_start3A_25 = tpu.memref_slice %arg7[%dma_start3A_17, %dma_start3A_24] : memref<125x80xi32, #tpu.memory_space<vmem>> -> memref<1x80xi32, #tpu.memory_space<vmem>>
    %dma_start3A_26 = tpu.memref_squeeze %dma_start3A_25 : memref<1x80xi32, #tpu.memory_space<vmem>> -> memref<80xi32, #tpu.memory_space<vmem>>
    %dma_start3A_27 = arith.constant 0 : i32
    %dma_start3A_28 = arith.constant 0 : i32
    %dma_start3A_29 = tpu.memref_slice %arg2[%dma_start3A_27, %dma_start3A_28] : memref<10000x32xf32, #tpu.memory_space<hbm>> -> memref<10000x32xf32, #tpu.memory_space<hbm>>
    %dma_start3A_30 = tpu.memref_slice %arg12[%dma_start3A_19] : memref<5x!tpu.dma_semaphore, #tpu.memory_space<semaphore_mem>> -> memref<1x!tpu.dma_semaphore, #tpu.memory_space<semaphore_mem>>
    %dma_start3A_31 = tpu.memref_squeeze %dma_start3A_30 : memref<1x!tpu.dma_semaphore, #tpu.memory_space<semaphore_mem>> -> memref<!tpu.dma_semaphore, #tpu.memory_space<semaphore_mem>>
    tpu.enqueue_indirect_dma source(%dma_start3A_29 : memref<10000x32xf32, #tpu.memory_space<hbm>>) target(%dma_start3A_23 : memref<80x32xf32, #tpu.memory_space<vmem>>) offsets(%dma_start3A_26 : memref<80xi32, #tpu.memory_space<vmem>>) semaphore(%dma_start3A_31 : memref<!tpu.dma_semaphore, #tpu.memory_space<semaphore_mem>>)
    %dma_start3A_32 = arith.constant 2 : i32
    %dma_start3A_33 = arith.constant 2 : i32
    %dma_start3A_34 = arith.constant 2 : i32
    %dma_start3A_35 = arith.constant 0 : i32
    %dma_start3A_36 = arith.constant 0 : i32
    %dma_start3A_37 = tpu.memref_slice %arg9[%dma_start3A_33, %dma_start3A_35, %dma_start3A_36] : memref<5x80x32xf32, #tpu.memory_space<vmem>> -> memref<1x80x32xf32, #tpu.memory_space<vmem>>
    %dma_start3A_38 = tpu.memref_squeeze %dma_start3A_37 : memref<1x80x32xf32, #tpu.memory_space<vmem>> -> memref<80x32xf32, #tpu.memory_space<vmem>>
    %dma_start3A_39 = arith.constant 0 : i32
    %dma_start3A_40 = tpu.memref_slice %arg7[%dma_start3A_32, %dma_start3A_39] : memref<125x80xi32, #tpu.memory_space<vmem>> -> memref<1x80xi32, #tpu.memory_space<vmem>>
    %dma_start3A_41 = tpu.memref_squeeze %dma_start3A_40 : memref<1x80xi32, #tpu.memory_space<vmem>> -> memref<80xi32, #tpu.memory_space<vmem>>
    %dma_start3A_42 = arith.constant 0 : i32
    %dma_start3A_43 = arith.constant 0 : i32
    %dma_start3A_44 = tpu.memref_slice %arg2[%dma_start3A_42, %dma_start3A_43] : memref<10000x32xf32, #tpu.memory_space<hbm>> -> memref<10000x32xf32, #tpu.memory_space<hbm>>
    %dma_start3A_45 = tpu.memref_slice %arg12[%dma_start3A_34] : memref<5x!tpu.dma_semaphore, #tpu.memory_space<semaphore_mem>> -> memref<1x!tpu.dma_semaphore, #tpu.memory_space<semaphore_mem>>
    %dma_start3A_46 = tpu.memref_squeeze %dma_start3A_45 : memref<1x!tpu.dma_semaphore, #tpu.memory_space<semaphore_mem>> -> memref<!tpu.dma_semaphore, #tpu.memory_space<semaphore_mem>>
    tpu.enqueue_indirect_dma source(%dma_start3A_44 : memref<10000x32xf32, #tpu.memory_space<hbm>>) target(%dma_start3A_38 : memref<80x32xf32, #tpu.memory_space<vmem>>) offsets(%dma_start3A_41 : memref<80xi32, #tpu.memory_space<vmem>>) semaphore(%dma_start3A_46 : memref<!tpu.dma_semaphore, #tpu.memory_space<semaphore_mem>>)
    %dma_start3A_47 = arith.constant 3 : i32
    %dma_start3A_48 = arith.constant 3 : i32
    %dma_start3A_49 = arith.constant 3 : i32
    %dma_start3A_50 = arith.constant 0 : i32
    %dma_start3A_51 = arith.constant 0 : i32
    %dma_start3A_52 = tpu.memref_slice %arg9[%dma_start3A_48, %dma_start3A_50, %dma_start3A_51] : memref<5x80x32xf32, #tpu.memory_space<vmem>> -> memref<1x80x32xf32, #tpu.memory_space<vmem>>
    %dma_start3A_53 = tpu.memref_squeeze %dma_start3A_52 : memref<1x80x32xf32, #tpu.memory_space<vmem>> -> memref<80x32xf32, #tpu.memory_space<vmem>>
    %dma_start3A_54 = arith.constant 0 : i32
    %dma_start3A_55 = tpu.memref_slice %arg7[%dma_start3A_47, %dma_start3A_54] : memref<125x80xi32, #tpu.memory_space<vmem>> -> memref<1x80xi32, #tpu.memory_space<vmem>>
    %dma_start3A_56 = tpu.memref_squeeze %dma_start3A_55 : memref<1x80xi32, #tpu.memory_space<vmem>> -> memref<80xi32, #tpu.memory_space<vmem>>
    %dma_start3A_57 = arith.constant 0 : i32
    %dma_start3A_58 = arith.constant 0 : i32
    %dma_start3A_59 = tpu.memref_slice %arg2[%dma_start3A_57, %dma_start3A_58] : memref<10000x32xf32, #tpu.memory_space<hbm>> -> memref<10000x32xf32, #tpu.memory_space<hbm>>
    %dma_start3A_60 = tpu.memref_slice %arg12[%dma_start3A_49] : memref<5x!tpu.dma_semaphore, #tpu.memory_space<semaphore_mem>> -> memref<1x!tpu.dma_semaphore, #tpu.memory_space<semaphore_mem>>
    %dma_start3A_61 = tpu.memref_squeeze %dma_start3A_60 : memref<1x!tpu.dma_semaphore, #tpu.memory_space<semaphore_mem>> -> memref<!tpu.dma_semaphore, #tpu.memory_space<semaphore_mem>>
    tpu.enqueue_indirect_dma source(%dma_start3A_59 : memref<10000x32xf32, #tpu.memory_space<hbm>>) target(%dma_start3A_53 : memref<80x32xf32, #tpu.memory_space<vmem>>) offsets(%dma_start3A_56 : memref<80xi32, #tpu.memory_space<vmem>>) semaphore(%dma_start3A_61 : memref<!tpu.dma_semaphore, #tpu.memory_space<semaphore_mem>>)
    %dma_start3A_62 = arith.constant 4 : i32
    %dma_start3A_63 = arith.constant 4 : i32
    %dma_start3A_64 = arith.constant 4 : i32
    %dma_start3A_65 = arith.constant 0 : i32
    %dma_start3A_66 = arith.constant 0 : i32
    %dma_start3A_67 = tpu.memref_slice %arg9[%dma_start3A_63, %dma_start3A_65, %dma_start3A_66] : memref<5x80x32xf32, #tpu.memory_space<vmem>> -> memref<1x80x32xf32, #tpu.memory_space<vmem>>
    %dma_start3A_68 = tpu.memref_squeeze %dma_start3A_67 : memref<1x80x32xf32, #tpu.memory_space<vmem>> -> memref<80x32xf32, #tpu.memory_space<vmem>>
    %dma_start3A_69 = arith.constant 0 : i32
    %dma_start3A_70 = tpu.memref_slice %arg7[%dma_start3A_62, %dma_start3A_69] : memref<125x80xi32, #tpu.memory_space<vmem>> -> memref<1x80xi32, #tpu.memory_space<vmem>>
    %dma_start3A_71 = tpu.memref_squeeze %dma_start3A_70 : memref<1x80xi32, #tpu.memory_space<vmem>> -> memref<80xi32, #tpu.memory_space<vmem>>
    %dma_start3A_72 = arith.constant 0 : i32
    %dma_start3A_73 = arith.constant 0 : i32
    %dma_start3A_74 = tpu.memref_slice %arg2[%dma_start3A_72, %dma_start3A_73] : memref<10000x32xf32, #tpu.memory_space<hbm>> -> memref<10000x32xf32, #tpu.memory_space<hbm>>
    %dma_start3A_75 = tpu.memref_slice %arg12[%dma_start3A_64] : memref<5x!tpu.dma_semaphore, #tpu.memory_space<semaphore_mem>> -> memref<1x!tpu.dma_semaphore, #tpu.memory_space<semaphore_mem>>
    %dma_start3A_76 = tpu.memref_squeeze %dma_start3A_75 : memref<1x!tpu.dma_semaphore, #tpu.memory_space<semaphore_mem>> -> memref<!tpu.dma_semaphore, #tpu.memory_space<semaphore_mem>>
    tpu.enqueue_indirect_dma source(%dma_start3A_74 : memref<10000x32xf32, #tpu.memory_space<hbm>>) target(%dma_start3A_68 : memref<80x32xf32, #tpu.memory_space<vmem>>) offsets(%dma_start3A_71 : memref<80xi32, #tpu.memory_space<vmem>>) semaphore(%dma_start3A_76 : memref<!tpu.dma_semaphore, #tpu.memory_space<semaphore_mem>>)
    %scan3A = arith.constant 0 : i32
    %scan3A_77 = arith.constant 0 : i32
    %scan3A_78 = arith.constant 25 : i32
    %scan3A_79 = arith.addi %scan3A_77, %scan3A_78 : i32
    %scan3A_80 = arith.constant 1 : i32
    scf.for %scan3A_161 = %scan3A_77 to %scan3A_79 step %scan3A_80  : i32 {
      %mul3A_162 = arith.constant 5 : i32
      %mul3A_163 = arith.muli %scan3A_161, %mul3A_162 : i32
      %add3A_164 = arith.constant 0 : i32
      %add3A_165 = arith.addi %mul3A_163, %add3A_164 : i32
      %dma_wait3A_166 = arith.constant 0 : i32
      %dma_wait3A_167 = arith.constant 0 : i32
      %dma_wait3A_168 = arith.constant 0 : i32
      %dma_wait3A_169 = arith.constant 0 : i32
      %dma_wait3A_170 = tpu.memref_slice %arg9[%dma_wait3A_166, %dma_wait3A_168, %dma_wait3A_169] : memref<5x80x32xf32, #tpu.memory_space<vmem>> -> memref<1x80x32xf32, #tpu.memory_space<vmem>>
      %dma_wait3A_171 = tpu.memref_squeeze %dma_wait3A_170 : memref<1x80x32xf32, #tpu.memory_space<vmem>> -> memref<80x32xf32, #tpu.memory_space<vmem>>
      %dma_wait3A_172 = arith.constant 0 : i32
      %dma_wait3A_173 = tpu.memref_slice %arg7[%add3A_165, %dma_wait3A_172] : memref<125x80xi32, #tpu.memory_space<vmem>> -> memref<1x80xi32, #tpu.memory_space<vmem>>
      %dma_wait3A_174 = tpu.memref_squeeze %dma_wait3A_173 : memref<1x80xi32, #tpu.memory_space<vmem>> -> memref<80xi32, #tpu.memory_space<vmem>>
      %dma_wait3A_175 = arith.constant 0 : i32
      %dma_wait3A_176 = arith.constant 0 : i32
      %dma_wait3A_177 = tpu.memref_slice %arg2[%dma_wait3A_175, %dma_wait3A_176] : memref<10000x32xf32, #tpu.memory_space<hbm>> -> memref<10000x32xf32, #tpu.memory_space<hbm>>
      %dma_wait3A_178 = tpu.memref_slice %arg12[%dma_wait3A_167] : memref<5x!tpu.dma_semaphore, #tpu.memory_space<semaphore_mem>> -> memref<1x!tpu.dma_semaphore, #tpu.memory_space<semaphore_mem>>
      %dma_wait3A_179 = tpu.memref_squeeze %dma_wait3A_178 : memref<1x!tpu.dma_semaphore, #tpu.memory_space<semaphore_mem>> -> memref<!tpu.dma_semaphore, #tpu.memory_space<semaphore_mem>>
      tpu.wait_indirect_dma semaphore(%dma_wait3A_179 : memref<!tpu.dma_semaphore, #tpu.memory_space<semaphore_mem>>) src(%dma_wait3A_177 : memref<10000x32xf32, #tpu.memory_space<hbm>>) dst(%dma_wait3A_171 : memref<80x32xf32, #tpu.memory_space<vmem>>)
      %dma_start3A_180 = arith.constant 0 : i32
      %dma_start3A_181 = arith.constant 0 : i32
      %dma_start3A_182 = arith.constant 0 : i32
      %dma_start3A_183 = arith.constant 0 : i32
      %dma_start3A_184 = tpu.memref_slice %arg9[%dma_start3A_180, %dma_start3A_182, %dma_start3A_183] : memref<5x80x32xf32, #tpu.memory_space<vmem>> -> memref<1x80x32xf32, #tpu.memory_space<vmem>>
      %dma_start3A_185 = tpu.memref_squeeze %dma_start3A_184 : memref<1x80x32xf32, #tpu.memory_space<vmem>> -> memref<80x32xf32, #tpu.memory_space<vmem>>
      %dma_start3A_186 = arith.constant 0 : i32
      %dma_start3A_187 = tpu.memref_slice %arg8[%add3A_165, %dma_start3A_186] : memref<125x80xi32, #tpu.memory_space<vmem>> -> memref<1x80xi32, #tpu.memory_space<vmem>>
      %dma_start3A_188 = tpu.memref_squeeze %dma_start3A_187 : memref<1x80xi32, #tpu.memory_space<vmem>> -> memref<80xi32, #tpu.memory_space<vmem>>
      %dma_start3A_189 = arith.constant 0 : i32
      %dma_start3A_190 = arith.constant 0 : i32
      %dma_start3A_191 = tpu.memref_slice %arg11[%dma_start3A_189, %dma_start3A_190] : memref<10112x32xf32, #tpu.memory_space<vmem_shared>> -> memref<10112x32xf32, #tpu.memory_space<vmem_shared>>
      %dma_start3A_192 = tpu.memref_slice %arg13[%dma_start3A_181] : memref<5x!tpu.dma_semaphore, #tpu.memory_space<semaphore_mem>> -> memref<1x!tpu.dma_semaphore, #tpu.memory_space<semaphore_mem>>
      %dma_start3A_193 = tpu.memref_squeeze %dma_start3A_192 : memref<1x!tpu.dma_semaphore, #tpu.memory_space<semaphore_mem>> -> memref<!tpu.dma_semaphore, #tpu.memory_space<semaphore_mem>>
      tpu.enqueue_indirect_dma source(%dma_start3A_185 : memref<80x32xf32, #tpu.memory_space<vmem>>) target(%dma_start3A_191 : memref<10112x32xf32, #tpu.memory_space<vmem_shared>>) offsets(%dma_start3A_188 : memref<80xi32, #tpu.memory_space<vmem>>) semaphore(%dma_start3A_193 : memref<!tpu.dma_semaphore, #tpu.memory_space<semaphore_mem>>) {add = true}
      %lt3A = arith.constant 24 : i32
      %lt3A_194 = arith.cmpi slt, %scan3A_161, %lt3A : i32
      %convert_element_type3A = arith.extui %lt3A_194 : i1 to i32
      %cond3A = arith.constant 0 : i32
      %cond3A_195 = arith.cmpi ne, %convert_element_type3A, %cond3A : i32
      scf.if %cond3A_195 {
        %dma_wait3A_344 = arith.constant 0 : i32
        %dma_wait3A_345 = arith.constant 0 : i32
        %dma_wait3A_346 = arith.constant 0 : i32
        %dma_wait3A_347 = arith.constant 0 : i32
        %dma_wait3A_348 = tpu.memref_slice %arg9[%dma_wait3A_344, %dma_wait3A_346, %dma_wait3A_347] : memref<5x80x32xf32, #tpu.memory_space<vmem>> -> memref<1x80x32xf32, #tpu.memory_space<vmem>>
        %dma_wait3A_349 = tpu.memref_squeeze %dma_wait3A_348 : memref<1x80x32xf32, #tpu.memory_space<vmem>> -> memref<80x32xf32, #tpu.memory_space<vmem>>
        %dma_wait3A_350 = arith.constant 0 : i32
        %dma_wait3A_351 = tpu.memref_slice %arg8[%add3A_165, %dma_wait3A_350] : memref<125x80xi32, #tpu.memory_space<vmem>> -> memref<1x80xi32, #tpu.memory_space<vmem>>
        %dma_wait3A_352 = tpu.memref_squeeze %dma_wait3A_351 : memref<1x80xi32, #tpu.memory_space<vmem>> -> memref<80xi32, #tpu.memory_space<vmem>>
        %dma_wait3A_353 = arith.constant 0 : i32
        %dma_wait3A_354 = arith.constant 0 : i32
        %dma_wait3A_355 = tpu.memref_slice %arg11[%dma_wait3A_353, %dma_wait3A_354] : memref<10112x32xf32, #tpu.memory_space<vmem_shared>> -> memref<10112x32xf32, #tpu.memory_space<vmem_shared>>
        %dma_wait3A_356 = tpu.memref_slice %arg13[%dma_wait3A_345] : memref<5x!tpu.dma_semaphore, #tpu.memory_space<semaphore_mem>> -> memref<1x!tpu.dma_semaphore, #tpu.memory_space<semaphore_mem>>
        %dma_wait3A_357 = tpu.memref_squeeze %dma_wait3A_356 : memref<1x!tpu.dma_semaphore, #tpu.memory_space<semaphore_mem>> -> memref<!tpu.dma_semaphore, #tpu.memory_space<semaphore_mem>>
        tpu.wait_indirect_dma semaphore(%dma_wait3A_357 : memref<!tpu.dma_semaphore, #tpu.memory_space<semaphore_mem>>) src(%dma_wait3A_349 : memref<80x32xf32, #tpu.memory_space<vmem>>) dst(%dma_wait3A_355 : memref<10112x32xf32, #tpu.memory_space<vmem_shared>>)
        %add3A_358 = arith.constant 5 : i32
        %add3A_359 = arith.addi %add3A_165, %add3A_358 : i32
        %dma_start3A_360 = arith.constant 0 : i32
        %dma_start3A_361 = arith.constant 0 : i32
        %dma_start3A_362 = arith.constant 0 : i32
        %dma_start3A_363 = arith.constant 0 : i32
        %dma_start3A_364 = tpu.memref_slice %arg9[%dma_start3A_360, %dma_start3A_362, %dma_start3A_363] : memref<5x80x32xf32, #tpu.memory_space<vmem>> -> memref<1x80x32xf32, #tpu.memory_space<vmem>>
        %dma_start3A_365 = tpu.memref_squeeze %dma_start3A_364 : memref<1x80x32xf32, #tpu.memory_space<vmem>> -> memref<80x32xf32, #tpu.memory_space<vmem>>
        %dma_start3A_366 = arith.constant 0 : i32
        %dma_start3A_367 = tpu.memref_slice %arg7[%add3A_359, %dma_start3A_366] : memref<125x80xi32, #tpu.memory_space<vmem>> -> memref<1x80xi32, #tpu.memory_space<vmem>>
        %dma_start3A_368 = tpu.memref_squeeze %dma_start3A_367 : memref<1x80xi32, #tpu.memory_space<vmem>> -> memref<80xi32, #tpu.memory_space<vmem>>
        %dma_start3A_369 = arith.constant 0 : i32
        %dma_start3A_370 = arith.constant 0 : i32
        %dma_start3A_371 = tpu.memref_slice %arg2[%dma_start3A_369, %dma_start3A_370] : memref<10000x32xf32, #tpu.memory_space<hbm>> -> memref<10000x32xf32, #tpu.memory_space<hbm>>
        %dma_start3A_372 = tpu.memref_slice %arg12[%dma_start3A_361] : memref<5x!tpu.dma_semaphore, #tpu.memory_space<semaphore_mem>> -> memref<1x!tpu.dma_semaphore, #tpu.memory_space<semaphore_mem>>
        %dma_start3A_373 = tpu.memref_squeeze %dma_start3A_372 : memref<1x!tpu.dma_semaphore, #tpu.memory_space<semaphore_mem>> -> memref<!tpu.dma_semaphore, #tpu.memory_space<semaphore_mem>>
        tpu.enqueue_indirect_dma source(%dma_start3A_371 : memref<10000x32xf32, #tpu.memory_space<hbm>>) target(%dma_start3A_365 : memref<80x32xf32, #tpu.memory_space<vmem>>) offsets(%dma_start3A_368 : memref<80xi32, #tpu.memory_space<vmem>>) semaphore(%dma_start3A_373 : memref<!tpu.dma_semaphore, #tpu.memory_space<semaphore_mem>>)
      } else {
      }
      %mul3A_196 = arith.constant 5 : i32
      %mul3A_197 = arith.muli %scan3A_161, %mul3A_196 : i32
      %add3A_198 = arith.constant 1 : i32
      %add3A_199 = arith.addi %mul3A_197, %add3A_198 : i32
      %dma_wait3A_200 = arith.constant 1 : i32
      %dma_wait3A_201 = arith.constant 1 : i32
      %dma_wait3A_202 = arith.constant 0 : i32
      %dma_wait3A_203 = arith.constant 0 : i32
      %dma_wait3A_204 = tpu.memref_slice %arg9[%dma_wait3A_200, %dma_wait3A_202, %dma_wait3A_203] : memref<5x80x32xf32, #tpu.memory_space<vmem>> -> memref<1x80x32xf32, #tpu.memory_space<vmem>>
      %dma_wait3A_205 = tpu.memref_squeeze %dma_wait3A_204 : memref<1x80x32xf32, #tpu.memory_space<vmem>> -> memref<80x32xf32, #tpu.memory_space<vmem>>
      %dma_wait3A_206 = arith.constant 0 : i32
      %dma_wait3A_207 = tpu.memref_slice %arg7[%add3A_199, %dma_wait3A_206] : memref<125x80xi32, #tpu.memory_space<vmem>> -> memref<1x80xi32, #tpu.memory_space<vmem>>
      %dma_wait3A_208 = tpu.memref_squeeze %dma_wait3A_207 : memref<1x80xi32, #tpu.memory_space<vmem>> -> memref<80xi32, #tpu.memory_space<vmem>>
      %dma_wait3A_209 = arith.constant 0 : i32
      %dma_wait3A_210 = arith.constant 0 : i32
      %dma_wait3A_211 = tpu.memref_slice %arg2[%dma_wait3A_209, %dma_wait3A_210] : memref<10000x32xf32, #tpu.memory_space<hbm>> -> memref<10000x32xf32, #tpu.memory_space<hbm>>
      %dma_wait3A_212 = tpu.memref_slice %arg12[%dma_wait3A_201] : memref<5x!tpu.dma_semaphore, #tpu.memory_space<semaphore_mem>> -> memref<1x!tpu.dma_semaphore, #tpu.memory_space<semaphore_mem>>
      %dma_wait3A_213 = tpu.memref_squeeze %dma_wait3A_212 : memref<1x!tpu.dma_semaphore, #tpu.memory_space<semaphore_mem>> -> memref<!tpu.dma_semaphore, #tpu.memory_space<semaphore_mem>>
      tpu.wait_indirect_dma semaphore(%dma_wait3A_213 : memref<!tpu.dma_semaphore, #tpu.memory_space<semaphore_mem>>) src(%dma_wait3A_211 : memref<10000x32xf32, #tpu.memory_space<hbm>>) dst(%dma_wait3A_205 : memref<80x32xf32, #tpu.memory_space<vmem>>)
      %dma_start3A_214 = arith.constant 1 : i32
      %dma_start3A_215 = arith.constant 1 : i32
      %dma_start3A_216 = arith.constant 0 : i32
      %dma_start3A_217 = arith.constant 0 : i32
      %dma_start3A_218 = tpu.memref_slice %arg9[%dma_start3A_214, %dma_start3A_216, %dma_start3A_217] : memref<5x80x32xf32, #tpu.memory_space<vmem>> -> memref<1x80x32xf32, #tpu.memory_space<vmem>>
      %dma_start3A_219 = tpu.memref_squeeze %dma_start3A_218 : memref<1x80x32xf32, #tpu.memory_space<vmem>> -> memref<80x32xf32, #tpu.memory_space<vmem>>
      %dma_start3A_220 = arith.constant 0 : i32
      %dma_start3A_221 = tpu.memref_slice %arg8[%add3A_199, %dma_start3A_220] : memref<125x80xi32, #tpu.memory_space<vmem>> -> memref<1x80xi32, #tpu.memory_space<vmem>>
      %dma_start3A_222 = tpu.memref_squeeze %dma_start3A_221 : memref<1x80xi32, #tpu.memory_space<vmem>> -> memref<80xi32, #tpu.memory_space<vmem>>
      %dma_start3A_223 = arith.constant 0 : i32
      %dma_start3A_224 = arith.constant 0 : i32
      %dma_start3A_225 = tpu.memref_slice %arg11[%dma_start3A_223, %dma_start3A_224] : memref<10112x32xf32, #tpu.memory_space<vmem_shared>> -> memref<10112x32xf32, #tpu.memory_space<vmem_shared>>
      %dma_start3A_226 = tpu.memref_slice %arg13[%dma_start3A_215] : memref<5x!tpu.dma_semaphore, #tpu.memory_space<semaphore_mem>> -> memref<1x!tpu.dma_semaphore, #tpu.memory_space<semaphore_mem>>
      %dma_start3A_227 = tpu.memref_squeeze %dma_start3A_226 : memref<1x!tpu.dma_semaphore, #tpu.memory_space<semaphore_mem>> -> memref<!tpu.dma_semaphore, #tpu.memory_space<semaphore_mem>>
      tpu.enqueue_indirect_dma source(%dma_start3A_219 : memref<80x32xf32, #tpu.memory_space<vmem>>) target(%dma_start3A_225 : memref<10112x32xf32, #tpu.memory_space<vmem_shared>>) offsets(%dma_start3A_222 : memref<80xi32, #tpu.memory_space<vmem>>) semaphore(%dma_start3A_227 : memref<!tpu.dma_semaphore, #tpu.memory_space<semaphore_mem>>) {add = true}
      %lt3A_228 = arith.constant 24 : i32
      %lt3A_229 = arith.cmpi slt, %scan3A_161, %lt3A_228 : i32
      %convert_element_type3A_230 = arith.extui %lt3A_229 : i1 to i32
      %cond3A_231 = arith.constant 0 : i32
      %cond3A_232 = arith.cmpi ne, %convert_element_type3A_230, %cond3A_231 : i32
      scf.if %cond3A_232 {
        %dma_wait3A_344 = arith.constant 1 : i32
        %dma_wait3A_345 = arith.constant 1 : i32
        %dma_wait3A_346 = arith.constant 0 : i32
        %dma_wait3A_347 = arith.constant 0 : i32
        %dma_wait3A_348 = tpu.memref_slice %arg9[%dma_wait3A_344, %dma_wait3A_346, %dma_wait3A_347] : memref<5x80x32xf32, #tpu.memory_space<vmem>> -> memref<1x80x32xf32, #tpu.memory_space<vmem>>
        %dma_wait3A_349 = tpu.memref_squeeze %dma_wait3A_348 : memref<1x80x32xf32, #tpu.memory_space<vmem>> -> memref<80x32xf32, #tpu.memory_space<vmem>>
        %dma_wait3A_350 = arith.constant 0 : i32
        %dma_wait3A_351 = tpu.memref_slice %arg8[%add3A_199, %dma_wait3A_350] : memref<125x80xi32, #tpu.memory_space<vmem>> -> memref<1x80xi32, #tpu.memory_space<vmem>>
        %dma_wait3A_352 = tpu.memref_squeeze %dma_wait3A_351 : memref<1x80xi32, #tpu.memory_space<vmem>> -> memref<80xi32, #tpu.memory_space<vmem>>
        %dma_wait3A_353 = arith.constant 0 : i32
        %dma_wait3A_354 = arith.constant 0 : i32
        %dma_wait3A_355 = tpu.memref_slice %arg11[%dma_wait3A_353, %dma_wait3A_354] : memref<10112x32xf32, #tpu.memory_space<vmem_shared>> -> memref<10112x32xf32, #tpu.memory_space<vmem_shared>>
        %dma_wait3A_356 = tpu.memref_slice %arg13[%dma_wait3A_345] : memref<5x!tpu.dma_semaphore, #tpu.memory_space<semaphore_mem>> -> memref<1x!tpu.dma_semaphore, #tpu.memory_space<semaphore_mem>>
        %dma_wait3A_357 = tpu.memref_squeeze %dma_wait3A_356 : memref<1x!tpu.dma_semaphore, #tpu.memory_space<semaphore_mem>> -> memref<!tpu.dma_semaphore, #tpu.memory_space<semaphore_mem>>
        tpu.wait_indirect_dma semaphore(%dma_wait3A_357 : memref<!tpu.dma_semaphore, #tpu.memory_space<semaphore_mem>>) src(%dma_wait3A_349 : memref<80x32xf32, #tpu.memory_space<vmem>>) dst(%dma_wait3A_355 : memref<10112x32xf32, #tpu.memory_space<vmem_shared>>)
        %add3A_358 = arith.constant 5 : i32
        %add3A_359 = arith.addi %add3A_199, %add3A_358 : i32
        %dma_start3A_360 = arith.constant 1 : i32
        %dma_start3A_361 = arith.constant 1 : i32
        %dma_start3A_362 = arith.constant 0 : i32
        %dma_start3A_363 = arith.constant 0 : i32
        %dma_start3A_364 = tpu.memref_slice %arg9[%dma_start3A_360, %dma_start3A_362, %dma_start3A_363] : memref<5x80x32xf32, #tpu.memory_space<vmem>> -> memref<1x80x32xf32, #tpu.memory_space<vmem>>
        %dma_start3A_365 = tpu.memref_squeeze %dma_start3A_364 : memref<1x80x32xf32, #tpu.memory_space<vmem>> -> memref<80x32xf32, #tpu.memory_space<vmem>>
        %dma_start3A_366 = arith.constant 0 : i32
        %dma_start3A_367 = tpu.memref_slice %arg7[%add3A_359, %dma_start3A_366] : memref<125x80xi32, #tpu.memory_space<vmem>> -> memref<1x80xi32, #tpu.memory_space<vmem>>
        %dma_start3A_368 = tpu.memref_squeeze %dma_start3A_367 : memref<1x80xi32, #tpu.memory_space<vmem>> -> memref<80xi32, #tpu.memory_space<vmem>>
        %dma_start3A_369 = arith.constant 0 : i32
        %dma_start3A_370 = arith.constant 0 : i32
        %dma_start3A_371 = tpu.memref_slice %arg2[%dma_start3A_369, %dma_start3A_370] : memref<10000x32xf32, #tpu.memory_space<hbm>> -> memref<10000x32xf32, #tpu.memory_space<hbm>>
        %dma_start3A_372 = tpu.memref_slice %arg12[%dma_start3A_361] : memref<5x!tpu.dma_semaphore, #tpu.memory_space<semaphore_mem>> -> memref<1x!tpu.dma_semaphore, #tpu.memory_space<semaphore_mem>>
        %dma_start3A_373 = tpu.memref_squeeze %dma_start3A_372 : memref<1x!tpu.dma_semaphore, #tpu.memory_space<semaphore_mem>> -> memref<!tpu.dma_semaphore, #tpu.memory_space<semaphore_mem>>
        tpu.enqueue_indirect_dma source(%dma_start3A_371 : memref<10000x32xf32, #tpu.memory_space<hbm>>) target(%dma_start3A_365 : memref<80x32xf32, #tpu.memory_space<vmem>>) offsets(%dma_start3A_368 : memref<80xi32, #tpu.memory_space<vmem>>) semaphore(%dma_start3A_373 : memref<!tpu.dma_semaphore, #tpu.memory_space<semaphore_mem>>)
      } else {
      }
      %mul3A_233 = arith.constant 5 : i32
      %mul3A_234 = arith.muli %scan3A_161, %mul3A_233 : i32
      %add3A_235 = arith.constant 2 : i32
      %add3A_236 = arith.addi %mul3A_234, %add3A_235 : i32
      %dma_wait3A_237 = arith.constant 2 : i32
      %dma_wait3A_238 = arith.constant 2 : i32
      %dma_wait3A_239 = arith.constant 0 : i32
      %dma_wait3A_240 = arith.constant 0 : i32
      %dma_wait3A_241 = tpu.memref_slice %arg9[%dma_wait3A_237, %dma_wait3A_239, %dma_wait3A_240] : memref<5x80x32xf32, #tpu.memory_space<vmem>> -> memref<1x80x32xf32, #tpu.memory_space<vmem>>
      %dma_wait3A_242 = tpu.memref_squeeze %dma_wait3A_241 : memref<1x80x32xf32, #tpu.memory_space<vmem>> -> memref<80x32xf32, #tpu.memory_space<vmem>>
      %dma_wait3A_243 = arith.constant 0 : i32
      %dma_wait3A_244 = tpu.memref_slice %arg7[%add3A_236, %dma_wait3A_243] : memref<125x80xi32, #tpu.memory_space<vmem>> -> memref<1x80xi32, #tpu.memory_space<vmem>>
      %dma_wait3A_245 = tpu.memref_squeeze %dma_wait3A_244 : memref<1x80xi32, #tpu.memory_space<vmem>> -> memref<80xi32, #tpu.memory_space<vmem>>
      %dma_wait3A_246 = arith.constant 0 : i32
      %dma_wait3A_247 = arith.constant 0 : i32
      %dma_wait3A_248 = tpu.memref_slice %arg2[%dma_wait3A_246, %dma_wait3A_247] : memref<10000x32xf32, #tpu.memory_space<hbm>> -> memref<10000x32xf32, #tpu.memory_space<hbm>>
      %dma_wait3A_249 = tpu.memref_slice %arg12[%dma_wait3A_238] : memref<5x!tpu.dma_semaphore, #tpu.memory_space<semaphore_mem>> -> memref<1x!tpu.dma_semaphore, #tpu.memory_space<semaphore_mem>>
      %dma_wait3A_250 = tpu.memref_squeeze %dma_wait3A_249 : memref<1x!tpu.dma_semaphore, #tpu.memory_space<semaphore_mem>> -> memref<!tpu.dma_semaphore, #tpu.memory_space<semaphore_mem>>
      tpu.wait_indirect_dma semaphore(%dma_wait3A_250 : memref<!tpu.dma_semaphore, #tpu.memory_space<semaphore_mem>>) src(%dma_wait3A_248 : memref<10000x32xf32, #tpu.memory_space<hbm>>) dst(%dma_wait3A_242 : memref<80x32xf32, #tpu.memory_space<vmem>>)
      %dma_start3A_251 = arith.constant 2 : i32
      %dma_start3A_252 = arith.constant 2 : i32
      %dma_start3A_253 = arith.constant 0 : i32
      %dma_start3A_254 = arith.constant 0 : i32
      %dma_start3A_255 = tpu.memref_slice %arg9[%dma_start3A_251, %dma_start3A_253, %dma_start3A_254] : memref<5x80x32xf32, #tpu.memory_space<vmem>> -> memref<1x80x32xf32, #tpu.memory_space<vmem>>
      %dma_start3A_256 = tpu.memref_squeeze %dma_start3A_255 : memref<1x80x32xf32, #tpu.memory_space<vmem>> -> memref<80x32xf32, #tpu.memory_space<vmem>>
      %dma_start3A_257 = arith.constant 0 : i32
      %dma_start3A_258 = tpu.memref_slice %arg8[%add3A_236, %dma_start3A_257] : memref<125x80xi32, #tpu.memory_space<vmem>> -> memref<1x80xi32, #tpu.memory_space<vmem>>
      %dma_start3A_259 = tpu.memref_squeeze %dma_start3A_258 : memref<1x80xi32, #tpu.memory_space<vmem>> -> memref<80xi32, #tpu.memory_space<vmem>>
      %dma_start3A_260 = arith.constant 0 : i32
      %dma_start3A_261 = arith.constant 0 : i32
      %dma_start3A_262 = tpu.memref_slice %arg11[%dma_start3A_260, %dma_start3A_261] : memref<10112x32xf32, #tpu.memory_space<vmem_shared>> -> memref<10112x32xf32, #tpu.memory_space<vmem_shared>>
      %dma_start3A_263 = tpu.memref_slice %arg13[%dma_start3A_252] : memref<5x!tpu.dma_semaphore, #tpu.memory_space<semaphore_mem>> -> memref<1x!tpu.dma_semaphore, #tpu.memory_space<semaphore_mem>>
      %dma_start3A_264 = tpu.memref_squeeze %dma_start3A_263 : memref<1x!tpu.dma_semaphore, #tpu.memory_space<semaphore_mem>> -> memref<!tpu.dma_semaphore, #tpu.memory_space<semaphore_mem>>
      tpu.enqueue_indirect_dma source(%dma_start3A_256 : memref<80x32xf32, #tpu.memory_space<vmem>>) target(%dma_start3A_262 : memref<10112x32xf32, #tpu.memory_space<vmem_shared>>) offsets(%dma_start3A_259 : memref<80xi32, #tpu.memory_space<vmem>>) semaphore(%dma_start3A_264 : memref<!tpu.dma_semaphore, #tpu.memory_space<semaphore_mem>>) {add = true}
      %lt3A_265 = arith.constant 24 : i32
      %lt3A_266 = arith.cmpi slt, %scan3A_161, %lt3A_265 : i32
      %convert_element_type3A_267 = arith.extui %lt3A_266 : i1 to i32
      %cond3A_268 = arith.constant 0 : i32
      %cond3A_269 = arith.cmpi ne, %convert_element_type3A_267, %cond3A_268 : i32
      scf.if %cond3A_269 {
        %dma_wait3A_344 = arith.constant 2 : i32
        %dma_wait3A_345 = arith.constant 2 : i32
        %dma_wait3A_346 = arith.constant 0 : i32
        %dma_wait3A_347 = arith.constant 0 : i32
        %dma_wait3A_348 = tpu.memref_slice %arg9[%dma_wait3A_344, %dma_wait3A_346, %dma_wait3A_347] : memref<5x80x32xf32, #tpu.memory_space<vmem>> -> memref<1x80x32xf32, #tpu.memory_space<vmem>>
        %dma_wait3A_349 = tpu.memref_squeeze %dma_wait3A_348 : memref<1x80x32xf32, #tpu.memory_space<vmem>> -> memref<80x32xf32, #tpu.memory_space<vmem>>
        %dma_wait3A_350 = arith.constant 0 : i32
        %dma_wait3A_351 = tpu.memref_slice %arg8[%add3A_236, %dma_wait3A_350] : memref<125x80xi32, #tpu.memory_space<vmem>> -> memref<1x80xi32, #tpu.memory_space<vmem>>
        %dma_wait3A_352 = tpu.memref_squeeze %dma_wait3A_351 : memref<1x80xi32, #tpu.memory_space<vmem>> -> memref<80xi32, #tpu.memory_space<vmem>>
        %dma_wait3A_353 = arith.constant 0 : i32
        %dma_wait3A_354 = arith.constant 0 : i32
        %dma_wait3A_355 = tpu.memref_slice %arg11[%dma_wait3A_353, %dma_wait3A_354] : memref<10112x32xf32, #tpu.memory_space<vmem_shared>> -> memref<10112x32xf32, #tpu.memory_space<vmem_shared>>
        %dma_wait3A_356 = tpu.memref_slice %arg13[%dma_wait3A_345] : memref<5x!tpu.dma_semaphore, #tpu.memory_space<semaphore_mem>> -> memref<1x!tpu.dma_semaphore, #tpu.memory_space<semaphore_mem>>
        %dma_wait3A_357 = tpu.memref_squeeze %dma_wait3A_356 : memref<1x!tpu.dma_semaphore, #tpu.memory_space<semaphore_mem>> -> memref<!tpu.dma_semaphore, #tpu.memory_space<semaphore_mem>>
        tpu.wait_indirect_dma semaphore(%dma_wait3A_357 : memref<!tpu.dma_semaphore, #tpu.memory_space<semaphore_mem>>) src(%dma_wait3A_349 : memref<80x32xf32, #tpu.memory_space<vmem>>) dst(%dma_wait3A_355 : memref<10112x32xf32, #tpu.memory_space<vmem_shared>>)
        %add3A_358 = arith.constant 5 : i32
        %add3A_359 = arith.addi %add3A_236, %add3A_358 : i32
        %dma_start3A_360 = arith.constant 2 : i32
        %dma_start3A_361 = arith.constant 2 : i32
        %dma_start3A_362 = arith.constant 0 : i32
        %dma_start3A_363 = arith.constant 0 : i32
        %dma_start3A_364 = tpu.memref_slice %arg9[%dma_start3A_360, %dma_start3A_362, %dma_start3A_363] : memref<5x80x32xf32, #tpu.memory_space<vmem>> -> memref<1x80x32xf32, #tpu.memory_space<vmem>>
        %dma_start3A_365 = tpu.memref_squeeze %dma_start3A_364 : memref<1x80x32xf32, #tpu.memory_space<vmem>> -> memref<80x32xf32, #tpu.memory_space<vmem>>
        %dma_start3A_366 = arith.constant 0 : i32
        %dma_start3A_367 = tpu.memref_slice %arg7[%add3A_359, %dma_start3A_366] : memref<125x80xi32, #tpu.memory_space<vmem>> -> memref<1x80xi32, #tpu.memory_space<vmem>>
        %dma_start3A_368 = tpu.memref_squeeze %dma_start3A_367 : memref<1x80xi32, #tpu.memory_space<vmem>> -> memref<80xi32, #tpu.memory_space<vmem>>
        %dma_start3A_369 = arith.constant 0 : i32
        %dma_start3A_370 = arith.constant 0 : i32
        %dma_start3A_371 = tpu.memref_slice %arg2[%dma_start3A_369, %dma_start3A_370] : memref<10000x32xf32, #tpu.memory_space<hbm>> -> memref<10000x32xf32, #tpu.memory_space<hbm>>
        %dma_start3A_372 = tpu.memref_slice %arg12[%dma_start3A_361] : memref<5x!tpu.dma_semaphore, #tpu.memory_space<semaphore_mem>> -> memref<1x!tpu.dma_semaphore, #tpu.memory_space<semaphore_mem>>
        %dma_start3A_373 = tpu.memref_squeeze %dma_start3A_372 : memref<1x!tpu.dma_semaphore, #tpu.memory_space<semaphore_mem>> -> memref<!tpu.dma_semaphore, #tpu.memory_space<semaphore_mem>>
        tpu.enqueue_indirect_dma source(%dma_start3A_371 : memref<10000x32xf32, #tpu.memory_space<hbm>>) target(%dma_start3A_365 : memref<80x32xf32, #tpu.memory_space<vmem>>) offsets(%dma_start3A_368 : memref<80xi32, #tpu.memory_space<vmem>>) semaphore(%dma_start3A_373 : memref<!tpu.dma_semaphore, #tpu.memory_space<semaphore_mem>>)
      } else {
      }
      %mul3A_270 = arith.constant 5 : i32
      %mul3A_271 = arith.muli %scan3A_161, %mul3A_270 : i32
      %add3A_272 = arith.constant 3 : i32
      %add3A_273 = arith.addi %mul3A_271, %add3A_272 : i32
      %dma_wait3A_274 = arith.constant 3 : i32
      %dma_wait3A_275 = arith.constant 3 : i32
      %dma_wait3A_276 = arith.constant 0 : i32
      %dma_wait3A_277 = arith.constant 0 : i32
      %dma_wait3A_278 = tpu.memref_slice %arg9[%dma_wait3A_274, %dma_wait3A_276, %dma_wait3A_277] : memref<5x80x32xf32, #tpu.memory_space<vmem>> -> memref<1x80x32xf32, #tpu.memory_space<vmem>>
      %dma_wait3A_279 = tpu.memref_squeeze %dma_wait3A_278 : memref<1x80x32xf32, #tpu.memory_space<vmem>> -> memref<80x32xf32, #tpu.memory_space<vmem>>
      %dma_wait3A_280 = arith.constant 0 : i32
      %dma_wait3A_281 = tpu.memref_slice %arg7[%add3A_273, %dma_wait3A_280] : memref<125x80xi32, #tpu.memory_space<vmem>> -> memref<1x80xi32, #tpu.memory_space<vmem>>
      %dma_wait3A_282 = tpu.memref_squeeze %dma_wait3A_281 : memref<1x80xi32, #tpu.memory_space<vmem>> -> memref<80xi32, #tpu.memory_space<vmem>>
      %dma_wait3A_283 = arith.constant 0 : i32
      %dma_wait3A_284 = arith.constant 0 : i32
      %dma_wait3A_285 = tpu.memref_slice %arg2[%dma_wait3A_283, %dma_wait3A_284] : memref<10000x32xf32, #tpu.memory_space<hbm>> -> memref<10000x32xf32, #tpu.memory_space<hbm>>
      %dma_wait3A_286 = tpu.memref_slice %arg12[%dma_wait3A_275] : memref<5x!tpu.dma_semaphore, #tpu.memory_space<semaphore_mem>> -> memref<1x!tpu.dma_semaphore, #tpu.memory_space<semaphore_mem>>
      %dma_wait3A_287 = tpu.memref_squeeze %dma_wait3A_286 : memref<1x!tpu.dma_semaphore, #tpu.memory_space<semaphore_mem>> -> memref<!tpu.dma_semaphore, #tpu.memory_space<semaphore_mem>>
      tpu.wait_indirect_dma semaphore(%dma_wait3A_287 : memref<!tpu.dma_semaphore, #tpu.memory_space<semaphore_mem>>) src(%dma_wait3A_285 : memref<10000x32xf32, #tpu.memory_space<hbm>>) dst(%dma_wait3A_279 : memref<80x32xf32, #tpu.memory_space<vmem>>)
      %dma_start3A_288 = arith.constant 3 : i32
      %dma_start3A_289 = arith.constant 3 : i32
      %dma_start3A_290 = arith.constant 0 : i32
      %dma_start3A_291 = arith.constant 0 : i32
      %dma_start3A_292 = tpu.memref_slice %arg9[%dma_start3A_288, %dma_start3A_290, %dma_start3A_291] : memref<5x80x32xf32, #tpu.memory_space<vmem>> -> memref<1x80x32xf32, #tpu.memory_space<vmem>>
      %dma_start3A_293 = tpu.memref_squeeze %dma_start3A_292 : memref<1x80x32xf32, #tpu.memory_space<vmem>> -> memref<80x32xf32, #tpu.memory_space<vmem>>
      %dma_start3A_294 = arith.constant 0 : i32
      %dma_start3A_295 = tpu.memref_slice %arg8[%add3A_273, %dma_start3A_294] : memref<125x80xi32, #tpu.memory_space<vmem>> -> memref<1x80xi32, #tpu.memory_space<vmem>>
      %dma_start3A_296 = tpu.memref_squeeze %dma_start3A_295 : memref<1x80xi32, #tpu.memory_space<vmem>> -> memref<80xi32, #tpu.memory_space<vmem>>
      %dma_start3A_297 = arith.constant 0 : i32
      %dma_start3A_298 = arith.constant 0 : i32
      %dma_start3A_299 = tpu.memref_slice %arg11[%dma_start3A_297, %dma_start3A_298] : memref<10112x32xf32, #tpu.memory_space<vmem_shared>> -> memref<10112x32xf32, #tpu.memory_space<vmem_shared>>
      %dma_start3A_300 = tpu.memref_slice %arg13[%dma_start3A_289] : memref<5x!tpu.dma_semaphore, #tpu.memory_space<semaphore_mem>> -> memref<1x!tpu.dma_semaphore, #tpu.memory_space<semaphore_mem>>
      %dma_start3A_301 = tpu.memref_squeeze %dma_start3A_300 : memref<1x!tpu.dma_semaphore, #tpu.memory_space<semaphore_mem>> -> memref<!tpu.dma_semaphore, #tpu.memory_space<semaphore_mem>>
      tpu.enqueue_indirect_dma source(%dma_start3A_293 : memref<80x32xf32, #tpu.memory_space<vmem>>) target(%dma_start3A_299 : memref<10112x32xf32, #tpu.memory_space<vmem_shared>>) offsets(%dma_start3A_296 : memref<80xi32, #tpu.memory_space<vmem>>) semaphore(%dma_start3A_301 : memref<!tpu.dma_semaphore, #tpu.memory_space<semaphore_mem>>) {add = true}
      %lt3A_302 = arith.constant 24 : i32
      %lt3A_303 = arith.cmpi slt, %scan3A_161, %lt3A_302 : i32
      %convert_element_type3A_304 = arith.extui %lt3A_303 : i1 to i32
      %cond3A_305 = arith.constant 0 : i32
      %cond3A_306 = arith.cmpi ne, %convert_element_type3A_304, %cond3A_305 : i32
      scf.if %cond3A_306 {
        %dma_wait3A_344 = arith.constant 3 : i32
        %dma_wait3A_345 = arith.constant 3 : i32
        %dma_wait3A_346 = arith.constant 0 : i32
        %dma_wait3A_347 = arith.constant 0 : i32
        %dma_wait3A_348 = tpu.memref_slice %arg9[%dma_wait3A_344, %dma_wait3A_346, %dma_wait3A_347] : memref<5x80x32xf32, #tpu.memory_space<vmem>> -> memref<1x80x32xf32, #tpu.memory_space<vmem>>
        %dma_wait3A_349 = tpu.memref_squeeze %dma_wait3A_348 : memref<1x80x32xf32, #tpu.memory_space<vmem>> -> memref<80x32xf32, #tpu.memory_space<vmem>>
        %dma_wait3A_350 = arith.constant 0 : i32
        %dma_wait3A_351 = tpu.memref_slice %arg8[%add3A_273, %dma_wait3A_350] : memref<125x80xi32, #tpu.memory_space<vmem>> -> memref<1x80xi32, #tpu.memory_space<vmem>>
        %dma_wait3A_352 = tpu.memref_squeeze %dma_wait3A_351 : memref<1x80xi32, #tpu.memory_space<vmem>> -> memref<80xi32, #tpu.memory_space<vmem>>
        %dma_wait3A_353 = arith.constant 0 : i32
        %dma_wait3A_354 = arith.constant 0 : i32
        %dma_wait3A_355 = tpu.memref_slice %arg11[%dma_wait3A_353, %dma_wait3A_354] : memref<10112x32xf32, #tpu.memory_space<vmem_shared>> -> memref<10112x32xf32, #tpu.memory_space<vmem_shared>>
        %dma_wait3A_356 = tpu.memref_slice %arg13[%dma_wait3A_345] : memref<5x!tpu.dma_semaphore, #tpu.memory_space<semaphore_mem>> -> memref<1x!tpu.dma_semaphore, #tpu.memory_space<semaphore_mem>>
        %dma_wait3A_357 = tpu.memref_squeeze %dma_wait3A_356 : memref<1x!tpu.dma_semaphore, #tpu.memory_space<semaphore_mem>> -> memref<!tpu.dma_semaphore, #tpu.memory_space<semaphore_mem>>
        tpu.wait_indirect_dma semaphore(%dma_wait3A_357 : memref<!tpu.dma_semaphore, #tpu.memory_space<semaphore_mem>>) src(%dma_wait3A_349 : memref<80x32xf32, #tpu.memory_space<vmem>>) dst(%dma_wait3A_355 : memref<10112x32xf32, #tpu.memory_space<vmem_shared>>)
        %add3A_358 = arith.constant 5 : i32
        %add3A_359 = arith.addi %add3A_273, %add3A_358 : i32
        %dma_start3A_360 = arith.constant 3 : i32
        %dma_start3A_361 = arith.constant 3 : i32
        %dma_start3A_362 = arith.constant 0 : i32
        %dma_start3A_363 = arith.constant 0 : i32
        %dma_start3A_364 = tpu.memref_slice %arg9[%dma_start3A_360, %dma_start3A_362, %dma_start3A_363] : memref<5x80x32xf32, #tpu.memory_space<vmem>> -> memref<1x80x32xf32, #tpu.memory_space<vmem>>
        %dma_start3A_365 = tpu.memref_squeeze %dma_start3A_364 : memref<1x80x32xf32, #tpu.memory_space<vmem>> -> memref<80x32xf32, #tpu.memory_space<vmem>>
        %dma_start3A_366 = arith.constant 0 : i32
        %dma_start3A_367 = tpu.memref_slice %arg7[%add3A_359, %dma_start3A_366] : memref<125x80xi32, #tpu.memory_space<vmem>> -> memref<1x80xi32, #tpu.memory_space<vmem>>
        %dma_start3A_368 = tpu.memref_squeeze %dma_start3A_367 : memref<1x80xi32, #tpu.memory_space<vmem>> -> memref<80xi32, #tpu.memory_space<vmem>>
        %dma_start3A_369 = arith.constant 0 : i32
        %dma_start3A_370 = arith.constant 0 : i32
        %dma_start3A_371 = tpu.memref_slice %arg2[%dma_start3A_369, %dma_start3A_370] : memref<10000x32xf32, #tpu.memory_space<hbm>> -> memref<10000x32xf32, #tpu.memory_space<hbm>>
        %dma_start3A_372 = tpu.memref_slice %arg12[%dma_start3A_361] : memref<5x!tpu.dma_semaphore, #tpu.memory_space<semaphore_mem>> -> memref<1x!tpu.dma_semaphore, #tpu.memory_space<semaphore_mem>>
        %dma_start3A_373 = tpu.memref_squeeze %dma_start3A_372 : memref<1x!tpu.dma_semaphore, #tpu.memory_space<semaphore_mem>> -> memref<!tpu.dma_semaphore, #tpu.memory_space<semaphore_mem>>
        tpu.enqueue_indirect_dma source(%dma_start3A_371 : memref<10000x32xf32, #tpu.memory_space<hbm>>) target(%dma_start3A_365 : memref<80x32xf32, #tpu.memory_space<vmem>>) offsets(%dma_start3A_368 : memref<80xi32, #tpu.memory_space<vmem>>) semaphore(%dma_start3A_373 : memref<!tpu.dma_semaphore, #tpu.memory_space<semaphore_mem>>)
      } else {
      }
      %mul3A_307 = arith.constant 5 : i32
      %mul3A_308 = arith.muli %scan3A_161, %mul3A_307 : i32
      %add3A_309 = arith.constant 4 : i32
      %add3A_310 = arith.addi %mul3A_308, %add3A_309 : i32
      %dma_wait3A_311 = arith.constant 4 : i32
      %dma_wait3A_312 = arith.constant 4 : i32
      %dma_wait3A_313 = arith.constant 0 : i32
      %dma_wait3A_314 = arith.constant 0 : i32
      %dma_wait3A_315 = tpu.memref_slice %arg9[%dma_wait3A_311, %dma_wait3A_313, %dma_wait3A_314] : memref<5x80x32xf32, #tpu.memory_space<vmem>> -> memref<1x80x32xf32, #tpu.memory_space<vmem>>
      %dma_wait3A_316 = tpu.memref_squeeze %dma_wait3A_315 : memref<1x80x32xf32, #tpu.memory_space<vmem>> -> memref<80x32xf32, #tpu.memory_space<vmem>>
      %dma_wait3A_317 = arith.constant 0 : i32
      %dma_wait3A_318 = tpu.memref_slice %arg7[%add3A_310, %dma_wait3A_317] : memref<125x80xi32, #tpu.memory_space<vmem>> -> memref<1x80xi32, #tpu.memory_space<vmem>>
      %dma_wait3A_319 = tpu.memref_squeeze %dma_wait3A_318 : memref<1x80xi32, #tpu.memory_space<vmem>> -> memref<80xi32, #tpu.memory_space<vmem>>
      %dma_wait3A_320 = arith.constant 0 : i32
      %dma_wait3A_321 = arith.constant 0 : i32
      %dma_wait3A_322 = tpu.memref_slice %arg2[%dma_wait3A_320, %dma_wait3A_321] : memref<10000x32xf32, #tpu.memory_space<hbm>> -> memref<10000x32xf32, #tpu.memory_space<hbm>>
      %dma_wait3A_323 = tpu.memref_slice %arg12[%dma_wait3A_312] : memref<5x!tpu.dma_semaphore, #tpu.memory_space<semaphore_mem>> -> memref<1x!tpu.dma_semaphore, #tpu.memory_space<semaphore_mem>>
      %dma_wait3A_324 = tpu.memref_squeeze %dma_wait3A_323 : memref<1x!tpu.dma_semaphore, #tpu.memory_space<semaphore_mem>> -> memref<!tpu.dma_semaphore, #tpu.memory_space<semaphore_mem>>
      tpu.wait_indirect_dma semaphore(%dma_wait3A_324 : memref<!tpu.dma_semaphore, #tpu.memory_space<semaphore_mem>>) src(%dma_wait3A_322 : memref<10000x32xf32, #tpu.memory_space<hbm>>) dst(%dma_wait3A_316 : memref<80x32xf32, #tpu.memory_space<vmem>>)
      %dma_start3A_325 = arith.constant 4 : i32
      %dma_start3A_326 = arith.constant 4 : i32
      %dma_start3A_327 = arith.constant 0 : i32
      %dma_start3A_328 = arith.constant 0 : i32
      %dma_start3A_329 = tpu.memref_slice %arg9[%dma_start3A_325, %dma_start3A_327, %dma_start3A_328] : memref<5x80x32xf32, #tpu.memory_space<vmem>> -> memref<1x80x32xf32, #tpu.memory_space<vmem>>
      %dma_start3A_330 = tpu.memref_squeeze %dma_start3A_329 : memref<1x80x32xf32, #tpu.memory_space<vmem>> -> memref<80x32xf32, #tpu.memory_space<vmem>>
      %dma_start3A_331 = arith.constant 0 : i32
      %dma_start3A_332 = tpu.memref_slice %arg8[%add3A_310, %dma_start3A_331] : memref<125x80xi32, #tpu.memory_space<vmem>> -> memref<1x80xi32, #tpu.memory_space<vmem>>
      %dma_start3A_333 = tpu.memref_squeeze %dma_start3A_332 : memref<1x80xi32, #tpu.memory_space<vmem>> -> memref<80xi32, #tpu.memory_space<vmem>>
      %dma_start3A_334 = arith.constant 0 : i32
      %dma_start3A_335 = arith.constant 0 : i32
      %dma_start3A_336 = tpu.memref_slice %arg11[%dma_start3A_334, %dma_start3A_335] : memref<10112x32xf32, #tpu.memory_space<vmem_shared>> -> memref<10112x32xf32, #tpu.memory_space<vmem_shared>>
      %dma_start3A_337 = tpu.memref_slice %arg13[%dma_start3A_326] : memref<5x!tpu.dma_semaphore, #tpu.memory_space<semaphore_mem>> -> memref<1x!tpu.dma_semaphore, #tpu.memory_space<semaphore_mem>>
      %dma_start3A_338 = tpu.memref_squeeze %dma_start3A_337 : memref<1x!tpu.dma_semaphore, #tpu.memory_space<semaphore_mem>> -> memref<!tpu.dma_semaphore, #tpu.memory_space<semaphore_mem>>
      tpu.enqueue_indirect_dma source(%dma_start3A_330 : memref<80x32xf32, #tpu.memory_space<vmem>>) target(%dma_start3A_336 : memref<10112x32xf32, #tpu.memory_space<vmem_shared>>) offsets(%dma_start3A_333 : memref<80xi32, #tpu.memory_space<vmem>>) semaphore(%dma_start3A_338 : memref<!tpu.dma_semaphore, #tpu.memory_space<semaphore_mem>>) {add = true}
      %lt3A_339 = arith.constant 24 : i32
      %lt3A_340 = arith.cmpi slt, %scan3A_161, %lt3A_339 : i32
      %convert_element_type3A_341 = arith.extui %lt3A_340 : i1 to i32
      %cond3A_342 = arith.constant 0 : i32
      %cond3A_343 = arith.cmpi ne, %convert_element_type3A_341, %cond3A_342 : i32
      scf.if %cond3A_343 {
        %dma_wait3A_344 = arith.constant 4 : i32
        %dma_wait3A_345 = arith.constant 4 : i32
        %dma_wait3A_346 = arith.constant 0 : i32
        %dma_wait3A_347 = arith.constant 0 : i32
        %dma_wait3A_348 = tpu.memref_slice %arg9[%dma_wait3A_344, %dma_wait3A_346, %dma_wait3A_347] : memref<5x80x32xf32, #tpu.memory_space<vmem>> -> memref<1x80x32xf32, #tpu.memory_space<vmem>>
        %dma_wait3A_349 = tpu.memref_squeeze %dma_wait3A_348 : memref<1x80x32xf32, #tpu.memory_space<vmem>> -> memref<80x32xf32, #tpu.memory_space<vmem>>
        %dma_wait3A_350 = arith.constant 0 : i32
        %dma_wait3A_351 = tpu.memref_slice %arg8[%add3A_310, %dma_wait3A_350] : memref<125x80xi32, #tpu.memory_space<vmem>> -> memref<1x80xi32, #tpu.memory_space<vmem>>
        %dma_wait3A_352 = tpu.memref_squeeze %dma_wait3A_351 : memref<1x80xi32, #tpu.memory_space<vmem>> -> memref<80xi32, #tpu.memory_space<vmem>>
        %dma_wait3A_353 = arith.constant 0 : i32
        %dma_wait3A_354 = arith.constant 0 : i32
        %dma_wait3A_355 = tpu.memref_slice %arg11[%dma_wait3A_353, %dma_wait3A_354] : memref<10112x32xf32, #tpu.memory_space<vmem_shared>> -> memref<10112x32xf32, #tpu.memory_space<vmem_shared>>
        %dma_wait3A_356 = tpu.memref_slice %arg13[%dma_wait3A_345] : memref<5x!tpu.dma_semaphore, #tpu.memory_space<semaphore_mem>> -> memref<1x!tpu.dma_semaphore, #tpu.memory_space<semaphore_mem>>
        %dma_wait3A_357 = tpu.memref_squeeze %dma_wait3A_356 : memref<1x!tpu.dma_semaphore, #tpu.memory_space<semaphore_mem>> -> memref<!tpu.dma_semaphore, #tpu.memory_space<semaphore_mem>>
        tpu.wait_indirect_dma semaphore(%dma_wait3A_357 : memref<!tpu.dma_semaphore, #tpu.memory_space<semaphore_mem>>) src(%dma_wait3A_349 : memref<80x32xf32, #tpu.memory_space<vmem>>) dst(%dma_wait3A_355 : memref<10112x32xf32, #tpu.memory_space<vmem_shared>>)
        %add3A_358 = arith.constant 5 : i32
        %add3A_359 = arith.addi %add3A_310, %add3A_358 : i32
        %dma_start3A_360 = arith.constant 4 : i32
        %dma_start3A_361 = arith.constant 4 : i32
        %dma_start3A_362 = arith.constant 0 : i32
        %dma_start3A_363 = arith.constant 0 : i32
        %dma_start3A_364 = tpu.memref_slice %arg9[%dma_start3A_360, %dma_start3A_362, %dma_start3A_363] : memref<5x80x32xf32, #tpu.memory_space<vmem>> -> memref<1x80x32xf32, #tpu.memory_space<vmem>>
        %dma_start3A_365 = tpu.memref_squeeze %dma_start3A_364 : memref<1x80x32xf32, #tpu.memory_space<vmem>> -> memref<80x32xf32, #tpu.memory_space<vmem>>
        %dma_start3A_366 = arith.constant 0 : i32
        %dma_start3A_367 = tpu.memref_slice %arg7[%add3A_359, %dma_start3A_366] : memref<125x80xi32, #tpu.memory_space<vmem>> -> memref<1x80xi32, #tpu.memory_space<vmem>>
        %dma_start3A_368 = tpu.memref_squeeze %dma_start3A_367 : memref<1x80xi32, #tpu.memory_space<vmem>> -> memref<80xi32, #tpu.memory_space<vmem>>
        %dma_start3A_369 = arith.constant 0 : i32
        %dma_start3A_370 = arith.constant 0 : i32
        %dma_start3A_371 = tpu.memref_slice %arg2[%dma_start3A_369, %dma_start3A_370] : memref<10000x32xf32, #tpu.memory_space<hbm>> -> memref<10000x32xf32, #tpu.memory_space<hbm>>
        %dma_start3A_372 = tpu.memref_slice %arg12[%dma_start3A_361] : memref<5x!tpu.dma_semaphore, #tpu.memory_space<semaphore_mem>> -> memref<1x!tpu.dma_semaphore, #tpu.memory_space<semaphore_mem>>
        %dma_start3A_373 = tpu.memref_squeeze %dma_start3A_372 : memref<1x!tpu.dma_semaphore, #tpu.memory_space<semaphore_mem>> -> memref<!tpu.dma_semaphore, #tpu.memory_space<semaphore_mem>>
        tpu.enqueue_indirect_dma source(%dma_start3A_371 : memref<10000x32xf32, #tpu.memory_space<hbm>>) target(%dma_start3A_365 : memref<80x32xf32, #tpu.memory_space<vmem>>) offsets(%dma_start3A_368 : memref<80xi32, #tpu.memory_space<vmem>>) semaphore(%dma_start3A_373 : memref<!tpu.dma_semaphore, #tpu.memory_space<semaphore_mem>>)
      } else {
      }
    }
    %scan3A_81 = arith.constant 25 : i32
    %dma_wait3A = arith.constant 0 : i32
    %dma_wait3A_82 = arith.constant 120 : i32
    %dma_wait3A_83 = arith.constant 0 : i32
    %dma_wait3A_84 = arith.constant 0 : i32
    %dma_wait3A_85 = arith.constant 0 : i32
    %dma_wait3A_86 = tpu.memref_slice %arg9[%dma_wait3A, %dma_wait3A_84, %dma_wait3A_85] : memref<5x80x32xf32, #tpu.memory_space<vmem>> -> memref<1x80x32xf32, #tpu.memory_space<vmem>>
    %dma_wait3A_87 = tpu.memref_squeeze %dma_wait3A_86 : memref<1x80x32xf32, #tpu.memory_space<vmem>> -> memref<80x32xf32, #tpu.memory_space<vmem>>
    %dma_wait3A_88 = arith.constant 0 : i32
    %dma_wait3A_89 = tpu.memref_slice %arg8[%dma_wait3A_82, %dma_wait3A_88] : memref<125x80xi32, #tpu.memory_space<vmem>> -> memref<1x80xi32, #tpu.memory_space<vmem>>
    %dma_wait3A_90 = tpu.memref_squeeze %dma_wait3A_89 : memref<1x80xi32, #tpu.memory_space<vmem>> -> memref<80xi32, #tpu.memory_space<vmem>>
    %dma_wait3A_91 = arith.constant 0 : i32
    %dma_wait3A_92 = arith.constant 0 : i32
    %dma_wait3A_93 = tpu.memref_slice %arg11[%dma_wait3A_91, %dma_wait3A_92] : memref<10112x32xf32, #tpu.memory_space<vmem_shared>> -> memref<10112x32xf32, #tpu.memory_space<vmem_shared>>
    %dma_wait3A_94 = tpu.memref_slice %arg13[%dma_wait3A_83] : memref<5x!tpu.dma_semaphore, #tpu.memory_space<semaphore_mem>> -> memref<1x!tpu.dma_semaphore, #tpu.memory_space<semaphore_mem>>
    %dma_wait3A_95 = tpu.memref_squeeze %dma_wait3A_94 : memref<1x!tpu.dma_semaphore, #tpu.memory_space<semaphore_mem>> -> memref<!tpu.dma_semaphore, #tpu.memory_space<semaphore_mem>>
    tpu.wait_indirect_dma semaphore(%dma_wait3A_95 : memref<!tpu.dma_semaphore, #tpu.memory_space<semaphore_mem>>) src(%dma_wait3A_87 : memref<80x32xf32, #tpu.memory_space<vmem>>) dst(%dma_wait3A_93 : memref<10112x32xf32, #tpu.memory_space<vmem_shared>>)
    %dma_wait3A_96 = arith.constant 1 : i32
    %dma_wait3A_97 = arith.constant 121 : i32
    %dma_wait3A_98 = arith.constant 1 : i32
    %dma_wait3A_99 = arith.constant 0 : i32
    %dma_wait3A_100 = arith.constant 0 : i32
    %dma_wait3A_101 = tpu.memref_slice %arg9[%dma_wait3A_96, %dma_wait3A_99, %dma_wait3A_100] : memref<5x80x32xf32, #tpu.memory_space<vmem>> -> memref<1x80x32xf32, #tpu.memory_space<vmem>>
    %dma_wait3A_102 = tpu.memref_squeeze %dma_wait3A_101 : memref<1x80x32xf32, #tpu.memory_space<vmem>> -> memref<80x32xf32, #tpu.memory_space<vmem>>
    %dma_wait3A_103 = arith.constant 0 : i32
    %dma_wait3A_104 = tpu.memref_slice %arg8[%dma_wait3A_97, %dma_wait3A_103] : memref<125x80xi32, #tpu.memory_space<vmem>> -> memref<1x80xi32, #tpu.memory_space<vmem>>
    %dma_wait3A_105 = tpu.memref_squeeze %dma_wait3A_104 : memref<1x80xi32, #tpu.memory_space<vmem>> -> memref<80xi32, #tpu.memory_space<vmem>>
    %dma_wait3A_106 = arith.constant 0 : i32
    %dma_wait3A_107 = arith.constant 0 : i32
    %dma_wait3A_108 = tpu.memref_slice %arg11[%dma_wait3A_106, %dma_wait3A_107] : memref<10112x32xf32, #tpu.memory_space<vmem_shared>> -> memref<10112x32xf32, #tpu.memory_space<vmem_shared>>
    %dma_wait3A_109 = tpu.memref_slice %arg13[%dma_wait3A_98] : memref<5x!tpu.dma_semaphore, #tpu.memory_space<semaphore_mem>> -> memref<1x!tpu.dma_semaphore, #tpu.memory_space<semaphore_mem>>
    %dma_wait3A_110 = tpu.memref_squeeze %dma_wait3A_109 : memref<1x!tpu.dma_semaphore, #tpu.memory_space<semaphore_mem>> -> memref<!tpu.dma_semaphore, #tpu.memory_space<semaphore_mem>>
    tpu.wait_indirect_dma semaphore(%dma_wait3A_110 : memref<!tpu.dma_semaphore, #tpu.memory_space<semaphore_mem>>) src(%dma_wait3A_102 : memref<80x32xf32, #tpu.memory_space<vmem>>) dst(%dma_wait3A_108 : memref<10112x32xf32, #tpu.memory_space<vmem_shared>>)
    %dma_wait3A_111 = arith.constant 2 : i32
    %dma_wait3A_112 = arith.constant 122 : i32
    %dma_wait3A_113 = arith.constant 2 : i32
    %dma_wait3A_114 = arith.constant 0 : i32
    %dma_wait3A_115 = arith.constant 0 : i32
    %dma_wait3A_116 = tpu.memref_slice %arg9[%dma_wait3A_111, %dma_wait3A_114, %dma_wait3A_115] : memref<5x80x32xf32, #tpu.memory_space<vmem>> -> memref<1x80x32xf32, #tpu.memory_space<vmem>>
    %dma_wait3A_117 = tpu.memref_squeeze %dma_wait3A_116 : memref<1x80x32xf32, #tpu.memory_space<vmem>> -> memref<80x32xf32, #tpu.memory_space<vmem>>
    %dma_wait3A_118 = arith.constant 0 : i32
    %dma_wait3A_119 = tpu.memref_slice %arg8[%dma_wait3A_112, %dma_wait3A_118] : memref<125x80xi32, #tpu.memory_space<vmem>> -> memref<1x80xi32, #tpu.memory_space<vmem>>
    %dma_wait3A_120 = tpu.memref_squeeze %dma_wait3A_119 : memref<1x80xi32, #tpu.memory_space<vmem>> -> memref<80xi32, #tpu.memory_space<vmem>>
    %dma_wait3A_121 = arith.constant 0 : i32
    %dma_wait3A_122 = arith.constant 0 : i32
    %dma_wait3A_123 = tpu.memref_slice %arg11[%dma_wait3A_121, %dma_wait3A_122] : memref<10112x32xf32, #tpu.memory_space<vmem_shared>> -> memref<10112x32xf32, #tpu.memory_space<vmem_shared>>
    %dma_wait3A_124 = tpu.memref_slice %arg13[%dma_wait3A_113] : memref<5x!tpu.dma_semaphore, #tpu.memory_space<semaphore_mem>> -> memref<1x!tpu.dma_semaphore, #tpu.memory_space<semaphore_mem>>
    %dma_wait3A_125 = tpu.memref_squeeze %dma_wait3A_124 : memref<1x!tpu.dma_semaphore, #tpu.memory_space<semaphore_mem>> -> memref<!tpu.dma_semaphore, #tpu.memory_space<semaphore_mem>>
    tpu.wait_indirect_dma semaphore(%dma_wait3A_125 : memref<!tpu.dma_semaphore, #tpu.memory_space<semaphore_mem>>) src(%dma_wait3A_117 : memref<80x32xf32, #tpu.memory_space<vmem>>) dst(%dma_wait3A_123 : memref<10112x32xf32, #tpu.memory_space<vmem_shared>>)
    %dma_wait3A_126 = arith.constant 3 : i32
    %dma_wait3A_127 = arith.constant 123 : i32
    %dma_wait3A_128 = arith.constant 3 : i32
    %dma_wait3A_129 = arith.constant 0 : i32
    %dma_wait3A_130 = arith.constant 0 : i32
    %dma_wait3A_131 = tpu.memref_slice %arg9[%dma_wait3A_126, %dma_wait3A_129, %dma_wait3A_130] : memref<5x80x32xf32, #tpu.memory_space<vmem>> -> memref<1x80x32xf32, #tpu.memory_space<vmem>>
    %dma_wait3A_132 = tpu.memref_squeeze %dma_wait3A_131 : memref<1x80x32xf32, #tpu.memory_space<vmem>> -> memref<80x32xf32, #tpu.memory_space<vmem>>
    %dma_wait3A_133 = arith.constant 0 : i32
    %dma_wait3A_134 = tpu.memref_slice %arg8[%dma_wait3A_127, %dma_wait3A_133] : memref<125x80xi32, #tpu.memory_space<vmem>> -> memref<1x80xi32, #tpu.memory_space<vmem>>
    %dma_wait3A_135 = tpu.memref_squeeze %dma_wait3A_134 : memref<1x80xi32, #tpu.memory_space<vmem>> -> memref<80xi32, #tpu.memory_space<vmem>>
    %dma_wait3A_136 = arith.constant 0 : i32
    %dma_wait3A_137 = arith.constant 0 : i32
    %dma_wait3A_138 = tpu.memref_slice %arg11[%dma_wait3A_136, %dma_wait3A_137] : memref<10112x32xf32, #tpu.memory_space<vmem_shared>> -> memref<10112x32xf32, #tpu.memory_space<vmem_shared>>
    %dma_wait3A_139 = tpu.memref_slice %arg13[%dma_wait3A_128] : memref<5x!tpu.dma_semaphore, #tpu.memory_space<semaphore_mem>> -> memref<1x!tpu.dma_semaphore, #tpu.memory_space<semaphore_mem>>
    %dma_wait3A_140 = tpu.memref_squeeze %dma_wait3A_139 : memref<1x!tpu.dma_semaphore, #tpu.memory_space<semaphore_mem>> -> memref<!tpu.dma_semaphore, #tpu.memory_space<semaphore_mem>>
    tpu.wait_indirect_dma semaphore(%dma_wait3A_140 : memref<!tpu.dma_semaphore, #tpu.memory_space<semaphore_mem>>) src(%dma_wait3A_132 : memref<80x32xf32, #tpu.memory_space<vmem>>) dst(%dma_wait3A_138 : memref<10112x32xf32, #tpu.memory_space<vmem_shared>>)
    %dma_wait3A_141 = arith.constant 4 : i32
    %dma_wait3A_142 = arith.constant 124 : i32
    %dma_wait3A_143 = arith.constant 4 : i32
    %dma_wait3A_144 = arith.constant 0 : i32
    %dma_wait3A_145 = arith.constant 0 : i32
    %dma_wait3A_146 = tpu.memref_slice %arg9[%dma_wait3A_141, %dma_wait3A_144, %dma_wait3A_145] : memref<5x80x32xf32, #tpu.memory_space<vmem>> -> memref<1x80x32xf32, #tpu.memory_space<vmem>>
    %dma_wait3A_147 = tpu.memref_squeeze %dma_wait3A_146 : memref<1x80x32xf32, #tpu.memory_space<vmem>> -> memref<80x32xf32, #tpu.memory_space<vmem>>
    %dma_wait3A_148 = arith.constant 0 : i32
    %dma_wait3A_149 = tpu.memref_slice %arg8[%dma_wait3A_142, %dma_wait3A_148] : memref<125x80xi32, #tpu.memory_space<vmem>> -> memref<1x80xi32, #tpu.memory_space<vmem>>
    %dma_wait3A_150 = tpu.memref_squeeze %dma_wait3A_149 : memref<1x80xi32, #tpu.memory_space<vmem>> -> memref<80xi32, #tpu.memory_space<vmem>>
    %dma_wait3A_151 = arith.constant 0 : i32
    %dma_wait3A_152 = arith.constant 0 : i32
    %dma_wait3A_153 = tpu.memref_slice %arg11[%dma_wait3A_151, %dma_wait3A_152] : memref<10112x32xf32, #tpu.memory_space<vmem_shared>> -> memref<10112x32xf32, #tpu.memory_space<vmem_shared>>
    %dma_wait3A_154 = tpu.memref_slice %arg13[%dma_wait3A_143] : memref<5x!tpu.dma_semaphore, #tpu.memory_space<semaphore_mem>> -> memref<1x!tpu.dma_semaphore, #tpu.memory_space<semaphore_mem>>
    %dma_wait3A_155 = tpu.memref_squeeze %dma_wait3A_154 : memref<1x!tpu.dma_semaphore, #tpu.memory_space<semaphore_mem>> -> memref<!tpu.dma_semaphore, #tpu.memory_space<semaphore_mem>>
    tpu.wait_indirect_dma semaphore(%dma_wait3A_155 : memref<!tpu.dma_semaphore, #tpu.memory_space<semaphore_mem>>) src(%dma_wait3A_147 : memref<80x32xf32, #tpu.memory_space<vmem>>) dst(%dma_wait3A_153 : memref<10112x32xf32, #tpu.memory_space<vmem_shared>>)
    %barrier3A_156 = arith.constant 0 : index
    tpu.barrier barrier_id(%barrier3A_156)
    %mul3A_157 = arith.constant 632 : i32
    %mul3A_158 = arith.muli %arg1, %mul3A_157 : i32
    "tpu.region"() ({
      %run_scoped3A = tpu.sem_alloc : memref<!tpu.dma_semaphore, #tpu.memory_space<semaphore_mem>>
      %dma_start3A_161 = arith.constant 0 : i32
      %dma_start3A_162 = tpu.memref_slice %arg11[%mul3A_158, %dma_start3A_161] : memref<10112x32xf32, #tpu.memory_space<vmem_shared>> -> memref<632x32xf32, #tpu.memory_space<vmem_shared>>
      %dma_start3A_163 = arith.constant 0 : i32
      %dma_start3A_164 = tpu.memref_slice %arg11[%mul3A_158, %dma_start3A_163] : memref<10112x32xf32, #tpu.memory_space<vmem_shared>> -> memref<632x32xf32, #tpu.memory_space<vmem_shared>>
      tpu.enqueue_dma source(%dma_start3A_164 : memref<632x32xf32, #tpu.memory_space<vmem_shared>>) target(%arg10 : memref<632x32xf32, #tpu.memory_space<vmem>>) target_semaphore(%run_scoped3A : memref<!tpu.dma_semaphore, #tpu.memory_space<semaphore_mem>>)
      %dma_wait3A_165 = arith.constant 0 : i32
      %dma_wait3A_166 = tpu.memref_slice %arg11[%mul3A_158, %dma_wait3A_165] : memref<10112x32xf32, #tpu.memory_space<vmem_shared>> -> memref<632x32xf32, #tpu.memory_space<vmem_shared>>
      %dma_wait3A_167 = arith.constant 0 : i32
      %dma_wait3A_168 = tpu.memref_slice %arg11[%mul3A_158, %dma_wait3A_167] : memref<10112x32xf32, #tpu.memory_space<vmem_shared>> -> memref<632x32xf32, #tpu.memory_space<vmem_shared>>
      tpu.wait_dma2 semaphore(%run_scoped3A : memref<!tpu.dma_semaphore, #tpu.memory_space<semaphore_mem>>) src(%dma_wait3A_168 : memref<632x32xf32, #tpu.memory_space<vmem_shared>>) dst(%arg10 : memref<632x32xf32, #tpu.memory_space<vmem>>)
      tpu.yield
    }) : () -> ()
    %mul3A_159 = arith.constant 632 : i32
    %mul3A_160 = arith.muli %arg1, %mul3A_159 : i32
    "tpu.region"() ({
      %run_scoped3A = tpu.sem_alloc : memref<!tpu.dma_semaphore, #tpu.memory_space<semaphore_mem>>
      %dma_start3A_161 = arith.constant 0 : i32
      %dma_start3A_162 = tpu.memref_slice %arg6[%arg0, %mul3A_160, %dma_start3A_161] : memref<2x10112x32xf32, #tpu.memory_space<hbm>> -> memref<1x632x32xf32, #tpu.memory_space<hbm>>
      %dma_start3A_163 = tpu.memref_squeeze %dma_start3A_162 : memref<1x632x32xf32, #tpu.memory_space<hbm>> -> memref<632x32xf32, #tpu.memory_space<hbm>>
      %dma_start3A_164 = arith.constant 0 : i32
      %dma_start3A_165 = tpu.memref_slice %arg6[%arg0, %mul3A_160, %dma_start3A_164] : memref<2x10112x32xf32, #tpu.memory_space<hbm>> -> memref<1x632x32xf32, #tpu.memory_space<hbm>>
      %dma_start3A_166 = tpu.memref_squeeze %dma_start3A_165 : memref<1x632x32xf32, #tpu.memory_space<hbm>> -> memref<632x32xf32, #tpu.memory_space<hbm>>
      tpu.enqueue_dma source(%arg10 : memref<632x32xf32, #tpu.memory_space<vmem>>) target(%dma_start3A_166 : memref<632x32xf32, #tpu.memory_space<hbm>>) target_semaphore(%run_scoped3A : memref<!tpu.dma_semaphore, #tpu.memory_space<semaphore_mem>>)
      %dma_wait3A_167 = arith.constant 0 : i32
      %dma_wait3A_168 = tpu.memref_slice %arg6[%arg0, %mul3A_160, %dma_wait3A_167] : memref<2x10112x32xf32, #tpu.memory_space<hbm>> -> memref<1x632x32xf32, #tpu.memory_space<hbm>>
      %dma_wait3A_169 = tpu.memref_squeeze %dma_wait3A_168 : memref<1x632x32xf32, #tpu.memory_space<hbm>> -> memref<632x32xf32, #tpu.memory_space<hbm>>
      %dma_wait3A_170 = arith.constant 0 : i32
      %dma_wait3A_171 = tpu.memref_slice %arg6[%arg0, %mul3A_160, %dma_wait3A_170] : memref<2x10112x32xf32, #tpu.memory_space<hbm>> -> memref<1x632x32xf32, #tpu.memory_space<hbm>>
      %dma_wait3A_172 = tpu.memref_squeeze %dma_wait3A_171 : memref<1x632x32xf32, #tpu.memory_space<hbm>> -> memref<632x32xf32, #tpu.memory_space<hbm>>
      tpu.wait_dma2 semaphore(%run_scoped3A : memref<!tpu.dma_semaphore, #tpu.memory_space<semaphore_mem>>) src(%arg10 : memref<632x32xf32, #tpu.memory_space<vmem>>) dst(%dma_wait3A_172 : memref<632x32xf32, #tpu.memory_space<hbm>>)
      tpu.yield
    }) : () -> ()
    return
  }
}

#map = affine_map<(d0, d1) -> (0, 0)>
#map1 = affine_map<(d0, d1) -> (0, 0, 0)>
module attributes {stable_mosaic.version = 14 : i64} {
  func.func @prop_kernel(%arg0: i32, %arg1: i32, %arg2: memref<10000x32xf32, #tpu.memory_space<hbm>>, %arg3: memref<32x125x80xi32, #tpu.memory_space<hbm>>, %arg4: memref<32x125x80xi32, #tpu.memory_space<hbm>>, %arg5: memref<632x32xf32, #tpu.memory_space<hbm>>, %arg6: memref<2x10112x32xf32, #tpu.memory_space<hbm>>, %arg7: memref<125x80xi32, #tpu.memory_space<vmem>>, %arg8: memref<125x80xi32, #tpu.memory_space<vmem>>, %arg9: memref<5x80x32xf32, #tpu.memory_space<vmem>>, %arg10: memref<632x32xf32, #tpu.memory_space<vmem>>, %arg11: memref<10112x32xf32, #tpu.memory_space<vmem_shared>>, %arg12: memref<5x!tpu.dma_semaphore, #tpu.memory_space<semaphore_mem>>, %arg13: memref<5x!tpu.dma_semaphore, #tpu.memory_space<semaphore_mem>>) attributes {dimension_semantics = [#tpu.dimension_semantics<core_parallel>, #tpu.dimension_semantics<subcore_parallel>], iteration_bounds = array<i64: 2, 16>, scalar_prefetch = 0 : i64, scratch_operands = 7 : i64, tpu.core_type = #tpu.core_type<sc_vector_subcore>, window_params = [{transform_indices = #map}, {transform_indices = #map1}, {transform_indices = #map1}, {transform_indices = #map}, {transform_indices = #map1}]} {
    %mul3A = arith.constant 2 : i32
    %mul3A_0 = arith.muli %arg1, %mul3A : i32
    %add3A = arith.addi %mul3A_0, %arg0 : i32
    "tpu.region"() ({
      %run_scoped3A = tpu.sem_alloc : memref<!tpu.dma_semaphore, #tpu.memory_space<semaphore_mem>>
      tpu.enqueue_dma source(%arg5 : memref<632x32xf32, #tpu.memory_space<hbm>>) target(%arg10 : memref<632x32xf32, #tpu.memory_space<vmem>>) target_semaphore(%run_scoped3A : memref<!tpu.dma_semaphore, #tpu.memory_space<semaphore_mem>>)
      tpu.wait_dma2 semaphore(%run_scoped3A : memref<!tpu.dma_semaphore, #tpu.memory_space<semaphore_mem>>) src(%arg5 : memref<632x32xf32, #tpu.memory_space<hbm>>) dst(%arg10 : memref<632x32xf32, #tpu.memory_space<vmem>>)
      tpu.yield
    }) : () -> ()
    %mul3A_1 = arith.constant 632 : i32
    %mul3A_2 = arith.muli %arg1, %mul3A_1 : i32
    "tpu.region"() ({
      %run_scoped3A = tpu.sem_alloc : memref<!tpu.dma_semaphore, #tpu.memory_space<semaphore_mem>>
      %dma_start3A_161 = arith.constant 0 : i32
      %dma_start3A_162 = tpu.memref_slice %arg11[%mul3A_2, %dma_start3A_161] : memref<10112x32xf32, #tpu.memory_space<vmem_shared>> -> memref<632x32xf32, #tpu.memory_space<vmem_shared>>
      %dma_start3A_163 = arith.constant 0 : i32
      %dma_start3A_164 = tpu.memref_slice %arg11[%mul3A_2, %dma_start3A_163] : memref<10112x32xf32, #tpu.memory_space<vmem_shared>> -> memref<632x32xf32, #tpu.memory_space<vmem_shared>>
      tpu.enqueue_dma source(%arg10 : memref<632x32xf32, #tpu.memory_space<vmem>>) target(%dma_start3A_164 : memref<632x32xf32, #tpu.memory_space<vmem_shared>>) target_semaphore(%run_scoped3A : memref<!tpu.dma_semaphore, #tpu.memory_space<semaphore_mem>>)
      %dma_wait3A_165 = arith.constant 0 : i32
      %dma_wait3A_166 = tpu.memref_slice %arg11[%mul3A_2, %dma_wait3A_165] : memref<10112x32xf32, #tpu.memory_space<vmem_shared>> -> memref<632x32xf32, #tpu.memory_space<vmem_shared>>
      %dma_wait3A_167 = arith.constant 0 : i32
      %dma_wait3A_168 = tpu.memref_slice %arg11[%mul3A_2, %dma_wait3A_167] : memref<10112x32xf32, #tpu.memory_space<vmem_shared>> -> memref<632x32xf32, #tpu.memory_space<vmem_shared>>
      tpu.wait_dma2 semaphore(%run_scoped3A : memref<!tpu.dma_semaphore, #tpu.memory_space<semaphore_mem>>) src(%arg10 : memref<632x32xf32, #tpu.memory_space<vmem>>) dst(%dma_wait3A_168 : memref<632x32xf32, #tpu.memory_space<vmem_shared>>)
      tpu.yield
    }) : () -> ()
    "tpu.region"() ({
      %run_scoped3A = tpu.sem_alloc : memref<!tpu.dma_semaphore, #tpu.memory_space<semaphore_mem>>
      %dma_start3A_161 = arith.constant 0 : i32
      %dma_start3A_162 = arith.constant 0 : i32
      %dma_start3A_163 = tpu.memref_slice %arg3[%add3A, %dma_start3A_161, %dma_start3A_162] : memref<32x125x80xi32, #tpu.memory_space<hbm>> -> memref<1x125x80xi32, #tpu.memory_space<hbm>>
      %dma_start3A_164 = tpu.memref_squeeze %dma_start3A_163 : memref<1x125x80xi32, #tpu.memory_space<hbm>> -> memref<125x80xi32, #tpu.memory_space<hbm>>
      %dma_start3A_165 = arith.constant 0 : i32
      %dma_start3A_166 = arith.constant 0 : i32
      %dma_start3A_167 = tpu.memref_slice %arg3[%add3A, %dma_start3A_165, %dma_start3A_166] : memref<32x125x80xi32, #tpu.memory_space<hbm>> -> memref<1x125x80xi32, #tpu.memory_space<hbm>>
      %dma_start3A_168 = tpu.memref_squeeze %dma_start3A_167 : memref<1x125x80xi32, #tpu.memory_space<hbm>> -> memref<125x80xi32, #tpu.memory_space<hbm>>
      tpu.enqueue_dma source(%dma_start3A_168 : memref<125x80xi32, #tpu.memory_space<hbm>>) target(%arg7 : memref<125x80xi32, #tpu.memory_space<vmem>>) target_semaphore(%run_scoped3A : memref<!tpu.dma_semaphore, #tpu.memory_space<semaphore_mem>>)
      %dma_wait3A_169 = arith.constant 0 : i32
      %dma_wait3A_170 = arith.constant 0 : i32
      %dma_wait3A_171 = tpu.memref_slice %arg3[%add3A, %dma_wait3A_169, %dma_wait3A_170] : memref<32x125x80xi32, #tpu.memory_space<hbm>> -> memref<1x125x80xi32, #tpu.memory_space<hbm>>
      %dma_wait3A_172 = tpu.memref_squeeze %dma_wait3A_171 : memref<1x125x80xi32, #tpu.memory_space<hbm>> -> memref<125x80xi32, #tpu.memory_space<hbm>>
      %dma_wait3A_173 = arith.constant 0 : i32
      %dma_wait3A_174 = arith.constant 0 : i32
      %dma_wait3A_175 = tpu.memref_slice %arg3[%add3A, %dma_wait3A_173, %dma_wait3A_174] : memref<32x125x80xi32, #tpu.memory_space<hbm>> -> memref<1x125x80xi32, #tpu.memory_space<hbm>>
      %dma_wait3A_176 = tpu.memref_squeeze %dma_wait3A_175 : memref<1x125x80xi32, #tpu.memory_space<hbm>> -> memref<125x80xi32, #tpu.memory_space<hbm>>
      tpu.wait_dma2 semaphore(%run_scoped3A : memref<!tpu.dma_semaphore, #tpu.memory_space<semaphore_mem>>) src(%dma_wait3A_176 : memref<125x80xi32, #tpu.memory_space<hbm>>) dst(%arg7 : memref<125x80xi32, #tpu.memory_space<vmem>>)
      tpu.yield
    }) : () -> ()
    "tpu.region"() ({
      %run_scoped3A = tpu.sem_alloc : memref<!tpu.dma_semaphore, #tpu.memory_space<semaphore_mem>>
      %dma_start3A_161 = arith.constant 0 : i32
      %dma_start3A_162 = arith.constant 0 : i32
      %dma_start3A_163 = tpu.memref_slice %arg4[%add3A, %dma_start3A_161, %dma_start3A_162] : memref<32x125x80xi32, #tpu.memory_space<hbm>> -> memref<1x125x80xi32, #tpu.memory_space<hbm>>
      %dma_start3A_164 = tpu.memref_squeeze %dma_start3A_163 : memref<1x125x80xi32, #tpu.memory_space<hbm>> -> memref<125x80xi32, #tpu.memory_space<hbm>>
      %dma_start3A_165 = arith.constant 0 : i32
      %dma_start3A_166 = arith.constant 0 : i32
      %dma_start3A_167 = tpu.memref_slice %arg4[%add3A, %dma_start3A_165, %dma_start3A_166] : memref<32x125x80xi32, #tpu.memory_space<hbm>> -> memref<1x125x80xi32, #tpu.memory_space<hbm>>
      %dma_start3A_168 = tpu.memref_squeeze %dma_start3A_167 : memref<1x125x80xi32, #tpu.memory_space<hbm>> -> memref<125x80xi32, #tpu.memory_space<hbm>>
      tpu.enqueue_dma source(%dma_start3A_168 : memref<125x80xi32, #tpu.memory_space<hbm>>) target(%arg8 : memref<125x80xi32, #tpu.memory_space<vmem>>) target_semaphore(%run_scoped3A : memref<!tpu.dma_semaphore, #tpu.memory_space<semaphore_mem>>)
      %dma_wait3A_169 = arith.constant 0 : i32
      %dma_wait3A_170 = arith.constant 0 : i32
      %dma_wait3A_171 = tpu.memref_slice %arg4[%add3A, %dma_wait3A_169, %dma_wait3A_170] : memref<32x125x80xi32, #tpu.memory_space<hbm>> -> memref<1x125x80xi32, #tpu.memory_space<hbm>>
      %dma_wait3A_172 = tpu.memref_squeeze %dma_wait3A_171 : memref<1x125x80xi32, #tpu.memory_space<hbm>> -> memref<125x80xi32, #tpu.memory_space<hbm>>
      %dma_wait3A_173 = arith.constant 0 : i32
      %dma_wait3A_174 = arith.constant 0 : i32
      %dma_wait3A_175 = tpu.memref_slice %arg4[%add3A, %dma_wait3A_173, %dma_wait3A_174] : memref<32x125x80xi32, #tpu.memory_space<hbm>> -> memref<1x125x80xi32, #tpu.memory_space<hbm>>
      %dma_wait3A_176 = tpu.memref_squeeze %dma_wait3A_175 : memref<1x125x80xi32, #tpu.memory_space<hbm>> -> memref<125x80xi32, #tpu.memory_space<hbm>>
      tpu.wait_dma2 semaphore(%run_scoped3A : memref<!tpu.dma_semaphore, #tpu.memory_space<semaphore_mem>>) src(%dma_wait3A_176 : memref<125x80xi32, #tpu.memory_space<hbm>>) dst(%arg8 : memref<125x80xi32, #tpu.memory_space<vmem>>)
      tpu.yield
    }) : () -> ()
    %barrier3A = arith.constant 0 : index
    tpu.barrier barrier_id(%barrier3A)
    %dma_start3A = arith.constant 0 : i32
    %dma_start3A_3 = arith.constant 0 : i32
    %dma_start3A_4 = arith.constant 0 : i32
    %dma_start3A_5 = arith.constant 0 : i32
    %dma_start3A_6 = arith.constant 0 : i32
    %dma_start3A_7 = tpu.memref_slice %arg9[%dma_start3A_3, %dma_start3A_5, %dma_start3A_6] : memref<5x80x32xf32, #tpu.memory_space<vmem>> -> memref<1x80x32xf32, #tpu.memory_space<vmem>>
    %dma_start3A_8 = tpu.memref_squeeze %dma_start3A_7 : memref<1x80x32xf32, #tpu.memory_space<vmem>> -> memref<80x32xf32, #tpu.memory_space<vmem>>
    %dma_start3A_9 = arith.constant 0 : i32
    %dma_start3A_10 = tpu.memref_slice %arg7[%dma_start3A, %dma_start3A_9] : memref<125x80xi32, #tpu.memory_space<vmem>> -> memref<1x80xi32, #tpu.memory_space<vmem>>
    %dma_start3A_11 = tpu.memref_squeeze %dma_start3A_10 : memref<1x80xi32, #tpu.memory_space<vmem>> -> memref<80xi32, #tpu.memory_space<vmem>>
    %dma_start3A_12 = arith.constant 0 : i32
    %dma_start3A_13 = arith.constant 0 : i32
    %dma_start3A_14 = tpu.memref_slice %arg2[%dma_start3A_12, %dma_start3A_13] : memref<10000x32xf32, #tpu.memory_space<hbm>> -> memref<10000x32xf32, #tpu.memory_space<hbm>>
    %dma_start3A_15 = tpu.memref_slice %arg12[%dma_start3A_4] : memref<5x!tpu.dma_semaphore, #tpu.memory_space<semaphore_mem>> -> memref<1x!tpu.dma_semaphore, #tpu.memory_space<semaphore_mem>>
    %dma_start3A_16 = tpu.memref_squeeze %dma_start3A_15 : memref<1x!tpu.dma_semaphore, #tpu.memory_space<semaphore_mem>> -> memref<!tpu.dma_semaphore, #tpu.memory_space<semaphore_mem>>
    tpu.enqueue_indirect_dma source(%dma_start3A_14 : memref<10000x32xf32, #tpu.memory_space<hbm>>) target(%dma_start3A_8 : memref<80x32xf32, #tpu.memory_space<vmem>>) offsets(%dma_start3A_11 : memref<80xi32, #tpu.memory_space<vmem>>) semaphore(%dma_start3A_16 : memref<!tpu.dma_semaphore, #tpu.memory_space<semaphore_mem>>)
    %dma_start3A_17 = arith.constant 1 : i32
    %dma_start3A_18 = arith.constant 1 : i32
    %dma_start3A_19 = arith.constant 1 : i32
    %dma_start3A_20 = arith.constant 0 : i32
    %dma_start3A_21 = arith.constant 0 : i32
    %dma_start3A_22 = tpu.memref_slice %arg9[%dma_start3A_18, %dma_start3A_20, %dma_start3A_21] : memref<5x80x32xf32, #tpu.memory_space<vmem>> -> memref<1x80x32xf32, #tpu.memory_space<vmem>>
    %dma_start3A_23 = tpu.memref_squeeze %dma_start3A_22 : memref<1x80x32xf32, #tpu.memory_space<vmem>> -> memref<80x32xf32, #tpu.memory_space<vmem>>
    %dma_start3A_24 = arith.constant 0 : i32
    %dma_start3A_25 = tpu.memref_slice %arg7[%dma_start3A_17, %dma_start3A_24] : memref<125x80xi32, #tpu.memory_space<vmem>> -> memref<1x80xi32, #tpu.memory_space<vmem>>
    %dma_start3A_26 = tpu.memref_squeeze %dma_start3A_25 : memref<1x80xi32, #tpu.memory_space<vmem>> -> memref<80xi32, #tpu.memory_space<vmem>>
    %dma_start3A_27 = arith.constant 0 : i32
    %dma_start3A_28 = arith.constant 0 : i32
    %dma_start3A_29 = tpu.memref_slice %arg2[%dma_start3A_27, %dma_start3A_28] : memref<10000x32xf32, #tpu.memory_space<hbm>> -> memref<10000x32xf32, #tpu.memory_space<hbm>>
    %dma_start3A_30 = tpu.memref_slice %arg12[%dma_start3A_19] : memref<5x!tpu.dma_semaphore, #tpu.memory_space<semaphore_mem>> -> memref<1x!tpu.dma_semaphore, #tpu.memory_space<semaphore_mem>>
    %dma_start3A_31 = tpu.memref_squeeze %dma_start3A_30 : memref<1x!tpu.dma_semaphore, #tpu.memory_space<semaphore_mem>> -> memref<!tpu.dma_semaphore, #tpu.memory_space<semaphore_mem>>
    tpu.enqueue_indirect_dma source(%dma_start3A_29 : memref<10000x32xf32, #tpu.memory_space<hbm>>) target(%dma_start3A_23 : memref<80x32xf32, #tpu.memory_space<vmem>>) offsets(%dma_start3A_26 : memref<80xi32, #tpu.memory_space<vmem>>) semaphore(%dma_start3A_31 : memref<!tpu.dma_semaphore, #tpu.memory_space<semaphore_mem>>)
    %dma_start3A_32 = arith.constant 2 : i32
    %dma_start3A_33 = arith.constant 2 : i32
    %dma_start3A_34 = arith.constant 2 : i32
    %dma_start3A_35 = arith.constant 0 : i32
    %dma_start3A_36 = arith.constant 0 : i32
    %dma_start3A_37 = tpu.memref_slice %arg9[%dma_start3A_33, %dma_start3A_35, %dma_start3A_36] : memref<5x80x32xf32, #tpu.memory_space<vmem>> -> memref<1x80x32xf32, #tpu.memory_space<vmem>>
    %dma_start3A_38 = tpu.memref_squeeze %dma_start3A_37 : memref<1x80x32xf32, #tpu.memory_space<vmem>> -> memref<80x32xf32, #tpu.memory_space<vmem>>
    %dma_start3A_39 = arith.constant 0 : i32
    %dma_start3A_40 = tpu.memref_slice %arg7[%dma_start3A_32, %dma_start3A_39] : memref<125x80xi32, #tpu.memory_space<vmem>> -> memref<1x80xi32, #tpu.memory_space<vmem>>
    %dma_start3A_41 = tpu.memref_squeeze %dma_start3A_40 : memref<1x80xi32, #tpu.memory_space<vmem>> -> memref<80xi32, #tpu.memory_space<vmem>>
    %dma_start3A_42 = arith.constant 0 : i32
    %dma_start3A_43 = arith.constant 0 : i32
    %dma_start3A_44 = tpu.memref_slice %arg2[%dma_start3A_42, %dma_start3A_43] : memref<10000x32xf32, #tpu.memory_space<hbm>> -> memref<10000x32xf32, #tpu.memory_space<hbm>>
    %dma_start3A_45 = tpu.memref_slice %arg12[%dma_start3A_34] : memref<5x!tpu.dma_semaphore, #tpu.memory_space<semaphore_mem>> -> memref<1x!tpu.dma_semaphore, #tpu.memory_space<semaphore_mem>>
    %dma_start3A_46 = tpu.memref_squeeze %dma_start3A_45 : memref<1x!tpu.dma_semaphore, #tpu.memory_space<semaphore_mem>> -> memref<!tpu.dma_semaphore, #tpu.memory_space<semaphore_mem>>
    tpu.enqueue_indirect_dma source(%dma_start3A_44 : memref<10000x32xf32, #tpu.memory_space<hbm>>) target(%dma_start3A_38 : memref<80x32xf32, #tpu.memory_space<vmem>>) offsets(%dma_start3A_41 : memref<80xi32, #tpu.memory_space<vmem>>) semaphore(%dma_start3A_46 : memref<!tpu.dma_semaphore, #tpu.memory_space<semaphore_mem>>)
    %dma_start3A_47 = arith.constant 3 : i32
    %dma_start3A_48 = arith.constant 3 : i32
    %dma_start3A_49 = arith.constant 3 : i32
    %dma_start3A_50 = arith.constant 0 : i32
    %dma_start3A_51 = arith.constant 0 : i32
    %dma_start3A_52 = tpu.memref_slice %arg9[%dma_start3A_48, %dma_start3A_50, %dma_start3A_51] : memref<5x80x32xf32, #tpu.memory_space<vmem>> -> memref<1x80x32xf32, #tpu.memory_space<vmem>>
    %dma_start3A_53 = tpu.memref_squeeze %dma_start3A_52 : memref<1x80x32xf32, #tpu.memory_space<vmem>> -> memref<80x32xf32, #tpu.memory_space<vmem>>
    %dma_start3A_54 = arith.constant 0 : i32
    %dma_start3A_55 = tpu.memref_slice %arg7[%dma_start3A_47, %dma_start3A_54] : memref<125x80xi32, #tpu.memory_space<vmem>> -> memref<1x80xi32, #tpu.memory_space<vmem>>
    %dma_start3A_56 = tpu.memref_squeeze %dma_start3A_55 : memref<1x80xi32, #tpu.memory_space<vmem>> -> memref<80xi32, #tpu.memory_space<vmem>>
    %dma_start3A_57 = arith.constant 0 : i32
    %dma_start3A_58 = arith.constant 0 : i32
    %dma_start3A_59 = tpu.memref_slice %arg2[%dma_start3A_57, %dma_start3A_58] : memref<10000x32xf32, #tpu.memory_space<hbm>> -> memref<10000x32xf32, #tpu.memory_space<hbm>>
    %dma_start3A_60 = tpu.memref_slice %arg12[%dma_start3A_49] : memref<5x!tpu.dma_semaphore, #tpu.memory_space<semaphore_mem>> -> memref<1x!tpu.dma_semaphore, #tpu.memory_space<semaphore_mem>>
    %dma_start3A_61 = tpu.memref_squeeze %dma_start3A_60 : memref<1x!tpu.dma_semaphore, #tpu.memory_space<semaphore_mem>> -> memref<!tpu.dma_semaphore, #tpu.memory_space<semaphore_mem>>
    tpu.enqueue_indirect_dma source(%dma_start3A_59 : memref<10000x32xf32, #tpu.memory_space<hbm>>) target(%dma_start3A_53 : memref<80x32xf32, #tpu.memory_space<vmem>>) offsets(%dma_start3A_56 : memref<80xi32, #tpu.memory_space<vmem>>) semaphore(%dma_start3A_61 : memref<!tpu.dma_semaphore, #tpu.memory_space<semaphore_mem>>)
    %dma_start3A_62 = arith.constant 4 : i32
    %dma_start3A_63 = arith.constant 4 : i32
    %dma_start3A_64 = arith.constant 4 : i32
    %dma_start3A_65 = arith.constant 0 : i32
    %dma_start3A_66 = arith.constant 0 : i32
    %dma_start3A_67 = tpu.memref_slice %arg9[%dma_start3A_63, %dma_start3A_65, %dma_start3A_66] : memref<5x80x32xf32, #tpu.memory_space<vmem>> -> memref<1x80x32xf32, #tpu.memory_space<vmem>>
    %dma_start3A_68 = tpu.memref_squeeze %dma_start3A_67 : memref<1x80x32xf32, #tpu.memory_space<vmem>> -> memref<80x32xf32, #tpu.memory_space<vmem>>
    %dma_start3A_69 = arith.constant 0 : i32
    %dma_start3A_70 = tpu.memref_slice %arg7[%dma_start3A_62, %dma_start3A_69] : memref<125x80xi32, #tpu.memory_space<vmem>> -> memref<1x80xi32, #tpu.memory_space<vmem>>
    %dma_start3A_71 = tpu.memref_squeeze %dma_start3A_70 : memref<1x80xi32, #tpu.memory_space<vmem>> -> memref<80xi32, #tpu.memory_space<vmem>>
    %dma_start3A_72 = arith.constant 0 : i32
    %dma_start3A_73 = arith.constant 0 : i32
    %dma_start3A_74 = tpu.memref_slice %arg2[%dma_start3A_72, %dma_start3A_73] : memref<10000x32xf32, #tpu.memory_space<hbm>> -> memref<10000x32xf32, #tpu.memory_space<hbm>>
    %dma_start3A_75 = tpu.memref_slice %arg12[%dma_start3A_64] : memref<5x!tpu.dma_semaphore, #tpu.memory_space<semaphore_mem>> -> memref<1x!tpu.dma_semaphore, #tpu.memory_space<semaphore_mem>>
    %dma_start3A_76 = tpu.memref_squeeze %dma_start3A_75 : memref<1x!tpu.dma_semaphore, #tpu.memory_space<semaphore_mem>> -> memref<!tpu.dma_semaphore, #tpu.memory_space<semaphore_mem>>
    tpu.enqueue_indirect_dma source(%dma_start3A_74 : memref<10000x32xf32, #tpu.memory_space<hbm>>) target(%dma_start3A_68 : memref<80x32xf32, #tpu.memory_space<vmem>>) offsets(%dma_start3A_71 : memref<80xi32, #tpu.memory_space<vmem>>) semaphore(%dma_start3A_76 : memref<!tpu.dma_semaphore, #tpu.memory_space<semaphore_mem>>)
    %scan3A = arith.constant 0 : i32
    %scan3A_77 = arith.constant 0 : i32
    %scan3A_78 = arith.constant 25 : i32
    %scan3A_79 = arith.addi %scan3A_77, %scan3A_78 : i32
    %scan3A_80 = arith.constant 1 : i32
    scf.for %scan3A_161 = %scan3A_77 to %scan3A_79 step %scan3A_80  : i32 {
      %mul3A_162 = arith.constant 5 : i32
      %mul3A_163 = arith.muli %scan3A_161, %mul3A_162 : i32
      %add3A_164 = arith.constant 0 : i32
      %add3A_165 = arith.addi %mul3A_163, %add3A_164 : i32
      %dma_wait3A_166 = arith.constant 0 : i32
      %dma_wait3A_167 = arith.constant 0 : i32
      %dma_wait3A_168 = arith.constant 0 : i32
      %dma_wait3A_169 = arith.constant 0 : i32
      %dma_wait3A_170 = tpu.memref_slice %arg9[%dma_wait3A_166, %dma_wait3A_168, %dma_wait3A_169] : memref<5x80x32xf32, #tpu.memory_space<vmem>> -> memref<1x80x32xf32, #tpu.memory_space<vmem>>
      %dma_wait3A_171 = tpu.memref_squeeze %dma_wait3A_170 : memref<1x80x32xf32, #tpu.memory_space<vmem>> -> memref<80x32xf32, #tpu.memory_space<vmem>>
      %dma_wait3A_172 = arith.constant 0 : i32
      %dma_wait3A_173 = tpu.memref_slice %arg7[%add3A_165, %dma_wait3A_172] : memref<125x80xi32, #tpu.memory_space<vmem>> -> memref<1x80xi32, #tpu.memory_space<vmem>>
      %dma_wait3A_174 = tpu.memref_squeeze %dma_wait3A_173 : memref<1x80xi32, #tpu.memory_space<vmem>> -> memref<80xi32, #tpu.memory_space<vmem>>
      %dma_wait3A_175 = arith.constant 0 : i32
      %dma_wait3A_176 = arith.constant 0 : i32
      %dma_wait3A_177 = tpu.memref_slice %arg2[%dma_wait3A_175, %dma_wait3A_176] : memref<10000x32xf32, #tpu.memory_space<hbm>> -> memref<10000x32xf32, #tpu.memory_space<hbm>>
      %dma_wait3A_178 = tpu.memref_slice %arg12[%dma_wait3A_167] : memref<5x!tpu.dma_semaphore, #tpu.memory_space<semaphore_mem>> -> memref<1x!tpu.dma_semaphore, #tpu.memory_space<semaphore_mem>>
      %dma_wait3A_179 = tpu.memref_squeeze %dma_wait3A_178 : memref<1x!tpu.dma_semaphore, #tpu.memory_space<semaphore_mem>> -> memref<!tpu.dma_semaphore, #tpu.memory_space<semaphore_mem>>
      tpu.wait_indirect_dma semaphore(%dma_wait3A_179 : memref<!tpu.dma_semaphore, #tpu.memory_space<semaphore_mem>>) src(%dma_wait3A_177 : memref<10000x32xf32, #tpu.memory_space<hbm>>) dst(%dma_wait3A_171 : memref<80x32xf32, #tpu.memory_space<vmem>>)
      %dma_start3A_180 = arith.constant 0 : i32
      %dma_start3A_181 = arith.constant 0 : i32
      %dma_start3A_182 = arith.constant 0 : i32
      %dma_start3A_183 = arith.constant 0 : i32
      %dma_start3A_184 = tpu.memref_slice %arg9[%dma_start3A_180, %dma_start3A_182, %dma_start3A_183] : memref<5x80x32xf32, #tpu.memory_space<vmem>> -> memref<1x80x32xf32, #tpu.memory_space<vmem>>
      %dma_start3A_185 = tpu.memref_squeeze %dma_start3A_184 : memref<1x80x32xf32, #tpu.memory_space<vmem>> -> memref<80x32xf32, #tpu.memory_space<vmem>>
      %dma_start3A_186 = arith.constant 0 : i32
      %dma_start3A_187 = tpu.memref_slice %arg8[%add3A_165, %dma_start3A_186] : memref<125x80xi32, #tpu.memory_space<vmem>> -> memref<1x80xi32, #tpu.memory_space<vmem>>
      %dma_start3A_188 = tpu.memref_squeeze %dma_start3A_187 : memref<1x80xi32, #tpu.memory_space<vmem>> -> memref<80xi32, #tpu.memory_space<vmem>>
      %dma_start3A_189 = arith.constant 0 : i32
      %dma_start3A_190 = arith.constant 0 : i32
      %dma_start3A_191 = tpu.memref_slice %arg11[%dma_start3A_189, %dma_start3A_190] : memref<10112x32xf32, #tpu.memory_space<vmem_shared>> -> memref<10112x32xf32, #tpu.memory_space<vmem_shared>>
      %dma_start3A_192 = tpu.memref_slice %arg13[%dma_start3A_181] : memref<5x!tpu.dma_semaphore, #tpu.memory_space<semaphore_mem>> -> memref<1x!tpu.dma_semaphore, #tpu.memory_space<semaphore_mem>>
      %dma_start3A_193 = tpu.memref_squeeze %dma_start3A_192 : memref<1x!tpu.dma_semaphore, #tpu.memory_space<semaphore_mem>> -> memref<!tpu.dma_semaphore, #tpu.memory_space<semaphore_mem>>
      tpu.enqueue_indirect_dma source(%dma_start3A_185 : memref<80x32xf32, #tpu.memory_space<vmem>>) target(%dma_start3A_191 : memref<10112x32xf32, #tpu.memory_space<vmem_shared>>) offsets(%dma_start3A_188 : memref<80xi32, #tpu.memory_space<vmem>>) semaphore(%dma_start3A_193 : memref<!tpu.dma_semaphore, #tpu.memory_space<semaphore_mem>>) {add = true}
      %lt3A = arith.constant 24 : i32
      %lt3A_194 = arith.cmpi slt, %scan3A_161, %lt3A : i32
      %convert_element_type3A = arith.extui %lt3A_194 : i1 to i32
      %cond3A = arith.constant 0 : i32
      %cond3A_195 = arith.cmpi ne, %convert_element_type3A, %cond3A : i32
      scf.if %cond3A_195 {
        %dma_wait3A_344 = arith.constant 0 : i32
        %dma_wait3A_345 = arith.constant 0 : i32
        %dma_wait3A_346 = arith.constant 0 : i32
        %dma_wait3A_347 = arith.constant 0 : i32
        %dma_wait3A_348 = tpu.memref_slice %arg9[%dma_wait3A_344, %dma_wait3A_346, %dma_wait3A_347] : memref<5x80x32xf32, #tpu.memory_space<vmem>> -> memref<1x80x32xf32, #tpu.memory_space<vmem>>
        %dma_wait3A_349 = tpu.memref_squeeze %dma_wait3A_348 : memref<1x80x32xf32, #tpu.memory_space<vmem>> -> memref<80x32xf32, #tpu.memory_space<vmem>>
        %dma_wait3A_350 = arith.constant 0 : i32
        %dma_wait3A_351 = tpu.memref_slice %arg8[%add3A_165, %dma_wait3A_350] : memref<125x80xi32, #tpu.memory_space<vmem>> -> memref<1x80xi32, #tpu.memory_space<vmem>>
        %dma_wait3A_352 = tpu.memref_squeeze %dma_wait3A_351 : memref<1x80xi32, #tpu.memory_space<vmem>> -> memref<80xi32, #tpu.memory_space<vmem>>
        %dma_wait3A_353 = arith.constant 0 : i32
        %dma_wait3A_354 = arith.constant 0 : i32
        %dma_wait3A_355 = tpu.memref_slice %arg11[%dma_wait3A_353, %dma_wait3A_354] : memref<10112x32xf32, #tpu.memory_space<vmem_shared>> -> memref<10112x32xf32, #tpu.memory_space<vmem_shared>>
        %dma_wait3A_356 = tpu.memref_slice %arg13[%dma_wait3A_345] : memref<5x!tpu.dma_semaphore, #tpu.memory_space<semaphore_mem>> -> memref<1x!tpu.dma_semaphore, #tpu.memory_space<semaphore_mem>>
        %dma_wait3A_357 = tpu.memref_squeeze %dma_wait3A_356 : memref<1x!tpu.dma_semaphore, #tpu.memory_space<semaphore_mem>> -> memref<!tpu.dma_semaphore, #tpu.memory_space<semaphore_mem>>
        tpu.wait_indirect_dma semaphore(%dma_wait3A_357 : memref<!tpu.dma_semaphore, #tpu.memory_space<semaphore_mem>>) src(%dma_wait3A_349 : memref<80x32xf32, #tpu.memory_space<vmem>>) dst(%dma_wait3A_355 : memref<10112x32xf32, #tpu.memory_space<vmem_shared>>)
        %add3A_358 = arith.constant 5 : i32
        %add3A_359 = arith.addi %add3A_165, %add3A_358 : i32
        %dma_start3A_360 = arith.constant 0 : i32
        %dma_start3A_361 = arith.constant 0 : i32
        %dma_start3A_362 = arith.constant 0 : i32
        %dma_start3A_363 = arith.constant 0 : i32
        %dma_start3A_364 = tpu.memref_slice %arg9[%dma_start3A_360, %dma_start3A_362, %dma_start3A_363] : memref<5x80x32xf32, #tpu.memory_space<vmem>> -> memref<1x80x32xf32, #tpu.memory_space<vmem>>
        %dma_start3A_365 = tpu.memref_squeeze %dma_start3A_364 : memref<1x80x32xf32, #tpu.memory_space<vmem>> -> memref<80x32xf32, #tpu.memory_space<vmem>>
        %dma_start3A_366 = arith.constant 0 : i32
        %dma_start3A_367 = tpu.memref_slice %arg7[%add3A_359, %dma_start3A_366] : memref<125x80xi32, #tpu.memory_space<vmem>> -> memref<1x80xi32, #tpu.memory_space<vmem>>
        %dma_start3A_368 = tpu.memref_squeeze %dma_start3A_367 : memref<1x80xi32, #tpu.memory_space<vmem>> -> memref<80xi32, #tpu.memory_space<vmem>>
        %dma_start3A_369 = arith.constant 0 : i32
        %dma_start3A_370 = arith.constant 0 : i32
        %dma_start3A_371 = tpu.memref_slice %arg2[%dma_start3A_369, %dma_start3A_370] : memref<10000x32xf32, #tpu.memory_space<hbm>> -> memref<10000x32xf32, #tpu.memory_space<hbm>>
        %dma_start3A_372 = tpu.memref_slice %arg12[%dma_start3A_361] : memref<5x!tpu.dma_semaphore, #tpu.memory_space<semaphore_mem>> -> memref<1x!tpu.dma_semaphore, #tpu.memory_space<semaphore_mem>>
        %dma_start3A_373 = tpu.memref_squeeze %dma_start3A_372 : memref<1x!tpu.dma_semaphore, #tpu.memory_space<semaphore_mem>> -> memref<!tpu.dma_semaphore, #tpu.memory_space<semaphore_mem>>
        tpu.enqueue_indirect_dma source(%dma_start3A_371 : memref<10000x32xf32, #tpu.memory_space<hbm>>) target(%dma_start3A_365 : memref<80x32xf32, #tpu.memory_space<vmem>>) offsets(%dma_start3A_368 : memref<80xi32, #tpu.memory_space<vmem>>) semaphore(%dma_start3A_373 : memref<!tpu.dma_semaphore, #tpu.memory_space<semaphore_mem>>)
      } else {
      }
      %mul3A_196 = arith.constant 5 : i32
      %mul3A_197 = arith.muli %scan3A_161, %mul3A_196 : i32
      %add3A_198 = arith.constant 1 : i32
      %add3A_199 = arith.addi %mul3A_197, %add3A_198 : i32
      %dma_wait3A_200 = arith.constant 1 : i32
      %dma_wait3A_201 = arith.constant 1 : i32
      %dma_wait3A_202 = arith.constant 0 : i32
      %dma_wait3A_203 = arith.constant 0 : i32
      %dma_wait3A_204 = tpu.memref_slice %arg9[%dma_wait3A_200, %dma_wait3A_202, %dma_wait3A_203] : memref<5x80x32xf32, #tpu.memory_space<vmem>> -> memref<1x80x32xf32, #tpu.memory_space<vmem>>
      %dma_wait3A_205 = tpu.memref_squeeze %dma_wait3A_204 : memref<1x80x32xf32, #tpu.memory_space<vmem>> -> memref<80x32xf32, #tpu.memory_space<vmem>>
      %dma_wait3A_206 = arith.constant 0 : i32
      %dma_wait3A_207 = tpu.memref_slice %arg7[%add3A_199, %dma_wait3A_206] : memref<125x80xi32, #tpu.memory_space<vmem>> -> memref<1x80xi32, #tpu.memory_space<vmem>>
      %dma_wait3A_208 = tpu.memref_squeeze %dma_wait3A_207 : memref<1x80xi32, #tpu.memory_space<vmem>> -> memref<80xi32, #tpu.memory_space<vmem>>
      %dma_wait3A_209 = arith.constant 0 : i32
      %dma_wait3A_210 = arith.constant 0 : i32
      %dma_wait3A_211 = tpu.memref_slice %arg2[%dma_wait3A_209, %dma_wait3A_210] : memref<10000x32xf32, #tpu.memory_space<hbm>> -> memref<10000x32xf32, #tpu.memory_space<hbm>>
      %dma_wait3A_212 = tpu.memref_slice %arg12[%dma_wait3A_201] : memref<5x!tpu.dma_semaphore, #tpu.memory_space<semaphore_mem>> -> memref<1x!tpu.dma_semaphore, #tpu.memory_space<semaphore_mem>>
      %dma_wait3A_213 = tpu.memref_squeeze %dma_wait3A_212 : memref<1x!tpu.dma_semaphore, #tpu.memory_space<semaphore_mem>> -> memref<!tpu.dma_semaphore, #tpu.memory_space<semaphore_mem>>
      tpu.wait_indirect_dma semaphore(%dma_wait3A_213 : memref<!tpu.dma_semaphore, #tpu.memory_space<semaphore_mem>>) src(%dma_wait3A_211 : memref<10000x32xf32, #tpu.memory_space<hbm>>) dst(%dma_wait3A_205 : memref<80x32xf32, #tpu.memory_space<vmem>>)
      %dma_start3A_214 = arith.constant 1 : i32
      %dma_start3A_215 = arith.constant 1 : i32
      %dma_start3A_216 = arith.constant 0 : i32
      %dma_start3A_217 = arith.constant 0 : i32
      %dma_start3A_218 = tpu.memref_slice %arg9[%dma_start3A_214, %dma_start3A_216, %dma_start3A_217] : memref<5x80x32xf32, #tpu.memory_space<vmem>> -> memref<1x80x32xf32, #tpu.memory_space<vmem>>
      %dma_start3A_219 = tpu.memref_squeeze %dma_start3A_218 : memref<1x80x32xf32, #tpu.memory_space<vmem>> -> memref<80x32xf32, #tpu.memory_space<vmem>>
      %dma_start3A_220 = arith.constant 0 : i32
      %dma_start3A_221 = tpu.memref_slice %arg8[%add3A_199, %dma_start3A_220] : memref<125x80xi32, #tpu.memory_space<vmem>> -> memref<1x80xi32, #tpu.memory_space<vmem>>
      %dma_start3A_222 = tpu.memref_squeeze %dma_start3A_221 : memref<1x80xi32, #tpu.memory_space<vmem>> -> memref<80xi32, #tpu.memory_space<vmem>>
      %dma_start3A_223 = arith.constant 0 : i32
      %dma_start3A_224 = arith.constant 0 : i32
      %dma_start3A_225 = tpu.memref_slice %arg11[%dma_start3A_223, %dma_start3A_224] : memref<10112x32xf32, #tpu.memory_space<vmem_shared>> -> memref<10112x32xf32, #tpu.memory_space<vmem_shared>>
      %dma_start3A_226 = tpu.memref_slice %arg13[%dma_start3A_215] : memref<5x!tpu.dma_semaphore, #tpu.memory_space<semaphore_mem>> -> memref<1x!tpu.dma_semaphore, #tpu.memory_space<semaphore_mem>>
      %dma_start3A_227 = tpu.memref_squeeze %dma_start3A_226 : memref<1x!tpu.dma_semaphore, #tpu.memory_space<semaphore_mem>> -> memref<!tpu.dma_semaphore, #tpu.memory_space<semaphore_mem>>
      tpu.enqueue_indirect_dma source(%dma_start3A_219 : memref<80x32xf32, #tpu.memory_space<vmem>>) target(%dma_start3A_225 : memref<10112x32xf32, #tpu.memory_space<vmem_shared>>) offsets(%dma_start3A_222 : memref<80xi32, #tpu.memory_space<vmem>>) semaphore(%dma_start3A_227 : memref<!tpu.dma_semaphore, #tpu.memory_space<semaphore_mem>>) {add = true}
      %lt3A_228 = arith.constant 24 : i32
      %lt3A_229 = arith.cmpi slt, %scan3A_161, %lt3A_228 : i32
      %convert_element_type3A_230 = arith.extui %lt3A_229 : i1 to i32
      %cond3A_231 = arith.constant 0 : i32
      %cond3A_232 = arith.cmpi ne, %convert_element_type3A_230, %cond3A_231 : i32
      scf.if %cond3A_232 {
        %dma_wait3A_344 = arith.constant 1 : i32
        %dma_wait3A_345 = arith.constant 1 : i32
        %dma_wait3A_346 = arith.constant 0 : i32
        %dma_wait3A_347 = arith.constant 0 : i32
        %dma_wait3A_348 = tpu.memref_slice %arg9[%dma_wait3A_344, %dma_wait3A_346, %dma_wait3A_347] : memref<5x80x32xf32, #tpu.memory_space<vmem>> -> memref<1x80x32xf32, #tpu.memory_space<vmem>>
        %dma_wait3A_349 = tpu.memref_squeeze %dma_wait3A_348 : memref<1x80x32xf32, #tpu.memory_space<vmem>> -> memref<80x32xf32, #tpu.memory_space<vmem>>
        %dma_wait3A_350 = arith.constant 0 : i32
        %dma_wait3A_351 = tpu.memref_slice %arg8[%add3A_199, %dma_wait3A_350] : memref<125x80xi32, #tpu.memory_space<vmem>> -> memref<1x80xi32, #tpu.memory_space<vmem>>
        %dma_wait3A_352 = tpu.memref_squeeze %dma_wait3A_351 : memref<1x80xi32, #tpu.memory_space<vmem>> -> memref<80xi32, #tpu.memory_space<vmem>>
        %dma_wait3A_353 = arith.constant 0 : i32
        %dma_wait3A_354 = arith.constant 0 : i32
        %dma_wait3A_355 = tpu.memref_slice %arg11[%dma_wait3A_353, %dma_wait3A_354] : memref<10112x32xf32, #tpu.memory_space<vmem_shared>> -> memref<10112x32xf32, #tpu.memory_space<vmem_shared>>
        %dma_wait3A_356 = tpu.memref_slice %arg13[%dma_wait3A_345] : memref<5x!tpu.dma_semaphore, #tpu.memory_space<semaphore_mem>> -> memref<1x!tpu.dma_semaphore, #tpu.memory_space<semaphore_mem>>
        %dma_wait3A_357 = tpu.memref_squeeze %dma_wait3A_356 : memref<1x!tpu.dma_semaphore, #tpu.memory_space<semaphore_mem>> -> memref<!tpu.dma_semaphore, #tpu.memory_space<semaphore_mem>>
        tpu.wait_indirect_dma semaphore(%dma_wait3A_357 : memref<!tpu.dma_semaphore, #tpu.memory_space<semaphore_mem>>) src(%dma_wait3A_349 : memref<80x32xf32, #tpu.memory_space<vmem>>) dst(%dma_wait3A_355 : memref<10112x32xf32, #tpu.memory_space<vmem_shared>>)
        %add3A_358 = arith.constant 5 : i32
        %add3A_359 = arith.addi %add3A_199, %add3A_358 : i32
        %dma_start3A_360 = arith.constant 1 : i32
        %dma_start3A_361 = arith.constant 1 : i32
        %dma_start3A_362 = arith.constant 0 : i32
        %dma_start3A_363 = arith.constant 0 : i32
        %dma_start3A_364 = tpu.memref_slice %arg9[%dma_start3A_360, %dma_start3A_362, %dma_start3A_363] : memref<5x80x32xf32, #tpu.memory_space<vmem>> -> memref<1x80x32xf32, #tpu.memory_space<vmem>>
        %dma_start3A_365 = tpu.memref_squeeze %dma_start3A_364 : memref<1x80x32xf32, #tpu.memory_space<vmem>> -> memref<80x32xf32, #tpu.memory_space<vmem>>
        %dma_start3A_366 = arith.constant 0 : i32
        %dma_start3A_367 = tpu.memref_slice %arg7[%add3A_359, %dma_start3A_366] : memref<125x80xi32, #tpu.memory_space<vmem>> -> memref<1x80xi32, #tpu.memory_space<vmem>>
        %dma_start3A_368 = tpu.memref_squeeze %dma_start3A_367 : memref<1x80xi32, #tpu.memory_space<vmem>> -> memref<80xi32, #tpu.memory_space<vmem>>
        %dma_start3A_369 = arith.constant 0 : i32
        %dma_start3A_370 = arith.constant 0 : i32
        %dma_start3A_371 = tpu.memref_slice %arg2[%dma_start3A_369, %dma_start3A_370] : memref<10000x32xf32, #tpu.memory_space<hbm>> -> memref<10000x32xf32, #tpu.memory_space<hbm>>
        %dma_start3A_372 = tpu.memref_slice %arg12[%dma_start3A_361] : memref<5x!tpu.dma_semaphore, #tpu.memory_space<semaphore_mem>> -> memref<1x!tpu.dma_semaphore, #tpu.memory_space<semaphore_mem>>
        %dma_start3A_373 = tpu.memref_squeeze %dma_start3A_372 : memref<1x!tpu.dma_semaphore, #tpu.memory_space<semaphore_mem>> -> memref<!tpu.dma_semaphore, #tpu.memory_space<semaphore_mem>>
        tpu.enqueue_indirect_dma source(%dma_start3A_371 : memref<10000x32xf32, #tpu.memory_space<hbm>>) target(%dma_start3A_365 : memref<80x32xf32, #tpu.memory_space<vmem>>) offsets(%dma_start3A_368 : memref<80xi32, #tpu.memory_space<vmem>>) semaphore(%dma_start3A_373 : memref<!tpu.dma_semaphore, #tpu.memory_space<semaphore_mem>>)
      } else {
      }
      %mul3A_233 = arith.constant 5 : i32
      %mul3A_234 = arith.muli %scan3A_161, %mul3A_233 : i32
      %add3A_235 = arith.constant 2 : i32
      %add3A_236 = arith.addi %mul3A_234, %add3A_235 : i32
      %dma_wait3A_237 = arith.constant 2 : i32
      %dma_wait3A_238 = arith.constant 2 : i32
      %dma_wait3A_239 = arith.constant 0 : i32
      %dma_wait3A_240 = arith.constant 0 : i32
      %dma_wait3A_241 = tpu.memref_slice %arg9[%dma_wait3A_237, %dma_wait3A_239, %dma_wait3A_240] : memref<5x80x32xf32, #tpu.memory_space<vmem>> -> memref<1x80x32xf32, #tpu.memory_space<vmem>>
      %dma_wait3A_242 = tpu.memref_squeeze %dma_wait3A_241 : memref<1x80x32xf32, #tpu.memory_space<vmem>> -> memref<80x32xf32, #tpu.memory_space<vmem>>
      %dma_wait3A_243 = arith.constant 0 : i32
      %dma_wait3A_244 = tpu.memref_slice %arg7[%add3A_236, %dma_wait3A_243] : memref<125x80xi32, #tpu.memory_space<vmem>> -> memref<1x80xi32, #tpu.memory_space<vmem>>
      %dma_wait3A_245 = tpu.memref_squeeze %dma_wait3A_244 : memref<1x80xi32, #tpu.memory_space<vmem>> -> memref<80xi32, #tpu.memory_space<vmem>>
      %dma_wait3A_246 = arith.constant 0 : i32
      %dma_wait3A_247 = arith.constant 0 : i32
      %dma_wait3A_248 = tpu.memref_slice %arg2[%dma_wait3A_246, %dma_wait3A_247] : memref<10000x32xf32, #tpu.memory_space<hbm>> -> memref<10000x32xf32, #tpu.memory_space<hbm>>
      %dma_wait3A_249 = tpu.memref_slice %arg12[%dma_wait3A_238] : memref<5x!tpu.dma_semaphore, #tpu.memory_space<semaphore_mem>> -> memref<1x!tpu.dma_semaphore, #tpu.memory_space<semaphore_mem>>
      %dma_wait3A_250 = tpu.memref_squeeze %dma_wait3A_249 : memref<1x!tpu.dma_semaphore, #tpu.memory_space<semaphore_mem>> -> memref<!tpu.dma_semaphore, #tpu.memory_space<semaphore_mem>>
      tpu.wait_indirect_dma semaphore(%dma_wait3A_250 : memref<!tpu.dma_semaphore, #tpu.memory_space<semaphore_mem>>) src(%dma_wait3A_248 : memref<10000x32xf32, #tpu.memory_space<hbm>>) dst(%dma_wait3A_242 : memref<80x32xf32, #tpu.memory_space<vmem>>)
      %dma_start3A_251 = arith.constant 2 : i32
      %dma_start3A_252 = arith.constant 2 : i32
      %dma_start3A_253 = arith.constant 0 : i32
      %dma_start3A_254 = arith.constant 0 : i32
      %dma_start3A_255 = tpu.memref_slice %arg9[%dma_start3A_251, %dma_start3A_253, %dma_start3A_254] : memref<5x80x32xf32, #tpu.memory_space<vmem>> -> memref<1x80x32xf32, #tpu.memory_space<vmem>>
      %dma_start3A_256 = tpu.memref_squeeze %dma_start3A_255 : memref<1x80x32xf32, #tpu.memory_space<vmem>> -> memref<80x32xf32, #tpu.memory_space<vmem>>
      %dma_start3A_257 = arith.constant 0 : i32
      %dma_start3A_258 = tpu.memref_slice %arg8[%add3A_236, %dma_start3A_257] : memref<125x80xi32, #tpu.memory_space<vmem>> -> memref<1x80xi32, #tpu.memory_space<vmem>>
      %dma_start3A_259 = tpu.memref_squeeze %dma_start3A_258 : memref<1x80xi32, #tpu.memory_space<vmem>> -> memref<80xi32, #tpu.memory_space<vmem>>
      %dma_start3A_260 = arith.constant 0 : i32
      %dma_start3A_261 = arith.constant 0 : i32
      %dma_start3A_262 = tpu.memref_slice %arg11[%dma_start3A_260, %dma_start3A_261] : memref<10112x32xf32, #tpu.memory_space<vmem_shared>> -> memref<10112x32xf32, #tpu.memory_space<vmem_shared>>
      %dma_start3A_263 = tpu.memref_slice %arg13[%dma_start3A_252] : memref<5x!tpu.dma_semaphore, #tpu.memory_space<semaphore_mem>> -> memref<1x!tpu.dma_semaphore, #tpu.memory_space<semaphore_mem>>
      %dma_start3A_264 = tpu.memref_squeeze %dma_start3A_263 : memref<1x!tpu.dma_semaphore, #tpu.memory_space<semaphore_mem>> -> memref<!tpu.dma_semaphore, #tpu.memory_space<semaphore_mem>>
      tpu.enqueue_indirect_dma source(%dma_start3A_256 : memref<80x32xf32, #tpu.memory_space<vmem>>) target(%dma_start3A_262 : memref<10112x32xf32, #tpu.memory_space<vmem_shared>>) offsets(%dma_start3A_259 : memref<80xi32, #tpu.memory_space<vmem>>) semaphore(%dma_start3A_264 : memref<!tpu.dma_semaphore, #tpu.memory_space<semaphore_mem>>) {add = true}
      %lt3A_265 = arith.constant 24 : i32
      %lt3A_266 = arith.cmpi slt, %scan3A_161, %lt3A_265 : i32
      %convert_element_type3A_267 = arith.extui %lt3A_266 : i1 to i32
      %cond3A_268 = arith.constant 0 : i32
      %cond3A_269 = arith.cmpi ne, %convert_element_type3A_267, %cond3A_268 : i32
      scf.if %cond3A_269 {
        %dma_wait3A_344 = arith.constant 2 : i32
        %dma_wait3A_345 = arith.constant 2 : i32
        %dma_wait3A_346 = arith.constant 0 : i32
        %dma_wait3A_347 = arith.constant 0 : i32
        %dma_wait3A_348 = tpu.memref_slice %arg9[%dma_wait3A_344, %dma_wait3A_346, %dma_wait3A_347] : memref<5x80x32xf32, #tpu.memory_space<vmem>> -> memref<1x80x32xf32, #tpu.memory_space<vmem>>
        %dma_wait3A_349 = tpu.memref_squeeze %dma_wait3A_348 : memref<1x80x32xf32, #tpu.memory_space<vmem>> -> memref<80x32xf32, #tpu.memory_space<vmem>>
        %dma_wait3A_350 = arith.constant 0 : i32
        %dma_wait3A_351 = tpu.memref_slice %arg8[%add3A_236, %dma_wait3A_350] : memref<125x80xi32, #tpu.memory_space<vmem>> -> memref<1x80xi32, #tpu.memory_space<vmem>>
        %dma_wait3A_352 = tpu.memref_squeeze %dma_wait3A_351 : memref<1x80xi32, #tpu.memory_space<vmem>> -> memref<80xi32, #tpu.memory_space<vmem>>
        %dma_wait3A_353 = arith.constant 0 : i32
        %dma_wait3A_354 = arith.constant 0 : i32
        %dma_wait3A_355 = tpu.memref_slice %arg11[%dma_wait3A_353, %dma_wait3A_354] : memref<10112x32xf32, #tpu.memory_space<vmem_shared>> -> memref<10112x32xf32, #tpu.memory_space<vmem_shared>>
        %dma_wait3A_356 = tpu.memref_slice %arg13[%dma_wait3A_345] : memref<5x!tpu.dma_semaphore, #tpu.memory_space<semaphore_mem>> -> memref<1x!tpu.dma_semaphore, #tpu.memory_space<semaphore_mem>>
        %dma_wait3A_357 = tpu.memref_squeeze %dma_wait3A_356 : memref<1x!tpu.dma_semaphore, #tpu.memory_space<semaphore_mem>> -> memref<!tpu.dma_semaphore, #tpu.memory_space<semaphore_mem>>
        tpu.wait_indirect_dma semaphore(%dma_wait3A_357 : memref<!tpu.dma_semaphore, #tpu.memory_space<semaphore_mem>>) src(%dma_wait3A_349 : memref<80x32xf32, #tpu.memory_space<vmem>>) dst(%dma_wait3A_355 : memref<10112x32xf32, #tpu.memory_space<vmem_shared>>)
        %add3A_358 = arith.constant 5 : i32
        %add3A_359 = arith.addi %add3A_236, %add3A_358 : i32
        %dma_start3A_360 = arith.constant 2 : i32
        %dma_start3A_361 = arith.constant 2 : i32
        %dma_start3A_362 = arith.constant 0 : i32
        %dma_start3A_363 = arith.constant 0 : i32
        %dma_start3A_364 = tpu.memref_slice %arg9[%dma_start3A_360, %dma_start3A_362, %dma_start3A_363] : memref<5x80x32xf32, #tpu.memory_space<vmem>> -> memref<1x80x32xf32, #tpu.memory_space<vmem>>
        %dma_start3A_365 = tpu.memref_squeeze %dma_start3A_364 : memref<1x80x32xf32, #tpu.memory_space<vmem>> -> memref<80x32xf32, #tpu.memory_space<vmem>>
        %dma_start3A_366 = arith.constant 0 : i32
        %dma_start3A_367 = tpu.memref_slice %arg7[%add3A_359, %dma_start3A_366] : memref<125x80xi32, #tpu.memory_space<vmem>> -> memref<1x80xi32, #tpu.memory_space<vmem>>
        %dma_start3A_368 = tpu.memref_squeeze %dma_start3A_367 : memref<1x80xi32, #tpu.memory_space<vmem>> -> memref<80xi32, #tpu.memory_space<vmem>>
        %dma_start3A_369 = arith.constant 0 : i32
        %dma_start3A_370 = arith.constant 0 : i32
        %dma_start3A_371 = tpu.memref_slice %arg2[%dma_start3A_369, %dma_start3A_370] : memref<10000x32xf32, #tpu.memory_space<hbm>> -> memref<10000x32xf32, #tpu.memory_space<hbm>>
        %dma_start3A_372 = tpu.memref_slice %arg12[%dma_start3A_361] : memref<5x!tpu.dma_semaphore, #tpu.memory_space<semaphore_mem>> -> memref<1x!tpu.dma_semaphore, #tpu.memory_space<semaphore_mem>>
        %dma_start3A_373 = tpu.memref_squeeze %dma_start3A_372 : memref<1x!tpu.dma_semaphore, #tpu.memory_space<semaphore_mem>> -> memref<!tpu.dma_semaphore, #tpu.memory_space<semaphore_mem>>
        tpu.enqueue_indirect_dma source(%dma_start3A_371 : memref<10000x32xf32, #tpu.memory_space<hbm>>) target(%dma_start3A_365 : memref<80x32xf32, #tpu.memory_space<vmem>>) offsets(%dma_start3A_368 : memref<80xi32, #tpu.memory_space<vmem>>) semaphore(%dma_start3A_373 : memref<!tpu.dma_semaphore, #tpu.memory_space<semaphore_mem>>)
      } else {
      }
      %mul3A_270 = arith.constant 5 : i32
      %mul3A_271 = arith.muli %scan3A_161, %mul3A_270 : i32
      %add3A_272 = arith.constant 3 : i32
      %add3A_273 = arith.addi %mul3A_271, %add3A_272 : i32
      %dma_wait3A_274 = arith.constant 3 : i32
      %dma_wait3A_275 = arith.constant 3 : i32
      %dma_wait3A_276 = arith.constant 0 : i32
      %dma_wait3A_277 = arith.constant 0 : i32
      %dma_wait3A_278 = tpu.memref_slice %arg9[%dma_wait3A_274, %dma_wait3A_276, %dma_wait3A_277] : memref<5x80x32xf32, #tpu.memory_space<vmem>> -> memref<1x80x32xf32, #tpu.memory_space<vmem>>
      %dma_wait3A_279 = tpu.memref_squeeze %dma_wait3A_278 : memref<1x80x32xf32, #tpu.memory_space<vmem>> -> memref<80x32xf32, #tpu.memory_space<vmem>>
      %dma_wait3A_280 = arith.constant 0 : i32
      %dma_wait3A_281 = tpu.memref_slice %arg7[%add3A_273, %dma_wait3A_280] : memref<125x80xi32, #tpu.memory_space<vmem>> -> memref<1x80xi32, #tpu.memory_space<vmem>>
      %dma_wait3A_282 = tpu.memref_squeeze %dma_wait3A_281 : memref<1x80xi32, #tpu.memory_space<vmem>> -> memref<80xi32, #tpu.memory_space<vmem>>
      %dma_wait3A_283 = arith.constant 0 : i32
      %dma_wait3A_284 = arith.constant 0 : i32
      %dma_wait3A_285 = tpu.memref_slice %arg2[%dma_wait3A_283, %dma_wait3A_284] : memref<10000x32xf32, #tpu.memory_space<hbm>> -> memref<10000x32xf32, #tpu.memory_space<hbm>>
      %dma_wait3A_286 = tpu.memref_slice %arg12[%dma_wait3A_275] : memref<5x!tpu.dma_semaphore, #tpu.memory_space<semaphore_mem>> -> memref<1x!tpu.dma_semaphore, #tpu.memory_space<semaphore_mem>>
      %dma_wait3A_287 = tpu.memref_squeeze %dma_wait3A_286 : memref<1x!tpu.dma_semaphore, #tpu.memory_space<semaphore_mem>> -> memref<!tpu.dma_semaphore, #tpu.memory_space<semaphore_mem>>
      tpu.wait_indirect_dma semaphore(%dma_wait3A_287 : memref<!tpu.dma_semaphore, #tpu.memory_space<semaphore_mem>>) src(%dma_wait3A_285 : memref<10000x32xf32, #tpu.memory_space<hbm>>) dst(%dma_wait3A_279 : memref<80x32xf32, #tpu.memory_space<vmem>>)
      %dma_start3A_288 = arith.constant 3 : i32
      %dma_start3A_289 = arith.constant 3 : i32
      %dma_start3A_290 = arith.constant 0 : i32
      %dma_start3A_291 = arith.constant 0 : i32
      %dma_start3A_292 = tpu.memref_slice %arg9[%dma_start3A_288, %dma_start3A_290, %dma_start3A_291] : memref<5x80x32xf32, #tpu.memory_space<vmem>> -> memref<1x80x32xf32, #tpu.memory_space<vmem>>
      %dma_start3A_293 = tpu.memref_squeeze %dma_start3A_292 : memref<1x80x32xf32, #tpu.memory_space<vmem>> -> memref<80x32xf32, #tpu.memory_space<vmem>>
      %dma_start3A_294 = arith.constant 0 : i32
      %dma_start3A_295 = tpu.memref_slice %arg8[%add3A_273, %dma_start3A_294] : memref<125x80xi32, #tpu.memory_space<vmem>> -> memref<1x80xi32, #tpu.memory_space<vmem>>
      %dma_start3A_296 = tpu.memref_squeeze %dma_start3A_295 : memref<1x80xi32, #tpu.memory_space<vmem>> -> memref<80xi32, #tpu.memory_space<vmem>>
      %dma_start3A_297 = arith.constant 0 : i32
      %dma_start3A_298 = arith.constant 0 : i32
      %dma_start3A_299 = tpu.memref_slice %arg11[%dma_start3A_297, %dma_start3A_298] : memref<10112x32xf32, #tpu.memory_space<vmem_shared>> -> memref<10112x32xf32, #tpu.memory_space<vmem_shared>>
      %dma_start3A_300 = tpu.memref_slice %arg13[%dma_start3A_289] : memref<5x!tpu.dma_semaphore, #tpu.memory_space<semaphore_mem>> -> memref<1x!tpu.dma_semaphore, #tpu.memory_space<semaphore_mem>>
      %dma_start3A_301 = tpu.memref_squeeze %dma_start3A_300 : memref<1x!tpu.dma_semaphore, #tpu.memory_space<semaphore_mem>> -> memref<!tpu.dma_semaphore, #tpu.memory_space<semaphore_mem>>
      tpu.enqueue_indirect_dma source(%dma_start3A_293 : memref<80x32xf32, #tpu.memory_space<vmem>>) target(%dma_start3A_299 : memref<10112x32xf32, #tpu.memory_space<vmem_shared>>) offsets(%dma_start3A_296 : memref<80xi32, #tpu.memory_space<vmem>>) semaphore(%dma_start3A_301 : memref<!tpu.dma_semaphore, #tpu.memory_space<semaphore_mem>>) {add = true}
      %lt3A_302 = arith.constant 24 : i32
      %lt3A_303 = arith.cmpi slt, %scan3A_161, %lt3A_302 : i32
      %convert_element_type3A_304 = arith.extui %lt3A_303 : i1 to i32
      %cond3A_305 = arith.constant 0 : i32
      %cond3A_306 = arith.cmpi ne, %convert_element_type3A_304, %cond3A_305 : i32
      scf.if %cond3A_306 {
        %dma_wait3A_344 = arith.constant 3 : i32
        %dma_wait3A_345 = arith.constant 3 : i32
        %dma_wait3A_346 = arith.constant 0 : i32
        %dma_wait3A_347 = arith.constant 0 : i32
        %dma_wait3A_348 = tpu.memref_slice %arg9[%dma_wait3A_344, %dma_wait3A_346, %dma_wait3A_347] : memref<5x80x32xf32, #tpu.memory_space<vmem>> -> memref<1x80x32xf32, #tpu.memory_space<vmem>>
        %dma_wait3A_349 = tpu.memref_squeeze %dma_wait3A_348 : memref<1x80x32xf32, #tpu.memory_space<vmem>> -> memref<80x32xf32, #tpu.memory_space<vmem>>
        %dma_wait3A_350 = arith.constant 0 : i32
        %dma_wait3A_351 = tpu.memref_slice %arg8[%add3A_273, %dma_wait3A_350] : memref<125x80xi32, #tpu.memory_space<vmem>> -> memref<1x80xi32, #tpu.memory_space<vmem>>
        %dma_wait3A_352 = tpu.memref_squeeze %dma_wait3A_351 : memref<1x80xi32, #tpu.memory_space<vmem>> -> memref<80xi32, #tpu.memory_space<vmem>>
        %dma_wait3A_353 = arith.constant 0 : i32
        %dma_wait3A_354 = arith.constant 0 : i32
        %dma_wait3A_355 = tpu.memref_slice %arg11[%dma_wait3A_353, %dma_wait3A_354] : memref<10112x32xf32, #tpu.memory_space<vmem_shared>> -> memref<10112x32xf32, #tpu.memory_space<vmem_shared>>
        %dma_wait3A_356 = tpu.memref_slice %arg13[%dma_wait3A_345] : memref<5x!tpu.dma_semaphore, #tpu.memory_space<semaphore_mem>> -> memref<1x!tpu.dma_semaphore, #tpu.memory_space<semaphore_mem>>
        %dma_wait3A_357 = tpu.memref_squeeze %dma_wait3A_356 : memref<1x!tpu.dma_semaphore, #tpu.memory_space<semaphore_mem>> -> memref<!tpu.dma_semaphore, #tpu.memory_space<semaphore_mem>>
        tpu.wait_indirect_dma semaphore(%dma_wait3A_357 : memref<!tpu.dma_semaphore, #tpu.memory_space<semaphore_mem>>) src(%dma_wait3A_349 : memref<80x32xf32, #tpu.memory_space<vmem>>) dst(%dma_wait3A_355 : memref<10112x32xf32, #tpu.memory_space<vmem_shared>>)
        %add3A_358 = arith.constant 5 : i32
        %add3A_359 = arith.addi %add3A_273, %add3A_358 : i32
        %dma_start3A_360 = arith.constant 3 : i32
        %dma_start3A_361 = arith.constant 3 : i32
        %dma_start3A_362 = arith.constant 0 : i32
        %dma_start3A_363 = arith.constant 0 : i32
        %dma_start3A_364 = tpu.memref_slice %arg9[%dma_start3A_360, %dma_start3A_362, %dma_start3A_363] : memref<5x80x32xf32, #tpu.memory_space<vmem>> -> memref<1x80x32xf32, #tpu.memory_space<vmem>>
        %dma_start3A_365 = tpu.memref_squeeze %dma_start3A_364 : memref<1x80x32xf32, #tpu.memory_space<vmem>> -> memref<80x32xf32, #tpu.memory_space<vmem>>
        %dma_start3A_366 = arith.constant 0 : i32
        %dma_start3A_367 = tpu.memref_slice %arg7[%add3A_359, %dma_start3A_366] : memref<125x80xi32, #tpu.memory_space<vmem>> -> memref<1x80xi32, #tpu.memory_space<vmem>>
        %dma_start3A_368 = tpu.memref_squeeze %dma_start3A_367 : memref<1x80xi32, #tpu.memory_space<vmem>> -> memref<80xi32, #tpu.memory_space<vmem>>
        %dma_start3A_369 = arith.constant 0 : i32
        %dma_start3A_370 = arith.constant 0 : i32
        %dma_start3A_371 = tpu.memref_slice %arg2[%dma_start3A_369, %dma_start3A_370] : memref<10000x32xf32, #tpu.memory_space<hbm>> -> memref<10000x32xf32, #tpu.memory_space<hbm>>
        %dma_start3A_372 = tpu.memref_slice %arg12[%dma_start3A_361] : memref<5x!tpu.dma_semaphore, #tpu.memory_space<semaphore_mem>> -> memref<1x!tpu.dma_semaphore, #tpu.memory_space<semaphore_mem>>
        %dma_start3A_373 = tpu.memref_squeeze %dma_start3A_372 : memref<1x!tpu.dma_semaphore, #tpu.memory_space<semaphore_mem>> -> memref<!tpu.dma_semaphore, #tpu.memory_space<semaphore_mem>>
        tpu.enqueue_indirect_dma source(%dma_start3A_371 : memref<10000x32xf32, #tpu.memory_space<hbm>>) target(%dma_start3A_365 : memref<80x32xf32, #tpu.memory_space<vmem>>) offsets(%dma_start3A_368 : memref<80xi32, #tpu.memory_space<vmem>>) semaphore(%dma_start3A_373 : memref<!tpu.dma_semaphore, #tpu.memory_space<semaphore_mem>>)
      } else {
      }
      %mul3A_307 = arith.constant 5 : i32
      %mul3A_308 = arith.muli %scan3A_161, %mul3A_307 : i32
      %add3A_309 = arith.constant 4 : i32
      %add3A_310 = arith.addi %mul3A_308, %add3A_309 : i32
      %dma_wait3A_311 = arith.constant 4 : i32
      %dma_wait3A_312 = arith.constant 4 : i32
      %dma_wait3A_313 = arith.constant 0 : i32
      %dma_wait3A_314 = arith.constant 0 : i32
      %dma_wait3A_315 = tpu.memref_slice %arg9[%dma_wait3A_311, %dma_wait3A_313, %dma_wait3A_314] : memref<5x80x32xf32, #tpu.memory_space<vmem>> -> memref<1x80x32xf32, #tpu.memory_space<vmem>>
      %dma_wait3A_316 = tpu.memref_squeeze %dma_wait3A_315 : memref<1x80x32xf32, #tpu.memory_space<vmem>> -> memref<80x32xf32, #tpu.memory_space<vmem>>
      %dma_wait3A_317 = arith.constant 0 : i32
      %dma_wait3A_318 = tpu.memref_slice %arg7[%add3A_310, %dma_wait3A_317] : memref<125x80xi32, #tpu.memory_space<vmem>> -> memref<1x80xi32, #tpu.memory_space<vmem>>
      %dma_wait3A_319 = tpu.memref_squeeze %dma_wait3A_318 : memref<1x80xi32, #tpu.memory_space<vmem>> -> memref<80xi32, #tpu.memory_space<vmem>>
      %dma_wait3A_320 = arith.constant 0 : i32
      %dma_wait3A_321 = arith.constant 0 : i32
      %dma_wait3A_322 = tpu.memref_slice %arg2[%dma_wait3A_320, %dma_wait3A_321] : memref<10000x32xf32, #tpu.memory_space<hbm>> -> memref<10000x32xf32, #tpu.memory_space<hbm>>
      %dma_wait3A_323 = tpu.memref_slice %arg12[%dma_wait3A_312] : memref<5x!tpu.dma_semaphore, #tpu.memory_space<semaphore_mem>> -> memref<1x!tpu.dma_semaphore, #tpu.memory_space<semaphore_mem>>
      %dma_wait3A_324 = tpu.memref_squeeze %dma_wait3A_323 : memref<1x!tpu.dma_semaphore, #tpu.memory_space<semaphore_mem>> -> memref<!tpu.dma_semaphore, #tpu.memory_space<semaphore_mem>>
      tpu.wait_indirect_dma semaphore(%dma_wait3A_324 : memref<!tpu.dma_semaphore, #tpu.memory_space<semaphore_mem>>) src(%dma_wait3A_322 : memref<10000x32xf32, #tpu.memory_space<hbm>>) dst(%dma_wait3A_316 : memref<80x32xf32, #tpu.memory_space<vmem>>)
      %dma_start3A_325 = arith.constant 4 : i32
      %dma_start3A_326 = arith.constant 4 : i32
      %dma_start3A_327 = arith.constant 0 : i32
      %dma_start3A_328 = arith.constant 0 : i32
      %dma_start3A_329 = tpu.memref_slice %arg9[%dma_start3A_325, %dma_start3A_327, %dma_start3A_328] : memref<5x80x32xf32, #tpu.memory_space<vmem>> -> memref<1x80x32xf32, #tpu.memory_space<vmem>>
      %dma_start3A_330 = tpu.memref_squeeze %dma_start3A_329 : memref<1x80x32xf32, #tpu.memory_space<vmem>> -> memref<80x32xf32, #tpu.memory_space<vmem>>
      %dma_start3A_331 = arith.constant 0 : i32
      %dma_start3A_332 = tpu.memref_slice %arg8[%add3A_310, %dma_start3A_331] : memref<125x80xi32, #tpu.memory_space<vmem>> -> memref<1x80xi32, #tpu.memory_space<vmem>>
      %dma_start3A_333 = tpu.memref_squeeze %dma_start3A_332 : memref<1x80xi32, #tpu.memory_space<vmem>> -> memref<80xi32, #tpu.memory_space<vmem>>
      %dma_start3A_334 = arith.constant 0 : i32
      %dma_start3A_335 = arith.constant 0 : i32
      %dma_start3A_336 = tpu.memref_slice %arg11[%dma_start3A_334, %dma_start3A_335] : memref<10112x32xf32, #tpu.memory_space<vmem_shared>> -> memref<10112x32xf32, #tpu.memory_space<vmem_shared>>
      %dma_start3A_337 = tpu.memref_slice %arg13[%dma_start3A_326] : memref<5x!tpu.dma_semaphore, #tpu.memory_space<semaphore_mem>> -> memref<1x!tpu.dma_semaphore, #tpu.memory_space<semaphore_mem>>
      %dma_start3A_338 = tpu.memref_squeeze %dma_start3A_337 : memref<1x!tpu.dma_semaphore, #tpu.memory_space<semaphore_mem>> -> memref<!tpu.dma_semaphore, #tpu.memory_space<semaphore_mem>>
      tpu.enqueue_indirect_dma source(%dma_start3A_330 : memref<80x32xf32, #tpu.memory_space<vmem>>) target(%dma_start3A_336 : memref<10112x32xf32, #tpu.memory_space<vmem_shared>>) offsets(%dma_start3A_333 : memref<80xi32, #tpu.memory_space<vmem>>) semaphore(%dma_start3A_338 : memref<!tpu.dma_semaphore, #tpu.memory_space<semaphore_mem>>) {add = true}
      %lt3A_339 = arith.constant 24 : i32
      %lt3A_340 = arith.cmpi slt, %scan3A_161, %lt3A_339 : i32
      %convert_element_type3A_341 = arith.extui %lt3A_340 : i1 to i32
      %cond3A_342 = arith.constant 0 : i32
      %cond3A_343 = arith.cmpi ne, %convert_element_type3A_341, %cond3A_342 : i32
      scf.if %cond3A_343 {
        %dma_wait3A_344 = arith.constant 4 : i32
        %dma_wait3A_345 = arith.constant 4 : i32
        %dma_wait3A_346 = arith.constant 0 : i32
        %dma_wait3A_347 = arith.constant 0 : i32
        %dma_wait3A_348 = tpu.memref_slice %arg9[%dma_wait3A_344, %dma_wait3A_346, %dma_wait3A_347] : memref<5x80x32xf32, #tpu.memory_space<vmem>> -> memref<1x80x32xf32, #tpu.memory_space<vmem>>
        %dma_wait3A_349 = tpu.memref_squeeze %dma_wait3A_348 : memref<1x80x32xf32, #tpu.memory_space<vmem>> -> memref<80x32xf32, #tpu.memory_space<vmem>>
        %dma_wait3A_350 = arith.constant 0 : i32
        %dma_wait3A_351 = tpu.memref_slice %arg8[%add3A_310, %dma_wait3A_350] : memref<125x80xi32, #tpu.memory_space<vmem>> -> memref<1x80xi32, #tpu.memory_space<vmem>>
        %dma_wait3A_352 = tpu.memref_squeeze %dma_wait3A_351 : memref<1x80xi32, #tpu.memory_space<vmem>> -> memref<80xi32, #tpu.memory_space<vmem>>
        %dma_wait3A_353 = arith.constant 0 : i32
        %dma_wait3A_354 = arith.constant 0 : i32
        %dma_wait3A_355 = tpu.memref_slice %arg11[%dma_wait3A_353, %dma_wait3A_354] : memref<10112x32xf32, #tpu.memory_space<vmem_shared>> -> memref<10112x32xf32, #tpu.memory_space<vmem_shared>>
        %dma_wait3A_356 = tpu.memref_slice %arg13[%dma_wait3A_345] : memref<5x!tpu.dma_semaphore, #tpu.memory_space<semaphore_mem>> -> memref<1x!tpu.dma_semaphore, #tpu.memory_space<semaphore_mem>>
        %dma_wait3A_357 = tpu.memref_squeeze %dma_wait3A_356 : memref<1x!tpu.dma_semaphore, #tpu.memory_space<semaphore_mem>> -> memref<!tpu.dma_semaphore, #tpu.memory_space<semaphore_mem>>
        tpu.wait_indirect_dma semaphore(%dma_wait3A_357 : memref<!tpu.dma_semaphore, #tpu.memory_space<semaphore_mem>>) src(%dma_wait3A_349 : memref<80x32xf32, #tpu.memory_space<vmem>>) dst(%dma_wait3A_355 : memref<10112x32xf32, #tpu.memory_space<vmem_shared>>)
        %add3A_358 = arith.constant 5 : i32
        %add3A_359 = arith.addi %add3A_310, %add3A_358 : i32
        %dma_start3A_360 = arith.constant 4 : i32
        %dma_start3A_361 = arith.constant 4 : i32
        %dma_start3A_362 = arith.constant 0 : i32
        %dma_start3A_363 = arith.constant 0 : i32
        %dma_start3A_364 = tpu.memref_slice %arg9[%dma_start3A_360, %dma_start3A_362, %dma_start3A_363] : memref<5x80x32xf32, #tpu.memory_space<vmem>> -> memref<1x80x32xf32, #tpu.memory_space<vmem>>
        %dma_start3A_365 = tpu.memref_squeeze %dma_start3A_364 : memref<1x80x32xf32, #tpu.memory_space<vmem>> -> memref<80x32xf32, #tpu.memory_space<vmem>>
        %dma_start3A_366 = arith.constant 0 : i32
        %dma_start3A_367 = tpu.memref_slice %arg7[%add3A_359, %dma_start3A_366] : memref<125x80xi32, #tpu.memory_space<vmem>> -> memref<1x80xi32, #tpu.memory_space<vmem>>
        %dma_start3A_368 = tpu.memref_squeeze %dma_start3A_367 : memref<1x80xi32, #tpu.memory_space<vmem>> -> memref<80xi32, #tpu.memory_space<vmem>>
        %dma_start3A_369 = arith.constant 0 : i32
        %dma_start3A_370 = arith.constant 0 : i32
        %dma_start3A_371 = tpu.memref_slice %arg2[%dma_start3A_369, %dma_start3A_370] : memref<10000x32xf32, #tpu.memory_space<hbm>> -> memref<10000x32xf32, #tpu.memory_space<hbm>>
        %dma_start3A_372 = tpu.memref_slice %arg12[%dma_start3A_361] : memref<5x!tpu.dma_semaphore, #tpu.memory_space<semaphore_mem>> -> memref<1x!tpu.dma_semaphore, #tpu.memory_space<semaphore_mem>>
        %dma_start3A_373 = tpu.memref_squeeze %dma_start3A_372 : memref<1x!tpu.dma_semaphore, #tpu.memory_space<semaphore_mem>> -> memref<!tpu.dma_semaphore, #tpu.memory_space<semaphore_mem>>
        tpu.enqueue_indirect_dma source(%dma_start3A_371 : memref<10000x32xf32, #tpu.memory_space<hbm>>) target(%dma_start3A_365 : memref<80x32xf32, #tpu.memory_space<vmem>>) offsets(%dma_start3A_368 : memref<80xi32, #tpu.memory_space<vmem>>) semaphore(%dma_start3A_373 : memref<!tpu.dma_semaphore, #tpu.memory_space<semaphore_mem>>)
      } else {
      }
    }
    %scan3A_81 = arith.constant 25 : i32
    %dma_wait3A = arith.constant 0 : i32
    %dma_wait3A_82 = arith.constant 120 : i32
    %dma_wait3A_83 = arith.constant 0 : i32
    %dma_wait3A_84 = arith.constant 0 : i32
    %dma_wait3A_85 = arith.constant 0 : i32
    %dma_wait3A_86 = tpu.memref_slice %arg9[%dma_wait3A, %dma_wait3A_84, %dma_wait3A_85] : memref<5x80x32xf32, #tpu.memory_space<vmem>> -> memref<1x80x32xf32, #tpu.memory_space<vmem>>
    %dma_wait3A_87 = tpu.memref_squeeze %dma_wait3A_86 : memref<1x80x32xf32, #tpu.memory_space<vmem>> -> memref<80x32xf32, #tpu.memory_space<vmem>>
    %dma_wait3A_88 = arith.constant 0 : i32
    %dma_wait3A_89 = tpu.memref_slice %arg8[%dma_wait3A_82, %dma_wait3A_88] : memref<125x80xi32, #tpu.memory_space<vmem>> -> memref<1x80xi32, #tpu.memory_space<vmem>>
    %dma_wait3A_90 = tpu.memref_squeeze %dma_wait3A_89 : memref<1x80xi32, #tpu.memory_space<vmem>> -> memref<80xi32, #tpu.memory_space<vmem>>
    %dma_wait3A_91 = arith.constant 0 : i32
    %dma_wait3A_92 = arith.constant 0 : i32
    %dma_wait3A_93 = tpu.memref_slice %arg11[%dma_wait3A_91, %dma_wait3A_92] : memref<10112x32xf32, #tpu.memory_space<vmem_shared>> -> memref<10112x32xf32, #tpu.memory_space<vmem_shared>>
    %dma_wait3A_94 = tpu.memref_slice %arg13[%dma_wait3A_83] : memref<5x!tpu.dma_semaphore, #tpu.memory_space<semaphore_mem>> -> memref<1x!tpu.dma_semaphore, #tpu.memory_space<semaphore_mem>>
    %dma_wait3A_95 = tpu.memref_squeeze %dma_wait3A_94 : memref<1x!tpu.dma_semaphore, #tpu.memory_space<semaphore_mem>> -> memref<!tpu.dma_semaphore, #tpu.memory_space<semaphore_mem>>
    tpu.wait_indirect_dma semaphore(%dma_wait3A_95 : memref<!tpu.dma_semaphore, #tpu.memory_space<semaphore_mem>>) src(%dma_wait3A_87 : memref<80x32xf32, #tpu.memory_space<vmem>>) dst(%dma_wait3A_93 : memref<10112x32xf32, #tpu.memory_space<vmem_shared>>)
    %dma_wait3A_96 = arith.constant 1 : i32
    %dma_wait3A_97 = arith.constant 121 : i32
    %dma_wait3A_98 = arith.constant 1 : i32
    %dma_wait3A_99 = arith.constant 0 : i32
    %dma_wait3A_100 = arith.constant 0 : i32
    %dma_wait3A_101 = tpu.memref_slice %arg9[%dma_wait3A_96, %dma_wait3A_99, %dma_wait3A_100] : memref<5x80x32xf32, #tpu.memory_space<vmem>> -> memref<1x80x32xf32, #tpu.memory_space<vmem>>
    %dma_wait3A_102 = tpu.memref_squeeze %dma_wait3A_101 : memref<1x80x32xf32, #tpu.memory_space<vmem>> -> memref<80x32xf32, #tpu.memory_space<vmem>>
    %dma_wait3A_103 = arith.constant 0 : i32
    %dma_wait3A_104 = tpu.memref_slice %arg8[%dma_wait3A_97, %dma_wait3A_103] : memref<125x80xi32, #tpu.memory_space<vmem>> -> memref<1x80xi32, #tpu.memory_space<vmem>>
    %dma_wait3A_105 = tpu.memref_squeeze %dma_wait3A_104 : memref<1x80xi32, #tpu.memory_space<vmem>> -> memref<80xi32, #tpu.memory_space<vmem>>
    %dma_wait3A_106 = arith.constant 0 : i32
    %dma_wait3A_107 = arith.constant 0 : i32
    %dma_wait3A_108 = tpu.memref_slice %arg11[%dma_wait3A_106, %dma_wait3A_107] : memref<10112x32xf32, #tpu.memory_space<vmem_shared>> -> memref<10112x32xf32, #tpu.memory_space<vmem_shared>>
    %dma_wait3A_109 = tpu.memref_slice %arg13[%dma_wait3A_98] : memref<5x!tpu.dma_semaphore, #tpu.memory_space<semaphore_mem>> -> memref<1x!tpu.dma_semaphore, #tpu.memory_space<semaphore_mem>>
    %dma_wait3A_110 = tpu.memref_squeeze %dma_wait3A_109 : memref<1x!tpu.dma_semaphore, #tpu.memory_space<semaphore_mem>> -> memref<!tpu.dma_semaphore, #tpu.memory_space<semaphore_mem>>
    tpu.wait_indirect_dma semaphore(%dma_wait3A_110 : memref<!tpu.dma_semaphore, #tpu.memory_space<semaphore_mem>>) src(%dma_wait3A_102 : memref<80x32xf32, #tpu.memory_space<vmem>>) dst(%dma_wait3A_108 : memref<10112x32xf32, #tpu.memory_space<vmem_shared>>)
    %dma_wait3A_111 = arith.constant 2 : i32
    %dma_wait3A_112 = arith.constant 122 : i32
    %dma_wait3A_113 = arith.constant 2 : i32
    %dma_wait3A_114 = arith.constant 0 : i32
    %dma_wait3A_115 = arith.constant 0 : i32
    %dma_wait3A_116 = tpu.memref_slice %arg9[%dma_wait3A_111, %dma_wait3A_114, %dma_wait3A_115] : memref<5x80x32xf32, #tpu.memory_space<vmem>> -> memref<1x80x32xf32, #tpu.memory_space<vmem>>
    %dma_wait3A_117 = tpu.memref_squeeze %dma_wait3A_116 : memref<1x80x32xf32, #tpu.memory_space<vmem>> -> memref<80x32xf32, #tpu.memory_space<vmem>>
    %dma_wait3A_118 = arith.constant 0 : i32
    %dma_wait3A_119 = tpu.memref_slice %arg8[%dma_wait3A_112, %dma_wait3A_118] : memref<125x80xi32, #tpu.memory_space<vmem>> -> memref<1x80xi32, #tpu.memory_space<vmem>>
    %dma_wait3A_120 = tpu.memref_squeeze %dma_wait3A_119 : memref<1x80xi32, #tpu.memory_space<vmem>> -> memref<80xi32, #tpu.memory_space<vmem>>
    %dma_wait3A_121 = arith.constant 0 : i32
    %dma_wait3A_122 = arith.constant 0 : i32
    %dma_wait3A_123 = tpu.memref_slice %arg11[%dma_wait3A_121, %dma_wait3A_122] : memref<10112x32xf32, #tpu.memory_space<vmem_shared>> -> memref<10112x32xf32, #tpu.memory_space<vmem_shared>>
    %dma_wait3A_124 = tpu.memref_slice %arg13[%dma_wait3A_113] : memref<5x!tpu.dma_semaphore, #tpu.memory_space<semaphore_mem>> -> memref<1x!tpu.dma_semaphore, #tpu.memory_space<semaphore_mem>>
    %dma_wait3A_125 = tpu.memref_squeeze %dma_wait3A_124 : memref<1x!tpu.dma_semaphore, #tpu.memory_space<semaphore_mem>> -> memref<!tpu.dma_semaphore, #tpu.memory_space<semaphore_mem>>
    tpu.wait_indirect_dma semaphore(%dma_wait3A_125 : memref<!tpu.dma_semaphore, #tpu.memory_space<semaphore_mem>>) src(%dma_wait3A_117 : memref<80x32xf32, #tpu.memory_space<vmem>>) dst(%dma_wait3A_123 : memref<10112x32xf32, #tpu.memory_space<vmem_shared>>)
    %dma_wait3A_126 = arith.constant 3 : i32
    %dma_wait3A_127 = arith.constant 123 : i32
    %dma_wait3A_128 = arith.constant 3 : i32
    %dma_wait3A_129 = arith.constant 0 : i32
    %dma_wait3A_130 = arith.constant 0 : i32
    %dma_wait3A_131 = tpu.memref_slice %arg9[%dma_wait3A_126, %dma_wait3A_129, %dma_wait3A_130] : memref<5x80x32xf32, #tpu.memory_space<vmem>> -> memref<1x80x32xf32, #tpu.memory_space<vmem>>
    %dma_wait3A_132 = tpu.memref_squeeze %dma_wait3A_131 : memref<1x80x32xf32, #tpu.memory_space<vmem>> -> memref<80x32xf32, #tpu.memory_space<vmem>>
    %dma_wait3A_133 = arith.constant 0 : i32
    %dma_wait3A_134 = tpu.memref_slice %arg8[%dma_wait3A_127, %dma_wait3A_133] : memref<125x80xi32, #tpu.memory_space<vmem>> -> memref<1x80xi32, #tpu.memory_space<vmem>>
    %dma_wait3A_135 = tpu.memref_squeeze %dma_wait3A_134 : memref<1x80xi32, #tpu.memory_space<vmem>> -> memref<80xi32, #tpu.memory_space<vmem>>
    %dma_wait3A_136 = arith.constant 0 : i32
    %dma_wait3A_137 = arith.constant 0 : i32
    %dma_wait3A_138 = tpu.memref_slice %arg11[%dma_wait3A_136, %dma_wait3A_137] : memref<10112x32xf32, #tpu.memory_space<vmem_shared>> -> memref<10112x32xf32, #tpu.memory_space<vmem_shared>>
    %dma_wait3A_139 = tpu.memref_slice %arg13[%dma_wait3A_128] : memref<5x!tpu.dma_semaphore, #tpu.memory_space<semaphore_mem>> -> memref<1x!tpu.dma_semaphore, #tpu.memory_space<semaphore_mem>>
    %dma_wait3A_140 = tpu.memref_squeeze %dma_wait3A_139 : memref<1x!tpu.dma_semaphore, #tpu.memory_space<semaphore_mem>> -> memref<!tpu.dma_semaphore, #tpu.memory_space<semaphore_mem>>
    tpu.wait_indirect_dma semaphore(%dma_wait3A_140 : memref<!tpu.dma_semaphore, #tpu.memory_space<semaphore_mem>>) src(%dma_wait3A_132 : memref<80x32xf32, #tpu.memory_space<vmem>>) dst(%dma_wait3A_138 : memref<10112x32xf32, #tpu.memory_space<vmem_shared>>)
    %dma_wait3A_141 = arith.constant 4 : i32
    %dma_wait3A_142 = arith.constant 124 : i32
    %dma_wait3A_143 = arith.constant 4 : i32
    %dma_wait3A_144 = arith.constant 0 : i32
    %dma_wait3A_145 = arith.constant 0 : i32
    %dma_wait3A_146 = tpu.memref_slice %arg9[%dma_wait3A_141, %dma_wait3A_144, %dma_wait3A_145] : memref<5x80x32xf32, #tpu.memory_space<vmem>> -> memref<1x80x32xf32, #tpu.memory_space<vmem>>
    %dma_wait3A_147 = tpu.memref_squeeze %dma_wait3A_146 : memref<1x80x32xf32, #tpu.memory_space<vmem>> -> memref<80x32xf32, #tpu.memory_space<vmem>>
    %dma_wait3A_148 = arith.constant 0 : i32
    %dma_wait3A_149 = tpu.memref_slice %arg8[%dma_wait3A_142, %dma_wait3A_148] : memref<125x80xi32, #tpu.memory_space<vmem>> -> memref<1x80xi32, #tpu.memory_space<vmem>>
    %dma_wait3A_150 = tpu.memref_squeeze %dma_wait3A_149 : memref<1x80xi32, #tpu.memory_space<vmem>> -> memref<80xi32, #tpu.memory_space<vmem>>
    %dma_wait3A_151 = arith.constant 0 : i32
    %dma_wait3A_152 = arith.constant 0 : i32
    %dma_wait3A_153 = tpu.memref_slice %arg11[%dma_wait3A_151, %dma_wait3A_152] : memref<10112x32xf32, #tpu.memory_space<vmem_shared>> -> memref<10112x32xf32, #tpu.memory_space<vmem_shared>>
    %dma_wait3A_154 = tpu.memref_slice %arg13[%dma_wait3A_143] : memref<5x!tpu.dma_semaphore, #tpu.memory_space<semaphore_mem>> -> memref<1x!tpu.dma_semaphore, #tpu.memory_space<semaphore_mem>>
    %dma_wait3A_155 = tpu.memref_squeeze %dma_wait3A_154 : memref<1x!tpu.dma_semaphore, #tpu.memory_space<semaphore_mem>> -> memref<!tpu.dma_semaphore, #tpu.memory_space<semaphore_mem>>
    tpu.wait_indirect_dma semaphore(%dma_wait3A_155 : memref<!tpu.dma_semaphore, #tpu.memory_space<semaphore_mem>>) src(%dma_wait3A_147 : memref<80x32xf32, #tpu.memory_space<vmem>>) dst(%dma_wait3A_153 : memref<10112x32xf32, #tpu.memory_space<vmem_shared>>)
    %barrier3A_156 = arith.constant 0 : index
    tpu.barrier barrier_id(%barrier3A_156)
    %mul3A_157 = arith.constant 632 : i32
    %mul3A_158 = arith.muli %arg1, %mul3A_157 : i32
    "tpu.region"() ({
      %run_scoped3A = tpu.sem_alloc : memref<!tpu.dma_semaphore, #tpu.memory_space<semaphore_mem>>
      %dma_start3A_161 = arith.constant 0 : i32
      %dma_start3A_162 = tpu.memref_slice %arg11[%mul3A_158, %dma_start3A_161] : memref<10112x32xf32, #tpu.memory_space<vmem_shared>> -> memref<632x32xf32, #tpu.memory_space<vmem_shared>>
      %dma_start3A_163 = arith.constant 0 : i32
      %dma_start3A_164 = tpu.memref_slice %arg11[%mul3A_158, %dma_start3A_163] : memref<10112x32xf32, #tpu.memory_space<vmem_shared>> -> memref<632x32xf32, #tpu.memory_space<vmem_shared>>
      tpu.enqueue_dma source(%dma_start3A_164 : memref<632x32xf32, #tpu.memory_space<vmem_shared>>) target(%arg10 : memref<632x32xf32, #tpu.memory_space<vmem>>) target_semaphore(%run_scoped3A : memref<!tpu.dma_semaphore, #tpu.memory_space<semaphore_mem>>)
      %dma_wait3A_165 = arith.constant 0 : i32
      %dma_wait3A_166 = tpu.memref_slice %arg11[%mul3A_158, %dma_wait3A_165] : memref<10112x32xf32, #tpu.memory_space<vmem_shared>> -> memref<632x32xf32, #tpu.memory_space<vmem_shared>>
      %dma_wait3A_167 = arith.constant 0 : i32
      %dma_wait3A_168 = tpu.memref_slice %arg11[%mul3A_158, %dma_wait3A_167] : memref<10112x32xf32, #tpu.memory_space<vmem_shared>> -> memref<632x32xf32, #tpu.memory_space<vmem_shared>>
      tpu.wait_dma2 semaphore(%run_scoped3A : memref<!tpu.dma_semaphore, #tpu.memory_space<semaphore_mem>>) src(%dma_wait3A_168 : memref<632x32xf32, #tpu.memory_space<vmem_shared>>) dst(%arg10 : memref<632x32xf32, #tpu.memory_space<vmem>>)
      tpu.yield
    }) : () -> ()
    %mul3A_159 = arith.constant 632 : i32
    %mul3A_160 = arith.muli %arg1, %mul3A_159 : i32
    "tpu.region"() ({
      %run_scoped3A = tpu.sem_alloc : memref<!tpu.dma_semaphore, #tpu.memory_space<semaphore_mem>>
      %dma_start3A_161 = arith.constant 0 : i32
      %dma_start3A_162 = tpu.memref_slice %arg6[%arg0, %mul3A_160, %dma_start3A_161] : memref<2x10112x32xf32, #tpu.memory_space<hbm>> -> memref<1x632x32xf32, #tpu.memory_space<hbm>>
      %dma_start3A_163 = tpu.memref_squeeze %dma_start3A_162 : memref<1x632x32xf32, #tpu.memory_space<hbm>> -> memref<632x32xf32, #tpu.memory_space<hbm>>
      %dma_start3A_164 = arith.constant 0 : i32
      %dma_start3A_165 = tpu.memref_slice %arg6[%arg0, %mul3A_160, %dma_start3A_164] : memref<2x10112x32xf32, #tpu.memory_space<hbm>> -> memref<1x632x32xf32, #tpu.memory_space<hbm>>
      %dma_start3A_166 = tpu.memref_squeeze %dma_start3A_165 : memref<1x632x32xf32, #tpu.memory_space<hbm>> -> memref<632x32xf32, #tpu.memory_space<hbm>>
      tpu.enqueue_dma source(%arg10 : memref<632x32xf32, #tpu.memory_space<vmem>>) target(%dma_start3A_166 : memref<632x32xf32, #tpu.memory_space<hbm>>) target_semaphore(%run_scoped3A : memref<!tpu.dma_semaphore, #tpu.memory_space<semaphore_mem>>)
      %dma_wait3A_167 = arith.constant 0 : i32
      %dma_wait3A_168 = tpu.memref_slice %arg6[%arg0, %mul3A_160, %dma_wait3A_167] : memref<2x10112x32xf32, #tpu.memory_space<hbm>> -> memref<1x632x32xf32, #tpu.memory_space<hbm>>
      %dma_wait3A_169 = tpu.memref_squeeze %dma_wait3A_168 : memref<1x632x32xf32, #tpu.memory_space<hbm>> -> memref<632x32xf32, #tpu.memory_space<hbm>>
      %dma_wait3A_170 = arith.constant 0 : i32
      %dma_wait3A_171 = tpu.memref_slice %arg6[%arg0, %mul3A_160, %dma_wait3A_170] : memref<2x10112x32xf32, #tpu.memory_space<hbm>> -> memref<1x632x32xf32, #tpu.memory_space<hbm>>
      %dma_wait3A_172 = tpu.memref_squeeze %dma_wait3A_171 : memref<1x632x32xf32, #tpu.memory_space<hbm>> -> memref<632x32xf32, #tpu.memory_space<hbm>>
      tpu.wait_dma2 semaphore(%run_scoped3A : memref<!tpu.dma_semaphore, #tpu.memory_space<semaphore_mem>>) src(%arg10 : memref<632x32xf32, #tpu.memory_space<vmem>>) dst(%dma_wait3A_172 : memref<632x32xf32, #tpu.memory_space<hbm>>)
      tpu.yield
    }) : () -> ()
    return
  }
}

module attributes {stable_mosaic.version = 14 : i64} {
  func.func @_mm1_body(%arg0: memref<10000x128xf32, #tpu.memory_space<vmem>>, %arg1: memref<10000xf32, #tpu.memory_space<vmem>>, %arg2: memref<128x32xf32, #tpu.memory_space<vmem>>, %arg3: memref<20224xf32, #tpu.memory_space<vmem>>, %arg4: memref<10000xf32, #tpu.memory_space<vmem>>, %arg5: memref<10000x32xf32, #tpu.memory_space<vmem>>) attributes {dimension_semantics = [], scalar_prefetch = 0 : i64, scratch_operands = 0 : i64, tpu.core_type = #tpu.core_type<tc>} {
    %get3A = arith.constant 0 : index
    %get3A_0 = vector.load %arg3[%get3A] : memref<20224xf32, #tpu.memory_space<vmem>>, vector<10000xf32>
    %get3A_1 = arith.constant 10112 : index
    %get3A_2 = vector.load %arg3[%get3A_1] : memref<20224xf32, #tpu.memory_space<vmem>>, vector<10000xf32>
    %add3A = arith.addf %get3A_0, %get3A_2 : vector<10000xf32>
    %add3A_3 = arith.constant 1.000000e+00 : f32
    %add3A_4 = vector.broadcast %add3A_3 : f32 to vector<10000xf32>
    %add3A_5 = arith.addf %add3A, %add3A_4 : vector<10000xf32>
    %rsqrt3A = math.rsqrt %add3A_5 : vector<10000xf32>
    %swap3A = arith.constant 0 : index
    %swap3A_6 = vector.load %arg4[%swap3A] : memref<10000xf32, #tpu.memory_space<vmem>>, vector<10000xf32>
    tpu.vector_store %arg4[%swap3A], %rsqrt3A {strides = array<i32>} : memref<10000xf32, #tpu.memory_space<vmem>>, vector<10000xf32>,
    %get3A_7 = arith.constant 0 : index
    %get3A_8 = vector.load %arg1[%get3A_7] : memref<10000xf32, #tpu.memory_space<vmem>>, vector<10000xf32>
    %mul3A = arith.mulf %get3A_8, %rsqrt3A : vector<10000xf32>
    %reshape3A = vector.shape_cast %mul3A : vector<10000xf32> to vector<10000x1xf32>
    %get3A_9 = arith.constant 0 : index
    %get3A_10 = arith.constant 0 : index
    %get3A_11 = vector.load %arg0[%get3A_9, %get3A_10] : memref<10000x128xf32, #tpu.memory_space<vmem>>, vector<10000x128xf32>
    %get3A_12 = arith.constant 0 : index
    %get3A_13 = arith.constant 0 : index
    %get3A_14 = vector.load %arg2[%get3A_12, %get3A_13] : memref<128x32xf32, #tpu.memory_space<vmem>>, vector<128x32xf32>
    %dot_general3A = arith.constant dense<0.000000e+00> : vector<10000x32xf32>
    %dot_general3A_15 = tpu.matmul %get3A_11, %get3A_14, %dot_general3A {dimension_numbers = #tpu.dot_dimension_numbers<[1], [0], [0], [1], [0, 0, 1, 1], [], []>, precision = #tpu.contract_precision<fp32>, transpose_lhs_hint = false} : vector<10000x128xf32>, vector<128x32xf32>, vector<10000x32xf32> -> vector<10000x32xf32>
    %mul3A_16 = vector.broadcast %reshape3A : vector<10000x1xf32> to vector<10000x32xf32>
    %mul3A_17 = arith.mulf %dot_general3A_15, %mul3A_16 : vector<10000x32xf32>
    %swap3A_18 = arith.constant 0 : index
    %swap3A_19 = arith.constant 0 : index
    %swap3A_20 = vector.load %arg5[%swap3A_18, %swap3A_19] : memref<10000x32xf32, #tpu.memory_space<vmem>>, vector<10000x32xf32>
    tpu.vector_store %arg5[%swap3A_18, %swap3A_19], %mul3A_17 {strides = array<i32>} : memref<10000x32xf32, #tpu.memory_space<vmem>>, vector<10000x32xf32>,
    return
  }
}

module attributes {stable_mosaic.version = 14 : i64} {
  func.func @_layer_body(%arg0: memref<2x10112x32xf32, #tpu.memory_space<vmem>>, %arg1: memref<10000x32xf32, #tpu.memory_space<vmem>>, %arg2: memref<10000xf32, #tpu.memory_space<vmem>>, %arg3: memref<32xf32, #tpu.memory_space<vmem>>, %arg4: memref<32x32xf32, #tpu.memory_space<vmem>>, %arg5: memref<10000x32xf32, #tpu.memory_space<vmem>>) attributes {dimension_semantics = [], scalar_prefetch = 0 : i64, scratch_operands = 0 : i64, tpu.core_type = #tpu.core_type<tc>} {
    %get3A = arith.constant 0 : index
    %get3A_0 = vector.load %arg2[%get3A] : memref<10000xf32, #tpu.memory_space<vmem>>, vector<10000xf32>
    %reshape3A = vector.shape_cast %get3A_0 : vector<10000xf32> to vector<10000x1xf32>
    %get3A_1 = arith.constant 0 : index
    %get3A_2 = arith.constant 0 : index
    %get3A_3 = arith.constant 0 : index
    %get3A_4 = vector.load %arg0[%get3A_1, %get3A_2, %get3A_3] : memref<2x10112x32xf32, #tpu.memory_space<vmem>>, vector<1x10000x32xf32>
    %get3A_5 = vector.shape_cast %get3A_4 : vector<1x10000x32xf32> to vector<10000x32xf32>
    %get3A_6 = arith.constant 1 : index
    %get3A_7 = arith.constant 0 : index
    %get3A_8 = arith.constant 0 : index
    %get3A_9 = vector.load %arg0[%get3A_6, %get3A_7, %get3A_8] : memref<2x10112x32xf32, #tpu.memory_space<vmem>>, vector<1x10000x32xf32>
    %get3A_10 = vector.shape_cast %get3A_9 : vector<1x10000x32xf32> to vector<10000x32xf32>
    %add3A = arith.addf %get3A_5, %get3A_10 : vector<10000x32xf32>
    %get3A_11 = arith.constant 0 : index
    %get3A_12 = arith.constant 0 : index
    %get3A_13 = vector.load %arg1[%get3A_11, %get3A_12] : memref<10000x32xf32, #tpu.memory_space<vmem>>, vector<10000x32xf32>
    %add3A_14 = arith.addf %add3A, %get3A_13 : vector<10000x32xf32>
    %mul3A = vector.broadcast %reshape3A : vector<10000x1xf32> to vector<10000x32xf32>
    %mul3A_15 = arith.mulf %add3A_14, %mul3A : vector<10000x32xf32>
    %get3A_16 = arith.constant 0 : index
    %get3A_17 = vector.load %arg3[%get3A_16] : memref<32xf32, #tpu.memory_space<vmem>>, vector<32xf32>
    %broadcast_in_dim3A = vector.shape_cast %get3A_17 : vector<32xf32> to vector<1x32xf32>
    %add3A_18 = vector.broadcast %broadcast_in_dim3A : vector<1x32xf32> to vector<10000x32xf32>
    %add3A_19 = arith.addf %mul3A_15, %add3A_18 : vector<10000x32xf32>
    %max3A = arith.constant 0.000000e+00 : f32
    %max3A_20 = vector.broadcast %max3A : f32 to vector<10000x32xf32>
    %max3A_21 = arith.maximumf %add3A_19, %max3A_20 : vector<10000x32xf32>
    %get3A_22 = arith.constant 0 : index
    %get3A_23 = arith.constant 0 : index
    %get3A_24 = vector.load %arg4[%get3A_22, %get3A_23] : memref<32x32xf32, #tpu.memory_space<vmem>>, vector<32x32xf32>
    %dot_general3A = arith.constant dense<0.000000e+00> : vector<10000x32xf32>
    %dot_general3A_25 = tpu.matmul %max3A_21, %get3A_24, %dot_general3A {dimension_numbers = #tpu.dot_dimension_numbers<[1], [0], [0], [1], [0, 0, 1, 1], [], []>, precision = #tpu.contract_precision<fp32>, transpose_lhs_hint = false} : vector<10000x32xf32>, vector<32x32xf32>, vector<10000x32xf32> -> vector<10000x32xf32>
    %mul3A_26 = vector.broadcast %reshape3A : vector<10000x1xf32> to vector<10000x32xf32>
    %mul3A_27 = arith.mulf %dot_general3A_25, %mul3A_26 : vector<10000x32xf32>
    %swap3A = arith.constant 0 : index
    %swap3A_28 = arith.constant 0 : index
    %swap3A_29 = vector.load %arg5[%swap3A, %swap3A_28] : memref<10000x32xf32, #tpu.memory_space<vmem>>, vector<10000x32xf32>
    tpu.vector_store %arg5[%swap3A, %swap3A_28], %mul3A_27 {strides = array<i32>} : memref<10000x32xf32, #tpu.memory_space<vmem>>, vector<10000x32xf32>,
    return
  }
}

module attributes {stable_mosaic.version = 14 : i64} {
  func.func @_final_body(%arg0: memref<2x10112x32xf32, #tpu.memory_space<vmem>>, %arg1: memref<10000x32xf32, #tpu.memory_space<vmem>>, %arg2: memref<10000xf32, #tpu.memory_space<vmem>>, %arg3: memref<32xf32, #tpu.memory_space<vmem>>, %arg4: memref<32x1xf32, #tpu.memory_space<vmem>>, %arg5: memref<1x1xf32, #tpu.memory_space<vmem>>, %arg6: memref<1x1xf32, #tpu.memory_space<vmem>>) attributes {dimension_semantics = [], scalar_prefetch = 0 : i64, scratch_operands = 0 : i64, tpu.core_type = #tpu.core_type<tc>} {
    %get3A = arith.constant 0 : index
    %get3A_0 = vector.load %arg2[%get3A] : memref<10000xf32, #tpu.memory_space<vmem>>, vector<10000xf32>
    %reshape3A = vector.shape_cast %get3A_0 : vector<10000xf32> to vector<10000x1xf32>
    %get3A_1 = arith.constant 0 : index
    %get3A_2 = arith.constant 0 : index
    %get3A_3 = arith.constant 0 : index
    %get3A_4 = vector.load %arg0[%get3A_1, %get3A_2, %get3A_3] : memref<2x10112x32xf32, #tpu.memory_space<vmem>>, vector<1x10000x32xf32>
    %get3A_5 = vector.shape_cast %get3A_4 : vector<1x10000x32xf32> to vector<10000x32xf32>
    %get3A_6 = arith.constant 1 : index
    %get3A_7 = arith.constant 0 : index
    %get3A_8 = arith.constant 0 : index
    %get3A_9 = vector.load %arg0[%get3A_6, %get3A_7, %get3A_8] : memref<2x10112x32xf32, #tpu.memory_space<vmem>>, vector<1x10000x32xf32>
    %get3A_10 = vector.shape_cast %get3A_9 : vector<1x10000x32xf32> to vector<10000x32xf32>
    %add3A = arith.addf %get3A_5, %get3A_10 : vector<10000x32xf32>
    %get3A_11 = arith.constant 0 : index
    %get3A_12 = arith.constant 0 : index
    %get3A_13 = vector.load %arg1[%get3A_11, %get3A_12] : memref<10000x32xf32, #tpu.memory_space<vmem>>, vector<10000x32xf32>
    %add3A_14 = arith.addf %add3A, %get3A_13 : vector<10000x32xf32>
    %mul3A = vector.broadcast %reshape3A : vector<10000x1xf32> to vector<10000x32xf32>
    %mul3A_15 = arith.mulf %add3A_14, %mul3A : vector<10000x32xf32>
    %get3A_16 = arith.constant 0 : index
    %get3A_17 = vector.load %arg3[%get3A_16] : memref<32xf32, #tpu.memory_space<vmem>>, vector<32xf32>
    %broadcast_in_dim3A = vector.shape_cast %get3A_17 : vector<32xf32> to vector<1x32xf32>
    %add3A_18 = vector.broadcast %broadcast_in_dim3A : vector<1x32xf32> to vector<10000x32xf32>
    %add3A_19 = arith.addf %mul3A_15, %add3A_18 : vector<10000x32xf32>
    %max3A = arith.constant 0.000000e+00 : f32
    %max3A_20 = vector.broadcast %max3A : f32 to vector<10000x32xf32>
    %max3A_21 = arith.maximumf %add3A_19, %max3A_20 : vector<10000x32xf32>
    %reduce_sum3A = arith.constant dense<0.000000e+00> : vector<32xf32>
    %reduce_sum3A_22 = vector.multi_reduction <add>, %max3A_21, %reduce_sum3A [0] : vector<10000x32xf32> to vector<32xf32>
    %broadcast_in_dim3A_23 = vector.shape_cast %reduce_sum3A_22 : vector<32xf32> to vector<1x32xf32>
    %get3A_24 = arith.constant 0 : index
    %get3A_25 = arith.constant 0 : index
    %get3A_26 = vector.load %arg4[%get3A_24, %get3A_25] : memref<32x1xf32, #tpu.memory_space<vmem>>, vector<32x1xf32>
    %dot_general3A = arith.constant dense<0.000000e+00> : vector<1x1xf32>
    %dot_general3A_27 = tpu.matmul %broadcast_in_dim3A_23, %get3A_26, %dot_general3A {dimension_numbers = #tpu.dot_dimension_numbers<[1], [0], [0], [1], [0, 0, 1, 1], [], []>, precision = #tpu.contract_precision<fp32>, transpose_lhs_hint = false} : vector<1x32xf32>, vector<32x1xf32>, vector<1x1xf32> -> vector<1x1xf32>
    %get3A_28 = arith.constant 0 : index
    %get3A_29 = arith.constant 0 : index
    %get3A_30 = vector.load %arg5[%get3A_28, %get3A_29] : memref<1x1xf32, #tpu.memory_space<vmem>>, vector<1x1xf32>
    %add3A_31 = arith.addf %dot_general3A_27, %get3A_30 : vector<1x1xf32>
    %swap3A = arith.constant 0 : index
    %swap3A_32 = arith.constant 0 : index
    %swap3A_33 = vector.load %arg6[%swap3A, %swap3A_32] : memref<1x1xf32, #tpu.memory_space<vmem>>, vector<1x1xf32>
    tpu.vector_store %arg6[%swap3A, %swap3A_32], %add3A_31 {strides = array<i32>} : memref<1x1xf32, #tpu.memory_space<vmem>>, vector<1x1xf32>,
    return
  }
}

</mosaic_0001>

<sc_bundles>
// kernel: kernel.11.cloned.1.call-start
scs
__scs_entry_jumppad:
0x0: {  	(pc) =	sbr.rel $0x88, $3  }
0x1: {  	(tag) =	ssettag $0x0;
	lr =	simm.s32 $0x1  }
0x2: {  	[smem:$0x3F99] =	sst lr;
	_ =	strace $0xD0000000  }
0x3: {  	_ = 	snop  }
0x4: {  	_ = 	snop  }
0x5: {  	_ = 	snop  }
0x6: {  	_ = 	snop  }
0x7: {  	_ = 	snop  }
__scs_overlays_trampoline_lowered:
0x8: {  	[smem:$0x3FA8] =	sst s0  }
0x9: {  	[smem:$0x3FA9] =	sst s1  }
0xa: {  	[smem:$0x3FAA] =	sst s2  }
0xb: {  	[smem:$0x3FAB] =	sst s3  }
0xc: {  	[smem:$0x3FAC] =	sst s4  }
0xd: {  	[smem:$0x3FAD] =	sst s5  }
0xe: {  	[smem:$0x3FAE] =	sst s6  }
0xf: {  	[smem:$0x3FAF] =	sst s7  }
0x10: {  	[smem:$0x3FB0] =	sst s8  }
0x11: {  	[smem:$0x3FB1] =	sst s9;
	s0 =	simm.s32 @!p0 $0x0  }
0x12: {  	s1 =	sld [smem:$0x3F97];
	s0 =	simm.s32 @p0 $0x1  }
0x13: {  	[smem:$0x3FB2] =	sst s0;
	s0 =	simm.s32 @!p1 $0x0  }
0x14: {  	s2 =	sld [smem:$0x3F96];
	s0 =	simm.s32 @p1 $0x1  }
0x15: {  	[smem:$0x3FB3] =	sst s0;
	s0 =	simm.s32 @!p2 $0x0  }
0x16: {  	s3 =	sld [smem:$0x3FDB];
	s0 =	simm.s32 @p2 $0x1  }
0x17: {  	s4 =	simm.s32 $0x1BF5;
	[smem:$0x3FB5] =	sst s0  }
0x18: {  	s0 =	sld [smem:$0x3F98];
	_ =	swait.ge [sflag:s4], $0x0  }
0x19: {  	s7 =	sld [smem:$0x3F99]  }
0x1a: {  	s8 =	sadd.s32 $0xFFFFE003, lr  }
0x1b: {  	s9 =	sadd.s32 $0xFFFFFEF7, lr;
	s5 =	simm.s32 $0xFFFFFFFF;
	p2 =	slt.u32 s8, $0xFFFFF086  }
0x1c: {  	p1 =	slt.u32 s9, $0xF7A;
	s5 =	simm.s32 @!p2 $0x0  }
0x1d: {  	s5 =	simm.s32 @p1 $0x1;
	p0 =	seq.s32 s7, s2  }
0x1e: {  	s7 =	smul.u32 @!p0 $0xF7A, s2;
	p2 =	seq.s32 @!p0 s5, $0x0  }
0x1f: {  	s9 =	smul.u32 $0xF7A, s1;
	s8 =	simm.s32 @!p0 $0x1BF5;
	p2 =	por !p2, p0  }
0x20: {  	[sflag:s8] =	ssyncset.s32 @!p0 $0xFFFFF086;
	s6 =	sadd.s32 @!p0 s3, s7;
	s7 =	simm.s32 @!p0 $0x108  }
0x21: {  	s3 =	sadd.s32 s3, s9;
	s6 =	sadd.s32 @!p0 $0x88, s6;
	s7 =	simm.s32 @p2 $0x1082  }
0x22: {  	[simem:s7], [sflag:s8] =	dma.local @!p0 [hbm:s6], $0xF7A  }
0x23: {  	s9 =	sor.u32 $0xD0000000, s2;
	s6 =	simm.s32 $0x108;
	_ =	swait.ge @!p0 [sflag:s8], $0x0  }
0x24: {  	s3 =	sadd.s32 $0x88, s3;
	s6 =	simm.s32 @!p1 $0x1082;
	[sflag:s4] =	ssyncset.s32 $0xFFFFF086  }
0x25: {  	[simem:s6], [sflag:s4] =	dma.local [hbm:s3], $0xF7A  }
0x26: {  	[smem:$0x3F99] =	sst s1;
	(tag) =	ssettag s2;
	_ =	strace s9  }
0x27: {  	s1 =	sld [smem:$0x3FA9]  }
0x28: {  	s2 =	sld [smem:$0x3FAA]  }
0x29: {  	s4 =	sld [smem:$0x3FAC]  }
0x2a: {  	p0 =	seq.s32 s5, $0x0;
	s5 =	sld [smem:$0x3FAD]  }
0x2b: {  	s6 =	sld [smem:$0x3FAE]  }
0x2c: {  	s7 =	sld [smem:$0x3FAF]  }
0x2d: {  	s3 =	simm.s32 $0x108;
	s8 =	sld [smem:$0x3FB0]  }
0x2e: {  	s3 =	simm.s32 @!p0 $0x1082;
	s9 =	sld [smem:$0x3FB1]  }
0x2f: {  	lr =	sadd.s32 s0, s3;
	s0 =	sld [smem:$0x3FA8]  }
0x30: {  	s3 =	sld [smem:$0x3FAB]  }
0x31: {  	[smem:$0x3FB4] =	sst s10  }
0x32: {  	s10 =	sld [smem:$0x3FB2];
	_ =	sdelay $0x3  }
0x33: {  	p0 =	seq.s32 s10, $0x1;
	s10 =	sld [smem:$0x3FB4];
	_ =	sdelay $0x3  }
0x34: {  	[smem:$0x3FB4] =	sst s10  }
0x35: {  	s10 =	sld [smem:$0x3FB3];
	_ =	sdelay $0x3  }
0x36: {  	p1 =	seq.s32 s10, $0x1;
	s10 =	sld [smem:$0x3FB4];
	_ =	sdelay $0x3  }
0x37: {  	[smem:$0x3FB4] =	sst s10  }
0x38: {  	s10 =	sld [smem:$0x3FB5]  }
0x39: {  	_ = 	snop;
	(pc) =	sbr.ind lr, $3  }
0x3a: {  	_ = 	snop  }
0x3b: {  	_ = 	snop  }
0x3c: {  	p2 =	seq.s32 s10, $0x1;
	s10 =	sld [smem:$0x3FB4]  }
0x3d: {  	_ =	shalt  }
0x3e: {  	_ =	shalt  }
0x3f: {  	_ =	shalt  }
0x40: {  	_ =	shalt  }
0x41: {  	_ =	shalt  }
0x42: {  	_ =	shalt  }
0x43: {  	_ =	shalt  }
0x44: {  	_ =	shalt  }
0x45: {  	_ =	shalt  }
0x46: {  	_ =	shalt  }
0x47: {  	_ =	shalt  }
0x48: {  	_ =	shalt  }
0x49: {  	_ =	shalt  }
0x4a: {  	_ =	shalt  }
0x4b: {  	_ =	shalt  }
0x4c: {  	_ =	shalt  }
0x4d: {  	_ =	shalt  }
0x4e: {  	_ =	shalt  }
0x4f: {  	_ =	shalt  }
0x50: {  	_ =	shalt  }
0x51: {  	_ =	shalt  }
0x52: {  	_ =	shalt  }
0x53: {  	_ =	shalt  }
0x54: {  	_ =	shalt  }
0x55: {  	_ =	shalt  }
0x56: {  	_ =	shalt  }
0x57: {  	_ =	shalt  }
0x58: {  	_ =	shalt  }
0x59: {  	_ =	shalt  }
0x5a: {  	_ =	shalt  }
0x5b: {  	_ =	shalt  }
0x5c: {  	_ =	shalt  }
0x5d: {  	_ =	shalt  }
0x5e: {  	_ =	shalt  }
0x5f: {  	_ =	shalt  }
0x60: {  	_ =	shalt  }
0x61: {  	_ =	shalt  }
0x62: {  	_ =	shalt  }
0x63: {  	_ =	shalt  }
0x64: {  	_ =	shalt  }
0x65: {  	_ =	shalt  }
0x66: {  	_ =	shalt  }
0x67: {  	_ =	shalt  }
0x68: {  	_ =	shalt  }
0x69: {  	_ =	shalt  }
0x6a: {  	_ =	shalt  }
0x6b: {  	_ =	shalt  }
0x6c: {  	_ =	shalt  }
0x6d: {  	_ =	shalt  }
0x6e: {  	_ =	shalt  }
0x6f: {  	_ =	shalt  }
0x70: {  	_ =	shalt  }
0x71: {  	_ =	shalt  }
0x72: {  	_ =	shalt  }
0x73: {  	_ =	shalt  }
0x74: {  	_ =	shalt  }
0x75: {  	_ =	shalt  }
0x76: {  	_ =	shalt  }
0x77: {  	_ =	shalt  }
0x78: {  	_ =	shalt  }
0x79: {  	_ =	shalt  }
0x7a: {  	_ =	shalt  }
0x7b: {  	_ =	shalt  }
0x7c: {  	_ =	shalt  }
0x7d: {  	_ =	shalt  }
0x7e: {  	_ =	shalt  }
0x7f: {  	_ =	shalt  }
0x80: {  	_ =	shalt  }
0x81: {  	_ =	shalt  }
0x82: {  	_ =	shalt  }
0x83: {  	_ =	shalt  }
0x84: {  	_ =	shalt  }
0x85: {  	_ =	shalt  }
0x86: {  	_ =	shalt  }
0x87: {  	_ =	shalt  }
.Lfunc_end0:
.L_simem_size_0:
called_computation.1_lowered:
.L_overlay_start_0:
0x88: {  	s2 =	sld [smem:$0x3FD9]  }
0x89: {  	s3 =	sld [smem:$0x3FFE];
	_ =	sdelay $0x1  }
0x8a: {  	s1 =	srdreg.scid  }
0x8b: {  	s0 =	sand.u32 $0x1, s1  }
0x8c: {  	s16 =	sshll.u32 s0, $0xA;
	s2 =	sadd.s32 s3, s2  }
0x8d: {  	s2 =	sadd.s32 s2, s16  }
0x8e: {  	[smem:$0x3FC0] =	sst s2  }
0x8f: {  	_ = 	snop  }
0x90: {  	(tm) =	ssettm $0x1  }
0x91: {  	s17 =	sld [smem:$0x3FFB];
	_ =	sdelay $0x3  }
0x92: {  	_ =	strace s17  }
0x93: {  	s2 =	sld [smem:$0x3FFC];
	_ =	sdelay $0x3  }
0x94: {  	_ =	strace s2  }
0x95: {  	s2 =	sld [smem:$0x3FFD];
	_ =	sdelay $0x3  }
0x96: {  	_ =	strace s2  }
0x97: {  	_ =	strace $0x8FFFFFFF  }
0x98: {  	s18 =	sld [smem:$0x3FDB];
	_ =	sdelay $0x1  }
0x99: {  	s19 =	simm.s32 $_scs_section_size  }
0x9a: {  	s4 =	simm.s32 $_size__tile_overlayer_lowered;
	s5 =	simm.s32 $_tile_overlayer_lowered  }
0x9b: {  	s22 =	simm.s32 $0x1BFF;
	s21 =	sshll.u32 s5, $0x1;
	s2 =	sadd.s32 s19, s18  }
0x9c: {  	s6 =	simm.s32 $0x0;
	s20 =	sshll.u32 s4, $0x1;
	s4 =	sadd.s32 s21, s2  }
0x9d: {  	[timem:s6], [sflag:s22] =	dma.local [hbm:s4], s20  }
0x9e: {  	_ =	swait.ge [sflag:s22], s20  }
0x9f: {  	s3 =	ssub.s32 $0x0, s20;
	[sflag:s22] =	ssyncset.done $0x0  }
0xa0: {  	[sflag:s22] =	ssyncadd.s32 s3;
	_ =	sdelay $0x1  }
0xa1: {  	s23 =	simm.s32 $0x1B8B  }
0xa2: {  	_ =	swait.ge [sflag:s23], $0x1  }
0xa3: {  	[sflag:s23] =	ssyncset.done $0x0  }
0xa4: {  	s25 =	simm.s32 $0x1B8E;
	s24 =	sld [smem:$0x3FFE];
	[sflag:s23] =	ssyncadd.s32 $0xFFFFFFFF  }
0xa5: {  	s26 =	simm.s32 $execute0_lowered;
	[smem:$0x3FD2] =	sst s25  }
0xa6: {  	s4 =	sshll.u32 s26, $0x1;
	_ =	strace $0x80000049;
	[dreg:$0x1] =	wrdreg $0xFFFFFFFF  }
0xa7: {  	s28 =	simm.s32 $_size_execute0_lowered;
	s2 =	sadd.s32 s2, s4;
	[dreg:$0x0] =	wrdreg $0x0  }
0xa8: {  	s4 =	sshll.u32 s28, $0x1;
	[dreg:$0x2] =	wrdreg s2  }
0xa9: {  	[dreg:$0x3] =	wrdreg s4  }
0xaa: {  	[dreg:$0x4] =	wrdreg $0xC0  }
0xab: {  	_ =	task [dreg:s6], $0x5FFFF  }
0xac: {  	[dreg:$0x1] =	wrdreg $0xFFFFFFFF  }
0xad: {  	[dreg:$0x0] =	wrdreg $0x60  }
0xae: {  	[dreg:$0x2] =	wrdreg s24  }
0xaf: {  	[dreg:$0x3] =	wrdreg $0xCF200  }
0xb0: {  	[dreg:$0x4] =	wrdreg $0x9  }
0xb1: {  	_ =	task.clear_ibuf [dreg:s6], $0x5FFFF;
	_ =	strace $0x90000049  }
0xb2: {  	s29 =	simm.s32 $0x9;
	_ =	strace $0x8000004B  }
0xb3: {  	_ =	swait.ge [sflag:s29], $0x1  }
0xb4: {  	[sflag:s29] =	ssyncadd.s32 $0xFFFFFFFF  }
0xb5: {  	_ =	strace $0x9000004B  }
0xb6: {  	_ =	sfence  }
0xb7: {  	s30 =	sld [smem:$0x0];
	_ =	sdelay $0x2  }
0xb8: {  	s31 =	sshll.u32 s1, $0xD;
	s1 =	sshrl.u32 s1, $0x2  }
0xb9: {  	s3 =	sand.u32 $0x4000, s31;
	s1 =	sadd.s32 s1, s30  }
0xba: {  	s0 =	sor.u32 s3, s0;
	s1 =	sshll.u32 s1, $0x11  }
0xbb: {  	s0 =	sor.u32 s1, s0  }
0xbc: {  	s0 =	sadd.s32 $0x8F2B, s0  }
0xbd: {  	[sflag:s0] =	ssyncadd.remote.s32 $0x1  }
0xbe: {  	_ =	sfence.sel $0xFFFF  }
0xbf: {  	[dreg:$0x0] =	wrdreg $0xFFFFFFFF;
	(pc) =	sbr.abs _section_cstart, $3  }
0xc0: {  	[dreg:$0x1] =	wrdreg $0xFFFFFFFF  }
0xc1: {  	_ =	task.clear_ibuf [dreg:s6], $0x2FFFF;
	_ =	strace $0x9FFFFFFF  }
0xc2: {  	(tm) =	ssettm $0x7FFFFFFF  }
0xc3: {  	_ =	shalt  }
tec
execute0_lowered:
.L_overlay_start_1:
0x0: {  	(tag) =	ssettag $0x1  }
0x1: {  	s0 =	rddreg [dreg:$0x0]  }
0x2: {  	s2 =	rddreg [dreg:$0x1];
	s3 =	simm.s32 $0x0;
	s1 =	srdreg.scid  }
0x3: {  	s5 =	stileid.u32;
	s11 =	simm.s32 $0x8020;
	s12 =	simm.s32 $0xB  }
0x4: {  	s14 =	simm.s32 $0x50;
	s15 =	simm.s32 $0x4E20;
	s16 =	simm.s32 $0x5820  }
0x5: {  	s18 =	simm.s32 $0x6220;
	s20 =	simm.s32 $0x6C20;
	s22 =	simm.s32 $0x7620  }
0x6: {  	s23 =	simm.s32 $0x1;
	s24 =	simm.s32 $0x6;
	s28 =	simm.s32 $0x3  }
0x7: {  	s29 =	simm.s32 $0x8;
	s30 =	simm.s32 $0x4;
	s31 =	simm.s32 $0x9  }
0x8: {  	s17 =	simm.s32 $0x0;
	s1 =	sand.u32 $0x1, s1;
	s4 =	sshll.u32 s5, $0x1  }
0x9: {  	s6 =	smul.u32 $0x4F00, s5;
	[smem:$0x7FF] =	sst s3;
	s4 =	sor.u32 s1, s4  }
0xa: {  	s25 =	smul.u32 $0x4F000, s1;
	_ =	strace $0x8000004A;
	s1 =	ssub.s32 $0x2, s1  }
0xb: {  	s7 =	smul.u32 $0x4E2, s4;
	s4 =	sadd.s32 $0x16600, s0;
	s9 =	sshrl.u32 s1, $0x1  }
0xc: {  	s5 =	sadd.s32 s6, s25;
	s1 =	ssub.s32 s1, s9;
	s6 =	sadd.s32 s6, s2  }
0xd: {  	s25 =	simm.s32 $0x2;
	s8 =	sadd.s32 s7, s0;
	s26 =	sshrl.u32 s5, $0x3  }
0xe: {  	s5 =	sadd.s32 $0xBC00, s0;
	s10 =	smax.u32 s1, $0x1;
	s1 =	simm.s32 $0xA  }
0xf: {  	s0 =	sadd.s32 s26, s0;
	s7 =	sadd.s32 $0xC800, s8;
	s8 =	sadd.s32 $0x1E00, s8  }
0x10: {  	s26 =	simm.s32 $0x7;
	s9 =	sadd.s32 $0x20400, s0;
	s0 =	simm.s32 $0x5  }
.LBB2_1:
0x11: {  	[tilespmem:s11], [sflag:$0xB] =	stream.linear.gather [hbm4b:s5+s3], $0x4F00, $0x38;
	[tilespmem:$0x11E20] =	vst v63  }
0x12: {  	_ =	swait.ge [sflag:s12], $0x4F00  }
0x13: {  	[sflag:s12] =	ssyncset.done $0x0  }
0x14: {  	[sflag:s12] =	ssyncadd.s32 $0xFFFFB100  }
0x15: {  	[spmem:s6] =	stream.linear.scatter [tilespmem:s11], [sflag:$0xB], $0x4F00, $0x38;
	[tilespmem:$0x11E20] =	vst v63  }
0x16: {  	_ =	swait.ge [sflag:s12], $0x4F00  }
0x17: {  	[sflag:s12] =	ssyncset.done $0x0  }
0x18: {  	[sflag:s12] =	ssyncadd.s32 $0xFFFFB100  }
0x19: {  	[tilespmem:s3], [sflag:$0xB] =	stream.linear.gather [hbm4b:s7+s3], $0x2710, $0x38;
	[tilespmem:$0x11E20] =	vst v63  }
0x1a: {  	_ =	swait.ge [sflag:s12], $0x2710  }
0x1b: {  	[sflag:s12] =	ssyncset.done $0x0  }
0x1c: {  	s13 =	simm.s32 $0x2710;
	[sflag:s12] =	ssyncadd.s32 $0xFFFFD8F0  }
0x1d: {  	[tilespmem:s13], [sflag:$0xB] =	stream.linear.gather [hbm4b:s8+s3], $0x2710, $0x38;
	[tilespmem:$0x11E20] =	vst v63  }
0x1e: {  	_ =	swait.ge [sflag:s12], $0x2710  }
0x1f: {  	[sflag:s12] =	ssyncset.done $0x0  }
0x20: {  	[sflag:s12] =	ssyncadd.s32 $0xFFFFD8F0  }
0x21: {  	[bflag:$0x0] =	sbarrier.arrive $0xFFFF  }
0x22: {  	[tilespmem:s15], [sflag:$0x1] =	stream.indirect.gather [hbm4b:s4+s14], $0x20, s3, s14, $0xb8;
	[tilespmem:$0x11E20] =	vst v63  }
0x23: {  	_ = 	snop  }
0x24: {  	[tilespmem:s16], [sflag:$0x2] =	stream.indirect.gather [hbm4b:s4+s14], $0x20, s14, s14, $0xb8;
	[tilespmem:$0x11E20] =	vst v63  }
0x25: {  	s21 =	simm.s32 $0xA0  }
0x26: {  	[tilespmem:s18], [sflag:$0x3] =	stream.indirect.gather [hbm4b:s4+s14], $0x20, s21, s14, $0xb8;
	[tilespmem:$0x11E20] =	vst v63  }
0x27: {  	s19 =	simm.s32 $0xF0  }
0x28: {  	[tilespmem:s20], [sflag:$0x4] =	stream.indirect.gather [hbm4b:s4+s14], $0x20, s19, s14, $0xb8;
	[tilespmem:$0x11E20] =	vst v63  }
0x29: {  	s21 =	simm.s32 $0x140  }
0x2a: {  	[tilespmem:s22], [sflag:$0x5] =	stream.indirect.gather [hbm4b:s4+s14], $0x20, s21, s14, $0xb8;
	[tilespmem:$0x11E20] =	vst v63  }
0x2b: {  	_ =	swait.ge [sflag:s23], $0xA00  }
0x2c: {  	[sflag:s23] =	ssyncset.done $0x0  }
0x2d: {  	s19 =	simm.s32 $0x2710;
	[sflag:s23] =	ssyncadd.s32 $0xFFFFF600  }
0x2e: {  	[spmem:s2] =	stream.indirect.scatter.add.f32 [tilespmem:s15], [sflag:$0x6], $0x20, s19, s14, $0xb8;
	[tilespmem:$0x11E20] =	vst v63  }
0x2f: {  	_ =	swait.ge [sflag:s24], $0xA00  }
0x30: {  	[sflag:s24] =	ssyncset.done $0x0  }
0x31: {  	s13 =	simm.s32 $0x190;
	[sflag:s24] =	ssyncadd.s32 $0xFFFFF600  }
0x32: {  	[tilespmem:s15], [sflag:$0x1] =	stream.indirect.gather [hbm4b:s4+s14], $0x20, s13, s14, $0xb8;
	[tilespmem:$0x11E20] =	vst v63  }
0x33: {  	_ =	swait.ge [sflag:s25], $0xA00  }
0x34: {  	[sflag:s25] =	ssyncset.done $0x0  }
0x35: {  	s21 =	simm.s32 $0x2760;
	[sflag:s25] =	ssyncadd.s32 $0xFFFFF600  }
0x36: {  	[spmem:s2] =	stream.indirect.scatter.add.f32 [tilespmem:s16], [sflag:$0x7], $0x20, s21, s14, $0xb8;
	[tilespmem:$0x11E20] =	vst v63  }
0x37: {  	_ =	swait.ge [sflag:s26], $0xA00  }
0x38: {  	[sflag:s26] =	ssyncset.done $0x0  }
0x39: {  	s13 =	simm.s32 $0x1E0;
	[sflag:s26] =	ssyncadd.s32 $0xFFFFF600  }
0x3a: {  	[tilespmem:s16], [sflag:$0x2] =	stream.indirect.gather [hbm4b:s4+s14], $0x20, s13, s14, $0xb8;
	[tilespmem:$0x11E20] =	vst v63  }
0x3b: {  	_ =	swait.ge [sflag:s28], $0xA00  }
0x3c: {  	[sflag:s28] =	ssyncset.done $0x0  }
0x3d: {  	s21 =	simm.s32 $0x27B0;
	[sflag:s28] =	ssyncadd.s32 $0xFFFFF600  }
0x3e: {  	[spmem:s2] =	stream.indirect.scatter.add.f32 [tilespmem:s18], [sflag:$0x8], $0x20, s21, s14, $0xb8;
	[tilespmem:$0x11E20] =	vst v63  }
0x3f: {  	_ =	swait.ge [sflag:s29], $0xA00  }
0x40: {  	[sflag:s29] =	ssyncset.done $0x0  }
0x41: {  	s13 =	simm.s32 $0x230;
	[sflag:s29] =	ssyncadd.s32 $0xFFFFF600  }
0x42: {  	[tilespmem:s18], [sflag:$0x3] =	stream.indirect.gather [hbm4b:s4+s14], $0x20, s13, s14, $0xb8;
	[tilespmem:$0x11E20] =	vst v63  }
0x43: {  	_ =	swait.ge [sflag:s30], $0xA00  }
0x44: {  	[sflag:s30] =	ssyncset.done $0x0  }
0x45: {  	s21 =	simm.s32 $0x2800;
	[sflag:s30] =	ssyncadd.s32 $0xFFFFF600  }
0x46: {  	[spmem:s2] =	stream.indirect.scatter.add.f32 [tilespmem:s20], [sflag:$0x9], $0x20, s21, s14, $0xb8;
	[tilespmem:$0x11E20] =	vst v63  }
0x47: {  	_ =	swait.ge [sflag:s31], $0xA00  }
0x48: {  	[sflag:s31] =	ssyncset.done $0x0  }
0x49: {  	s13 =	simm.s32 $0x280;
	[sflag:s31] =	ssyncadd.s32 $0xFFFFF600  }
0x4a: {  	[tilespmem:s20], [sflag:$0x4] =	stream.indirect.gather [hbm4b:s4+s14], $0x20, s13, s14, $0xb8;
	[tilespmem:$0x11E20] =	vst v63  }
0x4b: {  	_ =	swait.ge [sflag:s0], $0xA00  }
0x4c: {  	[sflag:s0] =	ssyncset.done $0x0  }
0x4d: {  	s21 =	simm.s32 $0x2850;
	[sflag:s0] =	ssyncadd.s32 $0xFFFFF600  }
0x4e: {  	[spmem:s2] =	stream.indirect.scatter.add.f32 [tilespmem:s22], [sflag:$0xA], $0x20, s21, s14, $0xb8;
	[tilespmem:$0x11E20] =	vst v63  }
0x4f: {  	_ =	swait.ge [sflag:s1], $0xA00  }
0x50: {  	[sflag:s1] =	ssyncset.done $0x0  }
0x51: {  	s19 =	simm.s32 $0x640;
	s21 =	simm.s32 $0x2D0;
	[sflag:s1] =	ssyncadd.s32 $0xFFFFF600  }
.LBB2_2:
0x52: {  	[tilespmem:s22], [sflag:$0x5] =	stream.indirect.gather [hbm4b:s4+s14], $0x20, s21, s14, $0xb8;
	[tilespmem:$0x11E20] =	vst v63  }
0x53: {  	s21 =	smov.u32 s19  }
0x54: {  	p0 =	sne.s32 s19, $0x8FC0;
	s19 =	sadd.s32 $0x640, s19;
	_ =	swait.ge [sflag:s23], $0xA00  }
0x55: {  	s21 =	sshra.s32 s21, $0x2;
	[sflag:s23] =	ssyncset.done $0x0  }
0x56: {  	s13 =	sadd.s32 $0x2710, s21;
	[sflag:s23] =	ssyncadd.s32 $0xFFFFF600  }
0x57: {  	[spmem:s2] =	stream.indirect.scatter.add.f32 [tilespmem:s15], [sflag:$0x6], $0x20, s13, s14, $0xb8;
	[tilespmem:$0x11E20] =	vst v63  }
0x58: {  	_ =	swait.ge [sflag:s24], $0xA00  }
0x59: {  	[sflag:s24] =	ssyncset.done $0x0  }
0x5a: {  	s13 =	sadd.s32 $0x190, s21;
	[sflag:s24] =	ssyncadd.s32 $0xFFFFF600  }
0x5b: {  	[tilespmem:s15], [sflag:$0x1] =	stream.indirect.gather [hbm4b:s4+s14], $0x20, s13, s14, $0xb8;
	[tilespmem:$0x11E20] =	vst v63  }
0x5c: {  	_ =	swait.ge [sflag:s25], $0xA00  }
0x5d: {  	[sflag:s25] =	ssyncset.done $0x0  }
0x5e: {  	s13 =	sadd.s32 $0x2760, s21;
	[sflag:s25] =	ssyncadd.s32 $0xFFFFF600  }
0x5f: {  	[spmem:s2] =	stream.indirect.scatter.add.f32 [tilespmem:s16], [sflag:$0x7], $0x20, s13, s14, $0xb8;
	[tilespmem:$0x11E20] =	vst v63  }
0x60: {  	_ =	swait.ge [sflag:s26], $0xA00  }
0x61: {  	[sflag:s26] =	ssyncset.done $0x0  }
0x62: {  	s13 =	sadd.s32 $0x1E0, s21;
	[sflag:s26] =	ssyncadd.s32 $0xFFFFF600  }
0x63: {  	[tilespmem:s16], [sflag:$0x2] =	stream.indirect.gather [hbm4b:s4+s14], $0x20, s13, s14, $0xb8;
	[tilespmem:$0x11E20] =	vst v63  }
0x64: {  	_ =	swait.ge [sflag:s28], $0xA00  }
0x65: {  	[sflag:s28] =	ssyncset.done $0x0  }
0x66: {  	s13 =	sadd.s32 $0x27B0, s21;
	[sflag:s28] =	ssyncadd.s32 $0xFFFFF600  }
0x67: {  	[spmem:s2] =	stream.indirect.scatter.add.f32 [tilespmem:s18], [sflag:$0x8], $0x20, s13, s14, $0xb8;
	[tilespmem:$0x11E20] =	vst v63  }
0x68: {  	_ =	swait.ge [sflag:s29], $0xA00  }
0x69: {  	[sflag:s29] =	ssyncset.done $0x0  }
0x6a: {  	s13 =	sadd.s32 $0x230, s21;
	[sflag:s29] =	ssyncadd.s32 $0xFFFFF600  }
0x6b: {  	[tilespmem:s18], [sflag:$0x3] =	stream.indirect.gather [hbm4b:s4+s14], $0x20, s13, s14, $0xb8;
	[tilespmem:$0x11E20] =	vst v63  }
0x6c: {  	_ =	swait.ge [sflag:s30], $0xA00  }
0x6d: {  	[sflag:s30] =	ssyncset.done $0x0  }
0x6e: {  	s13 =	sadd.s32 $0x2800, s21;
	[sflag:s30] =	ssyncadd.s32 $0xFFFFF600  }
0x6f: {  	[spmem:s2] =	stream.indirect.scatter.add.f32 [tilespmem:s20], [sflag:$0x9], $0x20, s13, s14, $0xb8;
	[tilespmem:$0x11E20] =	vst v63  }
0x70: {  	_ =	swait.ge [sflag:s31], $0xA00  }
0x71: {  	[sflag:s31] =	ssyncset.done $0x0  }
0x72: {  	s13 =	sadd.s32 $0x280, s21;
	[sflag:s31] =	ssyncadd.s32 $0xFFFFF600  }
0x73: {  	[tilespmem:s20], [sflag:$0x4] =	stream.indirect.gather [hbm4b:s4+s14], $0x20, s13, s14, $0xb8;
	[tilespmem:$0x11E20] =	vst v63  }
0x74: {  	_ =	swait.ge [sflag:s0], $0xA00  }
0x75: {  	[sflag:s0] =	ssyncset.done $0x0  }
.Ltmp0:
0x76: {  	s13 =	sadd.s32 $0x2850, s21;
	[sflag:s0] =	ssyncadd.s32 $0xFFFFF600;
	(pc) =	sbr.rel @p0 .LBB2_2-.Ltmp0, $4  }
0x77: {  	[spmem:s2] =	stream.indirect.scatter.add.f32 [tilespmem:s22], [sflag:$0xA], $0x20, s13, s14, $0xb8;
	[tilespmem:$0x11E20] =	vst v63  }
0x78: {  	_ =	swait.ge [sflag:s1], $0xA00  }
0x79: {  	[sflag:s1] =	ssyncset.done $0x0  }
0x7a: {  	s21 =	sadd.s32 $0x2D0, s21;
	[sflag:s1] =	ssyncadd.s32 $0xFFFFF600  }
0x7b: {  	[tilespmem:s22], [sflag:$0x5] =	stream.indirect.gather [hbm4b:s4+s14], $0x20, s21, s14, $0xb8;
	[tilespmem:$0x11E20] =	vst v63  }
0x7c: {  	_ =	swait.ge [sflag:s23], $0xA00  }
0x7d: {  	[sflag:s23] =	ssyncset.done $0x0  }
0x7e: {  	s13 =	simm.s32 $0x4C90;
	[sflag:s23] =	ssyncadd.s32 $0xFFFFF600  }
0x7f: {  	[spmem:s2] =	stream.indirect.scatter.add.f32 [tilespmem:s15], [sflag:$0x6], $0x20, s13, s14, $0xb8;
	[tilespmem:$0x11E20] =	vst v63  }
0x80: {  	_ =	swait.ge [sflag:s25], $0xA00  }
0x81: {  	[sflag:s25] =	ssyncset.done $0x0  }
0x82: {  	s19 =	simm.s32 $0x4CE0;
	[sflag:s25] =	ssyncadd.s32 $0xFFFFF600  }
0x83: {  	[spmem:s2] =	stream.indirect.scatter.add.f32 [tilespmem:s16], [sflag:$0x7], $0x20, s19, s14, $0xb8;
	[tilespmem:$0x11E20] =	vst v63  }
0x84: {  	_ =	swait.ge [sflag:s28], $0xA00  }
0x85: {  	[sflag:s28] =	ssyncset.done $0x0  }
0x86: {  	s21 =	simm.s32 $0x4D30;
	[sflag:s28] =	ssyncadd.s32 $0xFFFFF600  }
0x87: {  	[spmem:s2] =	stream.indirect.scatter.add.f32 [tilespmem:s18], [sflag:$0x8], $0x20, s21, s14, $0xb8;
	[tilespmem:$0x11E20] =	vst v63  }
0x88: {  	_ =	swait.ge [sflag:s30], $0xA00  }
0x89: {  	[sflag:s30] =	ssyncset.done $0x0  }
0x8a: {  	s19 =	simm.s32 $0x4D80;
	[sflag:s30] =	ssyncadd.s32 $0xFFFFF600  }
0x8b: {  	[spmem:s2] =	stream.indirect.scatter.add.f32 [tilespmem:s20], [sflag:$0x9], $0x20, s19, s14, $0xb8;
	[tilespmem:$0x11E20] =	vst v63  }
0x8c: {  	_ =	swait.ge [sflag:s0], $0xA00  }
0x8d: {  	[sflag:s0] =	ssyncset.done $0x0  }
0x8e: {  	s21 =	simm.s32 $0x4DD0;
	[sflag:s0] =	ssyncadd.s32 $0xFFFFF600  }
0x8f: {  	[spmem:s2] =	stream.indirect.scatter.add.f32 [tilespmem:s22], [sflag:$0xA], $0x20, s21, s14, $0xb8;
	[tilespmem:$0x11E20] =	vst v63  }
0x90: {  	_ =	swait.ge [sflag:s24], $0xA00  }
0x91: {  	[sflag:s24] =	ssyncset.done $0x0  }
0x92: {  	[sflag:s24] =	ssyncadd.s32 $0xFFFFF600  }
0x93: {  	_ =	swait.ge [sflag:s26], $0xA00  }
0x94: {  	[sflag:s26] =	ssyncset.done $0x0  }
0x95: {  	[sflag:s26] =	ssyncadd.s32 $0xFFFFF600  }
0x96: {  	_ =	swait.ge [sflag:s29], $0xA00  }
0x97: {  	[sflag:s29] =	ssyncset.done $0x0  }
0x98: {  	[sflag:s29] =	ssyncadd.s32 $0xFFFFF600  }
0x99: {  	_ =	swait.ge [sflag:s31], $0xA00  }
0x9a: {  	[sflag:s31] =	ssyncset.done $0x0  }
0x9b: {  	[sflag:s31] =	ssyncadd.s32 $0xFFFFF600  }
0x9c: {  	_ =	swait.ge [sflag:s1], $0xA00  }
0x9d: {  	[sflag:s1] =	ssyncset.done $0x0  }
0x9e: {  	[sflag:s1] =	ssyncadd.s32 $0xFFFFF600  }
0x9f: {  	[bflag:$0x0] =	sbarrier.arrive $0xFFFF  }
0xa0: {  	[tilespmem:s11], [sflag:$0xB] =	stream.linear.gather [spmem:s6], $0x4F00, $0x38;
	[tilespmem:$0x11E20] =	vst v63  }
0xa1: {  	s17 =	sadd.s32 $0x1, s17;
	_ =	swait.ge [sflag:s12], $0x4F00  }
0xa2: {  	p0 =	sne.s32 s17, s10;
	[sflag:s12] =	ssyncset.done $0x0  }
.Ltmp1:
0xa3: {  	[sflag:s12] =	ssyncadd.s32 $0xFFFFB100;
	(pc) =	sbr.rel @p0 .LBB2_1-.Ltmp1, $4  }
0xa4: {  	[hbm4b:s9+s3] =	stream.linear.scatter [tilespmem:s11], [sflag:$0xB], $0x4F00, $0x38;
	[tilespmem:$0x11E20] =	vst v63  }
0xa5: {  	_ =	swait.ge [sflag:s12], $0x4F00  }
0xa6: {  	[sflag:s12] =	ssyncset.done $0x0  }
0xa7: {  	[sflag:s12] =	ssyncadd.s32 $0xFFFFB100  }
0xa8: {  	_ =	sfence.sel $0x180000  }
0xa9: {  	[bflag:$0x0] =	sbarrier.arrive $0xFFFF  }
0xaa: {  	_ =	strace $0x9000004A  }
0xab: {  	s0 =	stileid.u32;
	[bflag:$0x2] =	sbarrier.arrive $0xFFFF  }
0xac: {  	p0 =	sne.s32 s0, $0x0;
	s0 =	rddreg [dreg:$0x2]  }
0xad: {  	s0 =	sadd.s32 @!p0 $0x100000, s0  }
0xae: {  	[sflag:s0] =	ssyncadd.tile.s32 @!p0 $0x1;
	_ =	shalt  }
.Lfunc_end2:
_tile_overlayer_lowered:
.L_overlay_start_2:
0xaf: {  	(tag) =	ssettag $0x2  }
0xb0: {  	s0 =	rddreg [dreg:$0x0];
	s2 =	stileid.u32  }
0xb1: {  	s1 =	rddreg [dreg:$0x1];
	p0 =	sne.s32 s2, $0x0  }
0xb2: {  	s3 =	rddreg [dreg:$0x2];
	[bflag:$0x3] =	sbarrier.arrive $0xFFFF;
	s2 =	simm.s32 @!p0 $0x1C0B  }
0xb3: {  	[timem:s3], [sflag:s2] =	dma.local @!p0 [hbm:s0], s1  }
0xb4: {  	s0 =	simm.s32 @!p0 $0xB  }
0xb5: {  	_ =	swait.ge @!p0 [sflag:s0], s1  }
0xb6: {  	s1 =	ssub.s32 @!p0 $0x0, s1;
	[sflag:s0] =	ssyncset.done @!p0 $0x0  }
0xb7: {  	[sflag:s0] =	ssyncadd.s32 @!p0 s1  }
0xb8: {  	[bflag:$0x3] =	sbarrier.arrive $0xFFFF  }
0xb9: {  	_ =	shalt  }

// kernel: kernel.14.cloned.1.call-start
scs
__scs_entry_jumppad:
0x0: {  	(pc) =	sbr.rel $0x88, $3  }
0x1: {  	(tag) =	ssettag $0x0;
	lr =	simm.s32 $0x1  }
0x2: {  	[smem:$0x3F99] =	sst lr;
	_ =	strace $0xD0000000  }
0x3: {  	_ = 	snop  }
0x4: {  	_ = 	snop  }
0x5: {  	_ = 	snop  }
0x6: {  	_ = 	snop  }
0x7: {  	_ = 	snop  }
__scs_overlays_trampoline_lowered:
0x8: {  	[smem:$0x3FA8] =	sst s0  }
0x9: {  	[smem:$0x3FA9] =	sst s1  }
0xa: {  	[smem:$0x3FAA] =	sst s2  }
0xb: {  	[smem:$0x3FAB] =	sst s3  }
0xc: {  	[smem:$0x3FAC] =	sst s4  }
0xd: {  	[smem:$0x3FAD] =	sst s5  }
0xe: {  	[smem:$0x3FAE] =	sst s6  }
0xf: {  	[smem:$0x3FAF] =	sst s7  }
0x10: {  	[smem:$0x3FB0] =	sst s8  }
0x11: {  	[smem:$0x3FB1] =	sst s9;
	s0 =	simm.s32 @!p0 $0x0  }
0x12: {  	s1 =	sld [smem:$0x3F97];
	s0 =	simm.s32 @p0 $0x1  }
0x13: {  	[smem:$0x3FB2] =	sst s0;
	s0 =	simm.s32 @!p1 $0x0  }
0x14: {  	s2 =	sld [smem:$0x3F96];
	s0 =	simm.s32 @p1 $0x1  }
0x15: {  	[smem:$0x3FB3] =	sst s0;
	s0 =	simm.s32 @!p2 $0x0  }
0x16: {  	s3 =	sld [smem:$0x3FDB];
	s0 =	simm.s32 @p2 $0x1  }
0x17: {  	s4 =	simm.s32 $0x1BF5;
	[smem:$0x3FB5] =	sst s0  }
0x18: {  	s0 =	sld [smem:$0x3F98];
	_ =	swait.ge [sflag:s4], $0x0  }
0x19: {  	s7 =	sld [smem:$0x3F99]  }
0x1a: {  	s8 =	sadd.s32 $0xFFFFE003, lr  }
0x1b: {  	s9 =	sadd.s32 $0xFFFFFEF7, lr;
	s5 =	simm.s32 $0xFFFFFFFF;
	p2 =	slt.u32 s8, $0xFFFFF086  }
0x1c: {  	p1 =	slt.u32 s9, $0xF7A;
	s5 =	simm.s32 @!p2 $0x0  }
0x1d: {  	s5 =	simm.s32 @p1 $0x1;
	p0 =	seq.s32 s7, s2  }
0x1e: {  	s7 =	smul.u32 @!p0 $0xF7A, s2;
	p2 =	seq.s32 @!p0 s5, $0x0  }
0x1f: {  	s9 =	smul.u32 $0xF7A, s1;
	s8 =	simm.s32 @!p0 $0x1BF5;
	p2 =	por !p2, p0  }
0x20: {  	[sflag:s8] =	ssyncset.s32 @!p0 $0xFFFFF086;
	s6 =	sadd.s32 @!p0 s3, s7;
	s7 =	simm.s32 @!p0 $0x108  }
0x21: {  	s3 =	sadd.s32 s3, s9;
	s6 =	sadd.s32 @!p0 $0x88, s6;
	s7 =	simm.s32 @p2 $0x1082  }
0x22: {  	[simem:s7], [sflag:s8] =	dma.local @!p0 [hbm:s6], $0xF7A  }
0x23: {  	s9 =	sor.u32 $0xD0000000, s2;
	s6 =	simm.s32 $0x108;
	_ =	swait.ge @!p0 [sflag:s8], $0x0  }
0x24: {  	s3 =	sadd.s32 $0x88, s3;
	s6 =	simm.s32 @!p1 $0x1082;
	[sflag:s4] =	ssyncset.s32 $0xFFFFF086  }
0x25: {  	[simem:s6], [sflag:s4] =	dma.local [hbm:s3], $0xF7A  }
0x26: {  	[smem:$0x3F99] =	sst s1;
	(tag) =	ssettag s2;
	_ =	strace s9  }
0x27: {  	s1 =	sld [smem:$0x3FA9]  }
0x28: {  	s2 =	sld [smem:$0x3FAA]  }
0x29: {  	s4 =	sld [smem:$0x3FAC]  }
0x2a: {  	p0 =	seq.s32 s5, $0x0;
	s5 =	sld [smem:$0x3FAD]  }
0x2b: {  	s6 =	sld [smem:$0x3FAE]  }
0x2c: {  	s7 =	sld [smem:$0x3FAF]  }
0x2d: {  	s3 =	simm.s32 $0x108;
	s8 =	sld [smem:$0x3FB0]  }
0x2e: {  	s3 =	simm.s32 @!p0 $0x1082;
	s9 =	sld [smem:$0x3FB1]  }
0x2f: {  	lr =	sadd.s32 s0, s3;
	s0 =	sld [smem:$0x3FA8]  }
0x30: {  	s3 =	sld [smem:$0x3FAB]  }
0x31: {  	[smem:$0x3FB4] =	sst s10  }
0x32: {  	s10 =	sld [smem:$0x3FB2];
	_ =	sdelay $0x3  }
0x33: {  	p0 =	seq.s32 s10, $0x1;
	s10 =	sld [smem:$0x3FB4];
	_ =	sdelay $0x3  }
0x34: {  	[smem:$0x3FB4] =	sst s10  }
0x35: {  	s10 =	sld [smem:$0x3FB3];
	_ =	sdelay $0x3  }
0x36: {  	p1 =	seq.s32 s10, $0x1;
	s10 =	sld [smem:$0x3FB4];
	_ =	sdelay $0x3  }
0x37: {  	[smem:$0x3FB4] =	sst s10  }
0x38: {  	s10 =	sld [smem:$0x3FB5]  }
0x39: {  	_ = 	snop;
	(pc) =	sbr.ind lr, $3  }
0x3a: {  	_ = 	snop  }
0x3b: {  	_ = 	snop  }
0x3c: {  	p2 =	seq.s32 s10, $0x1;
	s10 =	sld [smem:$0x3FB4]  }
0x3d: {  	_ =	shalt  }
0x3e: {  	_ =	shalt  }
0x3f: {  	_ =	shalt  }
0x40: {  	_ =	shalt  }
0x41: {  	_ =	shalt  }
0x42: {  	_ =	shalt  }
0x43: {  	_ =	shalt  }
0x44: {  	_ =	shalt  }
0x45: {  	_ =	shalt  }
0x46: {  	_ =	shalt  }
0x47: {  	_ =	shalt  }
0x48: {  	_ =	shalt  }
0x49: {  	_ =	shalt  }
0x4a: {  	_ =	shalt  }
0x4b: {  	_ =	shalt  }
0x4c: {  	_ =	shalt  }
0x4d: {  	_ =	shalt  }
0x4e: {  	_ =	shalt  }
0x4f: {  	_ =	shalt  }
0x50: {  	_ =	shalt  }
0x51: {  	_ =	shalt  }
0x52: {  	_ =	shalt  }
0x53: {  	_ =	shalt  }
0x54: {  	_ =	shalt  }
0x55: {  	_ =	shalt  }
0x56: {  	_ =	shalt  }
0x57: {  	_ =	shalt  }
0x58: {  	_ =	shalt  }
0x59: {  	_ =	shalt  }
0x5a: {  	_ =	shalt  }
0x5b: {  	_ =	shalt  }
0x5c: {  	_ =	shalt  }
0x5d: {  	_ =	shalt  }
0x5e: {  	_ =	shalt  }
0x5f: {  	_ =	shalt  }
0x60: {  	_ =	shalt  }
0x61: {  	_ =	shalt  }
0x62: {  	_ =	shalt  }
0x63: {  	_ =	shalt  }
0x64: {  	_ =	shalt  }
0x65: {  	_ =	shalt  }
0x66: {  	_ =	shalt  }
0x67: {  	_ =	shalt  }
0x68: {  	_ =	shalt  }
0x69: {  	_ =	shalt  }
0x6a: {  	_ =	shalt  }
0x6b: {  	_ =	shalt  }
0x6c: {  	_ =	shalt  }
0x6d: {  	_ =	shalt  }
0x6e: {  	_ =	shalt  }
0x6f: {  	_ =	shalt  }
0x70: {  	_ =	shalt  }
0x71: {  	_ =	shalt  }
0x72: {  	_ =	shalt  }
0x73: {  	_ =	shalt  }
0x74: {  	_ =	shalt  }
0x75: {  	_ =	shalt  }
0x76: {  	_ =	shalt  }
0x77: {  	_ =	shalt  }
0x78: {  	_ =	shalt  }
0x79: {  	_ =	shalt  }
0x7a: {  	_ =	shalt  }
0x7b: {  	_ =	shalt  }
0x7c: {  	_ =	shalt  }
0x7d: {  	_ =	shalt  }
0x7e: {  	_ =	shalt  }
0x7f: {  	_ =	shalt  }
0x80: {  	_ =	shalt  }
0x81: {  	_ =	shalt  }
0x82: {  	_ =	shalt  }
0x83: {  	_ =	shalt  }
0x84: {  	_ =	shalt  }
0x85: {  	_ =	shalt  }
0x86: {  	_ =	shalt  }
0x87: {  	_ =	shalt  }
.Lfunc_end0:
.L_simem_size_0:
called_computation.2_lowered:
.L_overlay_start_0:
0x88: {  	s2 =	sld [smem:$0x3FD9]  }
0x89: {  	s3 =	sld [smem:$0x3FFE];
	_ =	sdelay $0x1  }
0x8a: {  	s1 =	srdreg.scid  }
0x8b: {  	s0 =	sand.u32 $0x1, s1  }
0x8c: {  	s16 =	sshll.u32 s0, $0xA;
	s2 =	sadd.s32 s3, s2  }
0x8d: {  	s2 =	sadd.s32 s2, s16  }
0x8e: {  	[smem:$0x3FC0] =	sst s2  }
0x8f: {  	_ = 	snop  }
0x90: {  	(tm) =	ssettm $0x1  }
0x91: {  	s17 =	sld [smem:$0x3FFB];
	_ =	sdelay $0x3  }
0x92: {  	_ =	strace s17  }
0x93: {  	s2 =	sld [smem:$0x3FFC];
	_ =	sdelay $0x3  }
0x94: {  	_ =	strace s2  }
0x95: {  	s2 =	sld [smem:$0x3FFD];
	_ =	sdelay $0x3  }
0x96: {  	_ =	strace s2  }
0x97: {  	_ =	strace $0x8FFFFFFF  }
0x98: {  	s18 =	sld [smem:$0x3FDB];
	_ =	sdelay $0x1  }
0x99: {  	s19 =	simm.s32 $_scs_section_size  }
0x9a: {  	s4 =	simm.s32 $_size__tile_overlayer_lowered;
	s5 =	simm.s32 $_tile_overlayer_lowered  }
0x9b: {  	s22 =	simm.s32 $0x1BFF;
	s21 =	sshll.u32 s5, $0x1;
	s2 =	sadd.s32 s19, s18  }
0x9c: {  	s6 =	simm.s32 $0x0;
	s20 =	sshll.u32 s4, $0x1;
	s4 =	sadd.s32 s21, s2  }
0x9d: {  	[timem:s6], [sflag:s22] =	dma.local [hbm:s4], s20  }
0x9e: {  	_ =	swait.ge [sflag:s22], s20  }
0x9f: {  	s3 =	ssub.s32 $0x0, s20;
	[sflag:s22] =	ssyncset.done $0x0  }
0xa0: {  	[sflag:s22] =	ssyncadd.s32 s3;
	_ =	sdelay $0x1  }
0xa1: {  	s23 =	simm.s32 $0x1B8B  }
0xa2: {  	_ =	swait.ge [sflag:s23], $0x1  }
0xa3: {  	[sflag:s23] =	ssyncset.done $0x0  }
0xa4: {  	s25 =	simm.s32 $0x1B8E;
	s24 =	sld [smem:$0x3FFE];
	[sflag:s23] =	ssyncadd.s32 $0xFFFFFFFF  }
0xa5: {  	s26 =	simm.s32 $execute0_lowered;
	[smem:$0x3FD2] =	sst s25  }
0xa6: {  	s4 =	sshll.u32 s26, $0x1;
	_ =	strace $0x8000004C;
	[dreg:$0x1] =	wrdreg $0xFFFFFFFF  }
0xa7: {  	s28 =	simm.s32 $_size_execute0_lowered;
	s2 =	sadd.s32 s2, s4;
	[dreg:$0x0] =	wrdreg $0x0  }
0xa8: {  	s4 =	sshll.u32 s28, $0x1;
	[dreg:$0x2] =	wrdreg s2  }
0xa9: {  	[dreg:$0x3] =	wrdreg s4  }
0xaa: {  	[dreg:$0x4] =	wrdreg $0xC0  }
0xab: {  	_ =	task [dreg:s6], $0x5FFFF  }
0xac: {  	[dreg:$0x1] =	wrdreg $0xFFFFFFFF  }
0xad: {  	[dreg:$0x0] =	wrdreg $0x60  }
0xae: {  	[dreg:$0x2] =	wrdreg s24  }
0xaf: {  	[dreg:$0x3] =	wrdreg $0xCF200  }
0xb0: {  	[dreg:$0x4] =	wrdreg $0x9  }
0xb1: {  	_ =	task.clear_ibuf [dreg:s6], $0x5FFFF;
	_ =	strace $0x9000004C  }
0xb2: {  	s29 =	simm.s32 $0x9;
	_ =	strace $0x8000004E  }
0xb3: {  	_ =	swait.ge [sflag:s29], $0x1  }
0xb4: {  	[sflag:s29] =	ssyncadd.s32 $0xFFFFFFFF  }
0xb5: {  	_ =	strace $0x9000004E  }
0xb6: {  	_ =	sfence  }
0xb7: {  	s30 =	sld [smem:$0x0];
	_ =	sdelay $0x2  }
0xb8: {  	s31 =	sshll.u32 s1, $0xD;
	s1 =	sshrl.u32 s1, $0x2  }
0xb9: {  	s3 =	sand.u32 $0x4000, s31;
	s1 =	sadd.s32 s1, s30  }
0xba: {  	s0 =	sor.u32 s3, s0;
	s1 =	sshll.u32 s1, $0x11  }
0xbb: {  	s0 =	sor.u32 s1, s0  }
0xbc: {  	s0 =	sadd.s32 $0x8F2B, s0  }
0xbd: {  	[sflag:s0] =	ssyncadd.remote.s32 $0x1  }
0xbe: {  	_ =	sfence.sel $0xFFFF  }
0xbf: {  	[dreg:$0x0] =	wrdreg $0xFFFFFFFF;
	(pc) =	sbr.abs _section_cstart, $3  }
0xc0: {  	[dreg:$0x1] =	wrdreg $0xFFFFFFFF  }
0xc1: {  	_ =	task.clear_ibuf [dreg:s6], $0x2FFFF;
	_ =	strace $0x9FFFFFFF  }
0xc2: {  	(tm) =	ssettm $0x7FFFFFFF  }
0xc3: {  	_ =	shalt  }
tec
execute0_lowered:
.L_overlay_start_1:
0x0: {  	(tag) =	ssettag $0x1  }
0x1: {  	s0 =	rddreg [dreg:$0x0]  }
0x2: {  	s2 =	rddreg [dreg:$0x1];
	s3 =	simm.s32 $0x0;
	s1 =	srdreg.scid  }
0x3: {  	s5 =	stileid.u32;
	s11 =	simm.s32 $0x8020;
	s12 =	simm.s32 $0xB  }
0x4: {  	s14 =	simm.s32 $0x50;
	s15 =	simm.s32 $0x4E20;
	s16 =	simm.s32 $0x5820  }
0x5: {  	s18 =	simm.s32 $0x6220;
	s20 =	simm.s32 $0x6C20;
	s22 =	simm.s32 $0x7620  }
0x6: {  	s23 =	simm.s32 $0x1;
	s24 =	simm.s32 $0x6;
	s28 =	simm.s32 $0x3  }
0x7: {  	s29 =	simm.s32 $0x8;
	s30 =	simm.s32 $0x4;
	s31 =	simm.s32 $0x9  }
0x8: {  	s17 =	simm.s32 $0x0;
	s1 =	sand.u32 $0x1, s1;
	s4 =	sshll.u32 s5, $0x1  }
0x9: {  	s6 =	smul.u32 $0x4F00, s5;
	[smem:$0x7FF] =	sst s3;
	s4 =	sor.u32 s1, s4  }
0xa: {  	s25 =	smul.u32 $0x4F000, s1;
	_ =	strace $0x8000004D;
	s1 =	ssub.s32 $0x2, s1  }
0xb: {  	s7 =	smul.u32 $0x4E2, s4;
	s4 =	sadd.s32 $0x16600, s0;
	s9 =	sshrl.u32 s1, $0x1  }
0xc: {  	s5 =	sadd.s32 s6, s25;
	s1 =	ssub.s32 s1, s9;
	s6 =	sadd.s32 s6, s2  }
0xd: {  	s25 =	simm.s32 $0x2;
	s8 =	sadd.s32 s7, s0;
	s26 =	sshrl.u32 s5, $0x3  }
0xe: {  	s5 =	sadd.s32 $0xBC00, s0;
	s10 =	smax.u32 s1, $0x1;
	s1 =	simm.s32 $0xA  }
0xf: {  	s0 =	sadd.s32 s26, s0;
	s7 =	sadd.s32 $0xC800, s8;
	s8 =	sadd.s32 $0x1E00, s8  }
0x10: {  	s26 =	simm.s32 $0x7;
	s9 =	sadd.s32 $0x20400, s0;
	s0 =	simm.s32 $0x5  }
.LBB2_1:
0x11: {  	[tilespmem:s11], [sflag:$0xB] =	stream.linear.gather [hbm4b:s5+s3], $0x4F00, $0x38;
	[tilespmem:$0x11E20] =	vst v63  }
0x12: {  	_ =	swait.ge [sflag:s12], $0x4F00  }
0x13: {  	[sflag:s12] =	ssyncset.done $0x0  }
0x14: {  	[sflag:s12] =	ssyncadd.s32 $0xFFFFB100  }
0x15: {  	[spmem:s6] =	stream.linear.scatter [tilespmem:s11], [sflag:$0xB], $0x4F00, $0x38;
	[tilespmem:$0x11E20] =	vst v63  }
0x16: {  	_ =	swait.ge [sflag:s12], $0x4F00  }
0x17: {  	[sflag:s12] =	ssyncset.done $0x0  }
0x18: {  	[sflag:s12] =	ssyncadd.s32 $0xFFFFB100  }
0x19: {  	[tilespmem:s3], [sflag:$0xB] =	stream.linear.gather [hbm4b:s7+s3], $0x2710, $0x38;
	[tilespmem:$0x11E20] =	vst v63  }
0x1a: {  	_ =	swait.ge [sflag:s12], $0x2710  }
0x1b: {  	[sflag:s12] =	ssyncset.done $0x0  }
0x1c: {  	s13 =	simm.s32 $0x2710;
	[sflag:s12] =	ssyncadd.s32 $0xFFFFD8F0  }
0x1d: {  	[tilespmem:s13], [sflag:$0xB] =	stream.linear.gather [hbm4b:s8+s3], $0x2710, $0x38;
	[tilespmem:$0x11E20] =	vst v63  }
0x1e: {  	_ =	swait.ge [sflag:s12], $0x2710  }
0x1f: {  	[sflag:s12] =	ssyncset.done $0x0  }
0x20: {  	[sflag:s12] =	ssyncadd.s32 $0xFFFFD8F0  }
0x21: {  	[bflag:$0x0] =	sbarrier.arrive $0xFFFF  }
0x22: {  	[tilespmem:s15], [sflag:$0x1] =	stream.indirect.gather [hbm4b:s4+s14], $0x20, s3, s14, $0xb8;
	[tilespmem:$0x11E20] =	vst v63  }
0x23: {  	_ = 	snop  }
0x24: {  	[tilespmem:s16], [sflag:$0x2] =	stream.indirect.gather [hbm4b:s4+s14], $0x20, s14, s14, $0xb8;
	[tilespmem:$0x11E20] =	vst v63  }
0x25: {  	s21 =	simm.s32 $0xA0  }
0x26: {  	[tilespmem:s18], [sflag:$0x3] =	stream.indirect.gather [hbm4b:s4+s14], $0x20, s21, s14, $0xb8;
	[tilespmem:$0x11E20] =	vst v63  }
0x27: {  	s19 =	simm.s32 $0xF0  }
0x28: {  	[tilespmem:s20], [sflag:$0x4] =	stream.indirect.gather [hbm4b:s4+s14], $0x20, s19, s14, $0xb8;
	[tilespmem:$0x11E20] =	vst v63  }
0x29: {  	s21 =	simm.s32 $0x140  }
0x2a: {  	[tilespmem:s22], [sflag:$0x5] =	stream.indirect.gather [hbm4b:s4+s14], $0x20, s21, s14, $0xb8;
	[tilespmem:$0x11E20] =	vst v63  }
0x2b: {  	_ =	swait.ge [sflag:s23], $0xA00  }
0x2c: {  	[sflag:s23] =	ssyncset.done $0x0  }
0x2d: {  	s19 =	simm.s32 $0x2710;
	[sflag:s23] =	ssyncadd.s32 $0xFFFFF600  }
0x2e: {  	[spmem:s2] =	stream.indirect.scatter.add.f32 [tilespmem:s15], [sflag:$0x6], $0x20, s19, s14, $0xb8;
	[tilespmem:$0x11E20] =	vst v63  }
0x2f: {  	_ =	swait.ge [sflag:s24], $0xA00  }
0x30: {  	[sflag:s24] =	ssyncset.done $0x0  }
0x31: {  	s13 =	simm.s32 $0x190;
	[sflag:s24] =	ssyncadd.s32 $0xFFFFF600  }
0x32: {  	[tilespmem:s15], [sflag:$0x1] =	stream.indirect.gather [hbm4b:s4+s14], $0x20, s13, s14, $0xb8;
	[tilespmem:$0x11E20] =	vst v63  }
0x33: {  	_ =	swait.ge [sflag:s25], $0xA00  }
0x34: {  	[sflag:s25] =	ssyncset.done $0x0  }
0x35: {  	s21 =	simm.s32 $0x2760;
	[sflag:s25] =	ssyncadd.s32 $0xFFFFF600  }
0x36: {  	[spmem:s2] =	stream.indirect.scatter.add.f32 [tilespmem:s16], [sflag:$0x7], $0x20, s21, s14, $0xb8;
	[tilespmem:$0x11E20] =	vst v63  }
0x37: {  	_ =	swait.ge [sflag:s26], $0xA00  }
0x38: {  	[sflag:s26] =	ssyncset.done $0x0  }
0x39: {  	s13 =	simm.s32 $0x1E0;
	[sflag:s26] =	ssyncadd.s32 $0xFFFFF600  }
0x3a: {  	[tilespmem:s16], [sflag:$0x2] =	stream.indirect.gather [hbm4b:s4+s14], $0x20, s13, s14, $0xb8;
	[tilespmem:$0x11E20] =	vst v63  }
0x3b: {  	_ =	swait.ge [sflag:s28], $0xA00  }
0x3c: {  	[sflag:s28] =	ssyncset.done $0x0  }
0x3d: {  	s21 =	simm.s32 $0x27B0;
	[sflag:s28] =	ssyncadd.s32 $0xFFFFF600  }
0x3e: {  	[spmem:s2] =	stream.indirect.scatter.add.f32 [tilespmem:s18], [sflag:$0x8], $0x20, s21, s14, $0xb8;
	[tilespmem:$0x11E20] =	vst v63  }
0x3f: {  	_ =	swait.ge [sflag:s29], $0xA00  }
0x40: {  	[sflag:s29] =	ssyncset.done $0x0  }
0x41: {  	s13 =	simm.s32 $0x230;
	[sflag:s29] =	ssyncadd.s32 $0xFFFFF600  }
0x42: {  	[tilespmem:s18], [sflag:$0x3] =	stream.indirect.gather [hbm4b:s4+s14], $0x20, s13, s14, $0xb8;
	[tilespmem:$0x11E20] =	vst v63  }
0x43: {  	_ =	swait.ge [sflag:s30], $0xA00  }
0x44: {  	[sflag:s30] =	ssyncset.done $0x0  }
0x45: {  	s21 =	simm.s32 $0x2800;
	[sflag:s30] =	ssyncadd.s32 $0xFFFFF600  }
0x46: {  	[spmem:s2] =	stream.indirect.scatter.add.f32 [tilespmem:s20], [sflag:$0x9], $0x20, s21, s14, $0xb8;
	[tilespmem:$0x11E20] =	vst v63  }
0x47: {  	_ =	swait.ge [sflag:s31], $0xA00  }
0x48: {  	[sflag:s31] =	ssyncset.done $0x0  }
0x49: {  	s13 =	simm.s32 $0x280;
	[sflag:s31] =	ssyncadd.s32 $0xFFFFF600  }
0x4a: {  	[tilespmem:s20], [sflag:$0x4] =	stream.indirect.gather [hbm4b:s4+s14], $0x20, s13, s14, $0xb8;
	[tilespmem:$0x11E20] =	vst v63  }
0x4b: {  	_ =	swait.ge [sflag:s0], $0xA00  }
0x4c: {  	[sflag:s0] =	ssyncset.done $0x0  }
0x4d: {  	s21 =	simm.s32 $0x2850;
	[sflag:s0] =	ssyncadd.s32 $0xFFFFF600  }
0x4e: {  	[spmem:s2] =	stream.indirect.scatter.add.f32 [tilespmem:s22], [sflag:$0xA], $0x20, s21, s14, $0xb8;
	[tilespmem:$0x11E20] =	vst v63  }
0x4f: {  	_ =	swait.ge [sflag:s1], $0xA00  }
0x50: {  	[sflag:s1] =	ssyncset.done $0x0  }
0x51: {  	s19 =	simm.s32 $0x640;
	s21 =	simm.s32 $0x2D0;
	[sflag:s1] =	ssyncadd.s32 $0xFFFFF600  }
.LBB2_2:
0x52: {  	[tilespmem:s22], [sflag:$0x5] =	stream.indirect.gather [hbm4b:s4+s14], $0x20, s21, s14, $0xb8;
	[tilespmem:$0x11E20] =	vst v63  }
0x53: {  	s21 =	smov.u32 s19  }
0x54: {  	p0 =	sne.s32 s19, $0x8FC0;
	s19 =	sadd.s32 $0x640, s19;
	_ =	swait.ge [sflag:s23], $0xA00  }
0x55: {  	s21 =	sshra.s32 s21, $0x2;
	[sflag:s23] =	ssyncset.done $0x0  }
0x56: {  	s13 =	sadd.s32 $0x2710, s21;
	[sflag:s23] =	ssyncadd.s32 $0xFFFFF600  }
0x57: {  	[spmem:s2] =	stream.indirect.scatter.add.f32 [tilespmem:s15], [sflag:$0x6], $0x20, s13, s14, $0xb8;
	[tilespmem:$0x11E20] =	vst v63  }
0x58: {  	_ =	swait.ge [sflag:s24], $0xA00  }
0x59: {  	[sflag:s24] =	ssyncset.done $0x0  }
0x5a: {  	s13 =	sadd.s32 $0x190, s21;
	[sflag:s24] =	ssyncadd.s32 $0xFFFFF600  }
0x5b: {  	[tilespmem:s15], [sflag:$0x1] =	stream.indirect.gather [hbm4b:s4+s14], $0x20, s13, s14, $0xb8;
	[tilespmem:$0x11E20] =	vst v63  }
0x5c: {  	_ =	swait.ge [sflag:s25], $0xA00  }
0x5d: {  	[sflag:s25] =	ssyncset.done $0x0  }
0x5e: {  	s13 =	sadd.s32 $0x2760, s21;
	[sflag:s25] =	ssyncadd.s32 $0xFFFFF600  }
0x5f: {  	[spmem:s2] =	stream.indirect.scatter.add.f32 [tilespmem:s16], [sflag:$0x7], $0x20, s13, s14, $0xb8;
	[tilespmem:$0x11E20] =	vst v63  }
0x60: {  	_ =	swait.ge [sflag:s26], $0xA00  }
0x61: {  	[sflag:s26] =	ssyncset.done $0x0  }
0x62: {  	s13 =	sadd.s32 $0x1E0, s21;
	[sflag:s26] =	ssyncadd.s32 $0xFFFFF600  }
0x63: {  	[tilespmem:s16], [sflag:$0x2] =	stream.indirect.gather [hbm4b:s4+s14], $0x20, s13, s14, $0xb8;
	[tilespmem:$0x11E20] =	vst v63  }
0x64: {  	_ =	swait.ge [sflag:s28], $0xA00  }
0x65: {  	[sflag:s28] =	ssyncset.done $0x0  }
0x66: {  	s13 =	sadd.s32 $0x27B0, s21;
	[sflag:s28] =	ssyncadd.s32 $0xFFFFF600  }
0x67: {  	[spmem:s2] =	stream.indirect.scatter.add.f32 [tilespmem:s18], [sflag:$0x8], $0x20, s13, s14, $0xb8;
	[tilespmem:$0x11E20] =	vst v63  }
0x68: {  	_ =	swait.ge [sflag:s29], $0xA00  }
0x69: {  	[sflag:s29] =	ssyncset.done $0x0  }
0x6a: {  	s13 =	sadd.s32 $0x230, s21;
	[sflag:s29] =	ssyncadd.s32 $0xFFFFF600  }
0x6b: {  	[tilespmem:s18], [sflag:$0x3] =	stream.indirect.gather [hbm4b:s4+s14], $0x20, s13, s14, $0xb8;
	[tilespmem:$0x11E20] =	vst v63  }
0x6c: {  	_ =	swait.ge [sflag:s30], $0xA00  }
0x6d: {  	[sflag:s30] =	ssyncset.done $0x0  }
0x6e: {  	s13 =	sadd.s32 $0x2800, s21;
	[sflag:s30] =	ssyncadd.s32 $0xFFFFF600  }
0x6f: {  	[spmem:s2] =	stream.indirect.scatter.add.f32 [tilespmem:s20], [sflag:$0x9], $0x20, s13, s14, $0xb8;
	[tilespmem:$0x11E20] =	vst v63  }
0x70: {  	_ =	swait.ge [sflag:s31], $0xA00  }
0x71: {  	[sflag:s31] =	ssyncset.done $0x0  }
0x72: {  	s13 =	sadd.s32 $0x280, s21;
	[sflag:s31] =	ssyncadd.s32 $0xFFFFF600  }
0x73: {  	[tilespmem:s20], [sflag:$0x4] =	stream.indirect.gather [hbm4b:s4+s14], $0x20, s13, s14, $0xb8;
	[tilespmem:$0x11E20] =	vst v63  }
0x74: {  	_ =	swait.ge [sflag:s0], $0xA00  }
0x75: {  	[sflag:s0] =	ssyncset.done $0x0  }
.Ltmp0:
0x76: {  	s13 =	sadd.s32 $0x2850, s21;
	[sflag:s0] =	ssyncadd.s32 $0xFFFFF600;
	(pc) =	sbr.rel @p0 .LBB2_2-.Ltmp0, $4  }
0x77: {  	[spmem:s2] =	stream.indirect.scatter.add.f32 [tilespmem:s22], [sflag:$0xA], $0x20, s13, s14, $0xb8;
	[tilespmem:$0x11E20] =	vst v63  }
0x78: {  	_ =	swait.ge [sflag:s1], $0xA00  }
0x79: {  	[sflag:s1] =	ssyncset.done $0x0  }
0x7a: {  	s21 =	sadd.s32 $0x2D0, s21;
	[sflag:s1] =	ssyncadd.s32 $0xFFFFF600  }
0x7b: {  	[tilespmem:s22], [sflag:$0x5] =	stream.indirect.gather [hbm4b:s4+s14], $0x20, s21, s14, $0xb8;
	[tilespmem:$0x11E20] =	vst v63  }
0x7c: {  	_ =	swait.ge [sflag:s23], $0xA00  }
0x7d: {  	[sflag:s23] =	ssyncset.done $0x0  }
0x7e: {  	s13 =	simm.s32 $0x4C90;
	[sflag:s23] =	ssyncadd.s32 $0xFFFFF600  }
0x7f: {  	[spmem:s2] =	stream.indirect.scatter.add.f32 [tilespmem:s15], [sflag:$0x6], $0x20, s13, s14, $0xb8;
	[tilespmem:$0x11E20] =	vst v63  }
0x80: {  	_ =	swait.ge [sflag:s25], $0xA00  }
0x81: {  	[sflag:s25] =	ssyncset.done $0x0  }
0x82: {  	s19 =	simm.s32 $0x4CE0;
	[sflag:s25] =	ssyncadd.s32 $0xFFFFF600  }
0x83: {  	[spmem:s2] =	stream.indirect.scatter.add.f32 [tilespmem:s16], [sflag:$0x7], $0x20, s19, s14, $0xb8;
	[tilespmem:$0x11E20] =	vst v63  }
0x84: {  	_ =	swait.ge [sflag:s28], $0xA00  }
0x85: {  	[sflag:s28] =	ssyncset.done $0x0  }
0x86: {  	s21 =	simm.s32 $0x4D30;
	[sflag:s28] =	ssyncadd.s32 $0xFFFFF600  }
0x87: {  	[spmem:s2] =	stream.indirect.scatter.add.f32 [tilespmem:s18], [sflag:$0x8], $0x20, s21, s14, $0xb8;
	[tilespmem:$0x11E20] =	vst v63  }
0x88: {  	_ =	swait.ge [sflag:s30], $0xA00  }
0x89: {  	[sflag:s30] =	ssyncset.done $0x0  }
0x8a: {  	s19 =	simm.s32 $0x4D80;
	[sflag:s30] =	ssyncadd.s32 $0xFFFFF600  }
0x8b: {  	[spmem:s2] =	stream.indirect.scatter.add.f32 [tilespmem:s20], [sflag:$0x9], $0x20, s19, s14, $0xb8;
	[tilespmem:$0x11E20] =	vst v63  }
0x8c: {  	_ =	swait.ge [sflag:s0], $0xA00  }
0x8d: {  	[sflag:s0] =	ssyncset.done $0x0  }
0x8e: {  	s21 =	simm.s32 $0x4DD0;
	[sflag:s0] =	ssyncadd.s32 $0xFFFFF600  }
0x8f: {  	[spmem:s2] =	stream.indirect.scatter.add.f32 [tilespmem:s22], [sflag:$0xA], $0x20, s21, s14, $0xb8;
	[tilespmem:$0x11E20] =	vst v63  }
0x90: {  	_ =	swait.ge [sflag:s24], $0xA00  }
0x91: {  	[sflag:s24] =	ssyncset.done $0x0  }
0x92: {  	[sflag:s24] =	ssyncadd.s32 $0xFFFFF600  }
0x93: {  	_ =	swait.ge [sflag:s26], $0xA00  }
0x94: {  	[sflag:s26] =	ssyncset.done $0x0  }
0x95: {  	[sflag:s26] =	ssyncadd.s32 $0xFFFFF600  }
0x96: {  	_ =	swait.ge [sflag:s29], $0xA00  }
0x97: {  	[sflag:s29] =	ssyncset.done $0x0  }
0x98: {  	[sflag:s29] =	ssyncadd.s32 $0xFFFFF600  }
0x99: {  	_ =	swait.ge [sflag:s31], $0xA00  }
0x9a: {  	[sflag:s31] =	ssyncset.done $0x0  }
0x9b: {  	[sflag:s31] =	ssyncadd.s32 $0xFFFFF600  }
0x9c: {  	_ =	swait.ge [sflag:s1], $0xA00  }
0x9d: {  	[sflag:s1] =	ssyncset.done $0x0  }
0x9e: {  	[sflag:s1] =	ssyncadd.s32 $0xFFFFF600  }
0x9f: {  	[bflag:$0x0] =	sbarrier.arrive $0xFFFF  }
0xa0: {  	[tilespmem:s11], [sflag:$0xB] =	stream.linear.gather [spmem:s6], $0x4F00, $0x38;
	[tilespmem:$0x11E20] =	vst v63  }
0xa1: {  	s17 =	sadd.s32 $0x1, s17;
	_ =	swait.ge [sflag:s12], $0x4F00  }
0xa2: {  	p0 =	sne.s32 s17, s10;
	[sflag:s12] =	ssyncset.done $0x0  }
.Ltmp1:
0xa3: {  	[sflag:s12] =	ssyncadd.s32 $0xFFFFB100;
	(pc) =	sbr.rel @p0 .LBB2_1-.Ltmp1, $4  }
0xa4: {  	[hbm4b:s9+s3] =	stream.linear.scatter [tilespmem:s11], [sflag:$0xB], $0x4F00, $0x38;
	[tilespmem:$0x11E20] =	vst v63  }
0xa5: {  	_ =	swait.ge [sflag:s12], $0x4F00  }
0xa6: {  	[sflag:s12] =	ssyncset.done $0x0  }
0xa7: {  	[sflag:s12] =	ssyncadd.s32 $0xFFFFB100  }
0xa8: {  	_ =	sfence.sel $0x180000  }
0xa9: {  	[bflag:$0x0] =	sbarrier.arrive $0xFFFF  }
0xaa: {  	_ =	strace $0x9000004D  }
0xab: {  	s0 =	stileid.u32;
	[bflag:$0x2] =	sbarrier.arrive $0xFFFF  }
0xac: {  	p0 =	sne.s32 s0, $0x0;
	s0 =	rddreg [dreg:$0x2]  }
0xad: {  	s0 =	sadd.s32 @!p0 $0x100000, s0  }
0xae: {  	[sflag:s0] =	ssyncadd.tile.s32 @!p0 $0x1;
	_ =	shalt  }
.Lfunc_end2:
_tile_overlayer_lowered:
.L_overlay_start_2:
0xaf: {  	(tag) =	ssettag $0x2  }
0xb0: {  	s0 =	rddreg [dreg:$0x0];
	s2 =	stileid.u32  }
0xb1: {  	s1 =	rddreg [dreg:$0x1];
	p0 =	sne.s32 s2, $0x0  }
0xb2: {  	s3 =	rddreg [dreg:$0x2];
	[bflag:$0x3] =	sbarrier.arrive $0xFFFF;
	s2 =	simm.s32 @!p0 $0x1C0B  }
0xb3: {  	[timem:s3], [sflag:s2] =	dma.local @!p0 [hbm:s0], s1  }
0xb4: {  	s0 =	simm.s32 @!p0 $0xB  }
0xb5: {  	_ =	swait.ge @!p0 [sflag:s0], s1  }
0xb6: {  	s1 =	ssub.s32 @!p0 $0x0, s1;
	[sflag:s0] =	ssyncset.done @!p0 $0x0  }
0xb7: {  	[sflag:s0] =	ssyncadd.s32 @!p0 s1  }
0xb8: {  	[bflag:$0x3] =	sbarrier.arrive $0xFFFF  }
0xb9: {  	_ =	shalt  }

// kernel: kernel.8.cloned.1.call-start
scs
__scs_entry_jumppad:
0x0: {  	(pc) =	sbr.rel $0x88, $3  }
0x1: {  	(tag) =	ssettag $0x0;
	lr =	simm.s32 $0x1  }
0x2: {  	[smem:$0x3F99] =	sst lr;
	_ =	strace $0xD0000000  }
0x3: {  	_ = 	snop  }
0x4: {  	_ = 	snop  }
0x5: {  	_ = 	snop  }
0x6: {  	_ = 	snop  }
0x7: {  	_ = 	snop  }
__scs_overlays_trampoline_lowered:
0x8: {  	[smem:$0x3FA8] =	sst s0  }
0x9: {  	[smem:$0x3FA9] =	sst s1  }
0xa: {  	[smem:$0x3FAA] =	sst s2  }
0xb: {  	[smem:$0x3FAB] =	sst s3  }
0xc: {  	[smem:$0x3FAC] =	sst s4  }
0xd: {  	[smem:$0x3FAD] =	sst s5  }
0xe: {  	[smem:$0x3FAE] =	sst s6  }
0xf: {  	[smem:$0x3FAF] =	sst s7  }
0x10: {  	[smem:$0x3FB0] =	sst s8  }
0x11: {  	[smem:$0x3FB1] =	sst s9;
	s0 =	simm.s32 @!p0 $0x0  }
0x12: {  	s1 =	sld [smem:$0x3F97];
	s0 =	simm.s32 @p0 $0x1  }
0x13: {  	[smem:$0x3FB2] =	sst s0;
	s0 =	simm.s32 @!p1 $0x0  }
0x14: {  	s2 =	sld [smem:$0x3F96];
	s0 =	simm.s32 @p1 $0x1  }
0x15: {  	[smem:$0x3FB3] =	sst s0;
	s0 =	simm.s32 @!p2 $0x0  }
0x16: {  	s3 =	sld [smem:$0x3FDB];
	s0 =	simm.s32 @p2 $0x1  }
0x17: {  	s4 =	simm.s32 $0x1BF5;
	[smem:$0x3FB5] =	sst s0  }
0x18: {  	s0 =	sld [smem:$0x3F98];
	_ =	swait.ge [sflag:s4], $0x0  }
0x19: {  	s7 =	sld [smem:$0x3F99]  }
0x1a: {  	s8 =	sadd.s32 $0xFFFFE003, lr  }
0x1b: {  	s9 =	sadd.s32 $0xFFFFFEF7, lr;
	s5 =	simm.s32 $0xFFFFFFFF;
	p2 =	slt.u32 s8, $0xFFFFF086  }
0x1c: {  	p1 =	slt.u32 s9, $0xF7A;
	s5 =	simm.s32 @!p2 $0x0  }
0x1d: {  	s5 =	simm.s32 @p1 $0x1;
	p0 =	seq.s32 s7, s2  }
0x1e: {  	s7 =	smul.u32 @!p0 $0xF7A, s2;
	p2 =	seq.s32 @!p0 s5, $0x0  }
0x1f: {  	s9 =	smul.u32 $0xF7A, s1;
	s8 =	simm.s32 @!p0 $0x1BF5;
	p2 =	por !p2, p0  }
0x20: {  	[sflag:s8] =	ssyncset.s32 @!p0 $0xFFFFF086;
	s6 =	sadd.s32 @!p0 s3, s7;
	s7 =	simm.s32 @!p0 $0x108  }
0x21: {  	s3 =	sadd.s32 s3, s9;
	s6 =	sadd.s32 @!p0 $0x88, s6;
	s7 =	simm.s32 @p2 $0x1082  }
0x22: {  	[simem:s7], [sflag:s8] =	dma.local @!p0 [hbm:s6], $0xF7A  }
0x23: {  	s9 =	sor.u32 $0xD0000000, s2;
	s6 =	simm.s32 $0x108;
	_ =	swait.ge @!p0 [sflag:s8], $0x0  }
0x24: {  	s3 =	sadd.s32 $0x88, s3;
	s6 =	simm.s32 @!p1 $0x1082;
	[sflag:s4] =	ssyncset.s32 $0xFFFFF086  }
0x25: {  	[simem:s6], [sflag:s4] =	dma.local [hbm:s3], $0xF7A  }
0x26: {  	[smem:$0x3F99] =	sst s1;
	(tag) =	ssettag s2;
	_ =	strace s9  }
0x27: {  	s1 =	sld [smem:$0x3FA9]  }
0x28: {  	s2 =	sld [smem:$0x3FAA]  }
0x29: {  	s4 =	sld [smem:$0x3FAC]  }
0x2a: {  	p0 =	seq.s32 s5, $0x0;
	s5 =	sld [smem:$0x3FAD]  }
0x2b: {  	s6 =	sld [smem:$0x3FAE]  }
0x2c: {  	s7 =	sld [smem:$0x3FAF]  }
0x2d: {  	s3 =	simm.s32 $0x108;
	s8 =	sld [smem:$0x3FB0]  }
0x2e: {  	s3 =	simm.s32 @!p0 $0x1082;
	s9 =	sld [smem:$0x3FB1]  }
0x2f: {  	lr =	sadd.s32 s0, s3;
	s0 =	sld [smem:$0x3FA8]  }
0x30: {  	s3 =	sld [smem:$0x3FAB]  }
0x31: {  	[smem:$0x3FB4] =	sst s10  }
0x32: {  	s10 =	sld [smem:$0x3FB2];
	_ =	sdelay $0x3  }
0x33: {  	p0 =	seq.s32 s10, $0x1;
	s10 =	sld [smem:$0x3FB4];
	_ =	sdelay $0x3  }
0x34: {  	[smem:$0x3FB4] =	sst s10  }
0x35: {  	s10 =	sld [smem:$0x3FB3];
	_ =	sdelay $0x3  }
0x36: {  	p1 =	seq.s32 s10, $0x1;
	s10 =	sld [smem:$0x3FB4];
	_ =	sdelay $0x3  }
0x37: {  	[smem:$0x3FB4] =	sst s10  }
0x38: {  	s10 =	sld [smem:$0x3FB5]  }
0x39: {  	_ = 	snop;
	(pc) =	sbr.ind lr, $3  }
0x3a: {  	_ = 	snop  }
0x3b: {  	_ = 	snop  }
0x3c: {  	p2 =	seq.s32 s10, $0x1;
	s10 =	sld [smem:$0x3FB4]  }
0x3d: {  	_ =	shalt  }
0x3e: {  	_ =	shalt  }
0x3f: {  	_ =	shalt  }
0x40: {  	_ =	shalt  }
0x41: {  	_ =	shalt  }
0x42: {  	_ =	shalt  }
0x43: {  	_ =	shalt  }
0x44: {  	_ =	shalt  }
0x45: {  	_ =	shalt  }
0x46: {  	_ =	shalt  }
0x47: {  	_ =	shalt  }
0x48: {  	_ =	shalt  }
0x49: {  	_ =	shalt  }
0x4a: {  	_ =	shalt  }
0x4b: {  	_ =	shalt  }
0x4c: {  	_ =	shalt  }
0x4d: {  	_ =	shalt  }
0x4e: {  	_ =	shalt  }
0x4f: {  	_ =	shalt  }
0x50: {  	_ =	shalt  }
0x51: {  	_ =	shalt  }
0x52: {  	_ =	shalt  }
0x53: {  	_ =	shalt  }
0x54: {  	_ =	shalt  }
0x55: {  	_ =	shalt  }
0x56: {  	_ =	shalt  }
0x57: {  	_ =	shalt  }
0x58: {  	_ =	shalt  }
0x59: {  	_ =	shalt  }
0x5a: {  	_ =	shalt  }
0x5b: {  	_ =	shalt  }
0x5c: {  	_ =	shalt  }
0x5d: {  	_ =	shalt  }
0x5e: {  	_ =	shalt  }
0x5f: {  	_ =	shalt  }
0x60: {  	_ =	shalt  }
0x61: {  	_ =	shalt  }
0x62: {  	_ =	shalt  }
0x63: {  	_ =	shalt  }
0x64: {  	_ =	shalt  }
0x65: {  	_ =	shalt  }
0x66: {  	_ =	shalt  }
0x67: {  	_ =	shalt  }
0x68: {  	_ =	shalt  }
0x69: {  	_ =	shalt  }
0x6a: {  	_ =	shalt  }
0x6b: {  	_ =	shalt  }
0x6c: {  	_ =	shalt  }
0x6d: {  	_ =	shalt  }
0x6e: {  	_ =	shalt  }
0x6f: {  	_ =	shalt  }
0x70: {  	_ =	shalt  }
0x71: {  	_ =	shalt  }
0x72: {  	_ =	shalt  }
0x73: {  	_ =	shalt  }
0x74: {  	_ =	shalt  }
0x75: {  	_ =	shalt  }
0x76: {  	_ =	shalt  }
0x77: {  	_ =	shalt  }
0x78: {  	_ =	shalt  }
0x79: {  	_ =	shalt  }
0x7a: {  	_ =	shalt  }
0x7b: {  	_ =	shalt  }
0x7c: {  	_ =	shalt  }
0x7d: {  	_ =	shalt  }
0x7e: {  	_ =	shalt  }
0x7f: {  	_ =	shalt  }
0x80: {  	_ =	shalt  }
0x81: {  	_ =	shalt  }
0x82: {  	_ =	shalt  }
0x83: {  	_ =	shalt  }
0x84: {  	_ =	shalt  }
0x85: {  	_ =	shalt  }
0x86: {  	_ =	shalt  }
0x87: {  	_ =	shalt  }
.Lfunc_end0:
.L_simem_size_0:
called_computation_lowered:
.L_overlay_start_0:
0x88: {  	s2 =	sld [smem:$0x3FD9]  }
0x89: {  	s3 =	sld [smem:$0x3FFE];
	_ =	sdelay $0x1  }
0x8a: {  	s1 =	srdreg.scid  }
0x8b: {  	s0 =	sand.u32 $0x1, s1  }
0x8c: {  	s17 =	sshll.u32 s0, $0xA;
	s2 =	sadd.s32 s3, s2  }
0x8d: {  	s2 =	sadd.s32 s2, s17  }
0x8e: {  	[smem:$0x3FC0] =	sst s2  }
0x8f: {  	_ = 	snop  }
0x90: {  	s2 =	sld [smem:$0x3FD0];
	(tm) =	ssettm $0x1  }
0x91: {  	s18 =	sld [smem:$0x3FFB];
	_ =	sdelay $0x3  }
0x92: {  	_ =	strace s18  }
0x93: {  	s3 =	sld [smem:$0x3FFC];
	_ =	sdelay $0x3  }
0x94: {  	_ =	strace s3  }
0x95: {  	s3 =	sld [smem:$0x3FFD];
	_ =	sdelay $0x3  }
0x96: {  	_ =	strace s3  }
0x97: {  	_ =	strace $0x8FFFFFFF  }
0x98: {  	s19 =	sld [smem:$0x3FDB];
	_ =	sdelay $0x1  }
0x99: {  	s4 =	simm.s32 $_scs_section_size  }
0x9a: {  	s5 =	simm.s32 $_size__tile_overlayer_lowered;
	s6 =	simm.s32 $_tile_overlayer_lowered  }
0x9b: {  	s22 =	simm.s32 $0x1BFF;
	s21 =	sshll.u32 s6, $0x1;
	s3 =	sadd.s32 s4, s19  }
0x9c: {  	s7 =	simm.s32 $0x0;
	s20 =	sshll.u32 s5, $0x1;
	s5 =	sadd.s32 s21, s3  }
0x9d: {  	[timem:s7], [sflag:s22] =	dma.local [hbm:s5], s20  }
0x9e: {  	_ =	swait.ge [sflag:s22], s20  }
0x9f: {  	s4 =	ssub.s32 $0x0, s20;
	[sflag:s22] =	ssyncset.done $0x0  }
0xa0: {  	[sflag:s22] =	ssyncadd.s32 s4;
	_ =	sdelay $0x1  }
0xa1: {  	s23 =	simm.s32 $0x1B8B  }
0xa2: {  	_ =	swait.ge [sflag:s23], $0x1  }
0xa3: {  	[sflag:s23] =	ssyncset.done $0x0  }
0xa4: {  	s25 =	simm.s32 $0x1B8E;
	s24 =	sld [smem:$0x3FFE];
	[sflag:s23] =	ssyncadd.s32 $0xFFFFFFFF  }
0xa5: {  	s26 =	simm.s32 $execute0_lowered;
	[smem:$0x3FD2] =	sst s25  }
0xa6: {  	s5 =	sshll.u32 s26, $0x1;
	_ =	strace $0x80000046;
	[dreg:$0x1] =	wrdreg $0xFFFFFFFF  }
0xa7: {  	s28 =	simm.s32 $_size_execute0_lowered;
	s3 =	sadd.s32 s3, s5;
	[dreg:$0x0] =	wrdreg $0x0  }
0xa8: {  	s5 =	sshll.u32 s28, $0x1;
	[dreg:$0x2] =	wrdreg s3  }
0xa9: {  	[dreg:$0x3] =	wrdreg s5  }
0xaa: {  	[dreg:$0x4] =	wrdreg $0xC0  }
0xab: {  	_ =	task [dreg:s7], $0x5FFFF  }
0xac: {  	[dreg:$0x1] =	wrdreg $0xFFFFFFFF  }
0xad: {  	[dreg:$0x0] =	wrdreg $0x60  }
0xae: {  	[dreg:$0x2] =	wrdreg s24  }
0xaf: {  	[dreg:$0x3] =	wrdreg s2  }
0xb0: {  	[dreg:$0x4] =	wrdreg $0x29D80  }
0xb1: {  	[dreg:$0x5] =	wrdreg $0x9  }
0xb2: {  	_ =	task.clear_ibuf [dreg:s7], $0x6FFFF;
	_ =	strace $0x90000046  }
0xb3: {  	s29 =	simm.s32 $0x9;
	_ =	strace $0x80000048  }
0xb4: {  	_ =	swait.ge [sflag:s29], $0x1  }
0xb5: {  	[sflag:s29] =	ssyncadd.s32 $0xFFFFFFFF  }
0xb6: {  	_ =	strace $0x90000048  }
0xb7: {  	_ =	sfence  }
0xb8: {  	s30 =	sld [smem:$0x0];
	_ =	sdelay $0x2  }
0xb9: {  	s31 =	sshll.u32 s1, $0xD;
	s1 =	sshrl.u32 s1, $0x2  }
0xba: {  	s3 =	sand.u32 $0x4000, s31;
	s1 =	sadd.s32 s1, s30  }
0xbb: {  	s0 =	sor.u32 s3, s0;
	s1 =	sshll.u32 s1, $0x11  }
0xbc: {  	s0 =	sor.u32 s1, s0  }
0xbd: {  	s0 =	sadd.s32 $0x8F2B, s0  }
0xbe: {  	[sflag:s0] =	ssyncadd.remote.s32 $0x1  }
0xbf: {  	_ =	sfence.sel $0xFFFF  }
0xc0: {  	[dreg:$0x0] =	wrdreg $0xFFFFFFFF;
	(pc) =	sbr.abs _section_cstart, $3  }
0xc1: {  	[dreg:$0x1] =	wrdreg $0xFFFFFFFF  }
0xc2: {  	_ =	task.clear_ibuf [dreg:s7], $0x2FFFF;
	_ =	strace $0x9FFFFFFF  }
0xc3: {  	(tm) =	ssettm $0x7FFFFFFF  }
tec
execute0_lowered:
.L_overlay_start_1:
0x0: {  	(tag) =	ssettag $0x1  }
0x1: {  	s6 =	rddreg [dreg:$0x0]  }
0x2: {  	s1 =	srdreg.scid;
	s2 =	rddreg [dreg:$0x1]  }
0x3: {  	s0 =	stileid.u32;
	s3 =	rddreg [dreg:$0x2];
	s4 =	simm.s32 $0x0  }
0x4: {  	s12 =	simm.s32 $0x2710;
	s13 =	simm.s32 $0x50;
	s14 =	simm.s32 $0x1  }
0x5: {  	s15 =	simm.s32 $0x0;
	s5 =	sand.u32 $0x1, s1;
	s31 =	sshll.u32 s0, $0x1  }
0x6: {  	s8 =	smul.u32 $0x278, s0;
	[smem:$0x7FF] =	sst s4;
	s1 =	sor.u32 s5, s31  }
0x7: {  	s9 =	smul.u32 $0x2780, s5;
	s10 =	ssub.s32 $0x2, s5;
	s5 =	sadd.s32 $0xBC00, s6  }
0x8: {  	s7 =	smul.u32 $0x4E2, s1;
	s1 =	rddreg [dreg:$0x3];
	s11 =	sshrl.u32 s10, $0x1  }
0x9: {  	_ =	strace $0x80000047;
	s9 =	sadd.s32 s8, s9;
	s10 =	ssub.s32 s10, s11  }
0xa: {  	s11 =	simm.s32 $0x2;
	s7 =	sadd.s32 s7, s6;
	s9 =	sshrl.u32 s9, $0x3  }
0xb: {  	s9 =	sadd.s32 s9, s6;
	s6 =	sadd.s32 s8, s3;
	s7 =	sadd.s32 $0x1E00, s7  }
0xc: {  	s8 =	sadd.s32 $0xBE00, s9;
	s9 =	smax.u32 s10, $0x1;
	s10 =	simm.s32 $0x2760  }
.LBB2_1:
0xd: {  	[tilespmem:s10], [sflag:$0x2] =	stream.linear.gather [hbm4b:s5+s4], $0x278, $0x38;
	[tilespmem:$0x2C50] =	vst v63  }
0xe: {  	_ =	swait.ge [sflag:s11], $0x278  }
0xf: {  	[sflag:s11] =	ssyncset.done $0x0  }
0x10: {  	[sflag:s11] =	ssyncadd.s32 $0xFFFFFD88  }
0x11: {  	[spmem:s6] =	stream.linear.scatter [tilespmem:s10], [sflag:$0x2], $0x278, $0x38;
	[tilespmem:$0x2C50] =	vst v63  }
0x12: {  	_ =	swait.ge [sflag:s11], $0x278  }
0x13: {  	[sflag:s11] =	ssyncset.done $0x0  }
0x14: {  	[sflag:s11] =	ssyncadd.s32 $0xFFFFFD88  }
0x15: {  	[tilespmem:s12], [sflag:$0x2] =	stream.linear.gather [hbm4b:s2+s4], $0x50, $0x38;
	[tilespmem:$0x2C50] =	vst v63  }
0x16: {  	_ =	swait.ge [sflag:s11], $0x50  }
0x17: {  	[sflag:s11] =	ssyncset.done $0x0  }
0x18: {  	[sflag:s11] =	ssyncadd.s32 $0xFFFFFFB0  }
0x19: {  	[tilespmem:s4], [sflag:$0x2] =	stream.linear.gather [hbm4b:s7+s4], $0x2710, $0x38;
	[tilespmem:$0x2C50] =	vst v63  }
0x1a: {  	_ =	swait.ge [sflag:s11], $0x2710  }
0x1b: {  	[sflag:s11] =	ssyncset.done $0x0  }
0x1c: {  	[sflag:s11] =	ssyncadd.s32 $0xFFFFD8F0  }
0x1d: {  	s16 =	simm.s32 $0x0;
	[bflag:$0x0] =	sbarrier.arrive $0xFFFF  }
0x1e: {  	[spmem:s3] =	stream.indirect.scatter.add.f32 [tilespmem:s12], [sflag:$0x1], $0x1, s16, s13, $0xb8;
	[tilespmem:$0x2C50] =	vst v63  }
0x1f: {  	_ =	swait.ge [sflag:s14], $0x50  }
0x20: {  	s16 =	simm.s32 $0x140;
	[sflag:s14] =	ssyncset.done $0x0  }
.LBB2_2:
0x21: {  	s17 =	sshra.s32 s16, $0x2;
	[sflag:s14] =	ssyncadd.s32 $0xFFFFFFB0;
	p0 =	sne.s32 s16, $0x9B00  }
0x22: {  	[spmem:s3] =	stream.indirect.scatter.add.f32 [tilespmem:s12], [sflag:$0x1], $0x1, s17, s13, $0xb8;
	[tilespmem:$0x2C50] =	vst v63  }
.Ltmp0:
0x23: {  	_ = 	snop;
	(pc) =	sbr.rel @p0 .LBB2_2-.Ltmp0, $4  }
0x24: {  	_ = 	snop  }
0x25: {  	s16 =	sadd.s32 $0x140, s16  }
0x26: {  	_ =	swait.ge [sflag:s14], $0x50  }
0x27: {  	[sflag:s14] =	ssyncset.done $0x0  }
0x28: {  	[sflag:s14] =	ssyncadd.s32 $0xFFFFFFB0  }
0x29: {  	[bflag:$0x0] =	sbarrier.arrive $0xFFFF  }
0x2a: {  	[tilespmem:s10], [sflag:$0x2] =	stream.linear.gather [spmem:s6], $0x278, $0x38;
	[tilespmem:$0x2C50] =	vst v63  }
0x2b: {  	s15 =	sadd.s32 $0x1, s15;
	_ =	swait.ge [sflag:s11], $0x278  }
0x2c: {  	p0 =	sne.s32 s15, s9;
	[sflag:s11] =	ssyncset.done $0x0  }
.Ltmp1:
0x2d: {  	[sflag:s11] =	ssyncadd.s32 $0xFFFFFD88;
	(pc) =	sbr.rel @p0 .LBB2_1-.Ltmp1, $4  }
0x2e: {  	[hbm4b:s8+s4] =	stream.linear.scatter [tilespmem:s10], [sflag:$0x2], $0x278, $0x38;
	[tilespmem:$0x2C50] =	vst v63  }
0x2f: {  	_ =	swait.ge [sflag:s11], $0x278  }
0x30: {  	[sflag:s11] =	ssyncset.done $0x0  }
0x31: {  	[sflag:s11] =	ssyncadd.s32 $0xFFFFFD88  }
0x32: {  	_ =	sfence.sel $0x180000  }
0x33: {  	[bflag:$0x0] =	sbarrier.arrive $0xFFFF  }
0x34: {  	p0 =	sne.s32 s0, $0x0;
	_ =	strace $0x90000047  }
0x35: {  	s0 =	sadd.s32 @!p0 $0x100000, s1;
	[bflag:$0x2] =	sbarrier.arrive $0xFFFF  }
0x36: {  	[sflag:s0] =	ssyncadd.tile.s32 @!p0 $0x1;
	_ =	shalt  }
.Lfunc_end2:
_tile_overlayer_lowered:
.L_overlay_start_2:
0x37: {  	(tag) =	ssettag $0x2  }
0x38: {  	s0 =	rddreg [dreg:$0x0];
	s2 =	stileid.u32  }
0x39: {  	s1 =	rddreg [dreg:$0x1];
	p0 =	sne.s32 s2, $0x0  }
0x3a: {  	s3 =	rddreg [dreg:$0x2];
	[bflag:$0x3] =	sbarrier.arrive $0xFFFF;
	s2 =	simm.s32 @!p0 $0x1C02  }
0x3b: {  	[timem:s3], [sflag:s2] =	dma.local @!p0 [hbm:s0], s1  }
0x3c: {  	s0 =	simm.s32 @!p0 $0x2  }
0x3d: {  	_ =	swait.ge @!p0 [sflag:s0], s1  }
0x3e: {  	s1 =	ssub.s32 @!p0 $0x0, s1;
	[sflag:s0] =	ssyncset.done @!p0 $0x0  }
0x3f: {  	[sflag:s0] =	ssyncadd.s32 @!p0 s1  }
0x40: {  	[bflag:$0x3] =	sbarrier.arrive $0xFFFF  }
0x41: {  	_ =	shalt  }

</sc_bundles>
